<compile_context>
chip_gen: v7x
topology: tpu7x:2x2x1
jax: 0.10.2.dev20260603
libtpu: 0.0.44.dev20260713+nightly
codegen_flags: <defaults>
</compile_context>

<pallas_src>
import dataclasses
import functools

import jax
import jax.numpy as jnp
from jax import lax
from jax.experimental import pallas as pl
from jax.experimental.pallas import tpu as pltpu
from jax.experimental.pallas import tpu_sc as plsc

RADIUS2 = 0.1 * 0.1
NSAMPLE = 64
B, S, N = 4, 1024, 16384
W = 16
NWORDS = N // W
ROWS = B * S
S_TILE = 256
NC = 2048
NWC = NC // W

NUM_WORKERS = 32
RB = 16
POSCAP = 96
BUF = 64 + 16 * W


def _pack_kernel(q_ref, p_ref, a_ref, out_ref):
    q = q_ref[0]
    p = p_ref[0]
    qx, qy, qz = q[:, 0:1], q[:, 1:2], q[:, 2:3]
    px, py, pz = p[0:1, :], p[1:2, :], p[2:3, :]
    q2 = qx * qx + qy * qy + qz * qz
    p2 = px * px + py * py + pz * pz
    qb = q[:, 0:8].astype(jnp.bfloat16)
    pb = p.astype(jnp.bfloat16)
    qp = jnp.dot(qb, pb, preferred_element_type=jnp.float32)
    d2 = q2 + p2 - 2.0 * qp
    m = (d2 < RADIUS2).astype(jnp.bfloat16)
    w = jnp.dot(m, a_ref[...], preferred_element_type=jnp.float32)
    out_ref[0] = w.astype(jnp.int32)


def _pack_one(q, p, a):
    grid = (S // S_TILE, N // NC)
    out = pl.pallas_call(
        _pack_kernel,
        grid=grid,
        in_specs=[
            pl.BlockSpec((1, S_TILE, 128), lambda s, c: (0, s, 0)),
            pl.BlockSpec((1, 8, NC), lambda s, c: (0, 0, c)),
            pl.BlockSpec((NC, NWC), lambda s, c: (0, 0)),
        ],
        out_specs=pl.BlockSpec((1, S_TILE, NWC), lambda s, c: (0, s, c)),
        out_shape=jax.ShapeDtypeStruct((1, S, NWORDS), jnp.int32),
    )(q, p, a)
    return out.reshape(S, NWORDS)


def _popcount16(w):
    x = w - ((w >> 1) & 0x5555)
    x = (x & 0x3333) + ((x >> 2) & 0x3333)
    x = (x + (x >> 4)) & 0x0F0F
    return (x + (x >> 8)) & 0x1F


def _select_body(rows_per, words_hbm, out_hbm, wv_ref, pos_ref, buf_ref,
                 outv_ref):
    cid = lax.axis_index("c")
    sid = lax.axis_index("s")
    wid = sid * 2 + cid
    base = wid * rows_per
    iota = lax.iota(jnp.int32, 16)

    def blk_body(blk, carry0):
        row0 = base + blk * RB
        pltpu.sync_copy(words_hbm.at[pl.ds(row0, RB)], wv_ref)

        def row_body(r, carry):
            rowv = jnp.full((16,), r, jnp.int32)

            def g_body(g, pcnt):
                wvec = plsc.load_gather(wv_ref, [rowv, g * 16 + iota])
                nz = wvec != 0
                plsc.store_compressed(pos_ref.at[pl.ds(pcnt, 16)],
                                      g * 16 + iota, mask=nz)
                return pcnt + jnp.max(plsc.all_reduce_population_count(nz))

            pcnt = lax.fori_loop(0, NWORDS // 16, g_body, 0)
            npos = jnp.minimum(pcnt, POSCAP)

            def b_cond(st):
                t, cnt = st
                return (t * 16 < npos) & (cnt < NSAMPLE)

            def b_body(st):
                t, cnt = st
                lanes = t * 16 + iota
                posv = plsc.load_gather(pos_ref, [lanes])
                lanemask = lanes < npos
                posv = jnp.where(lanemask, posv, 0)
                wordv = plsc.load_gather(wv_ref, [rowv, posv])
                wordv = jnp.where(lanemask, wordv, 0)
                pc = _popcount16(wordv)
                incl = plsc.cumsum(pc)
                slot = cnt + incl - pc
                pbase = posv * W
                for b in range(W):
                    a = (wordv >> b) & 1
                    plsc.store_scatter(buf_ref, [slot], pbase + b,
                                       mask=a == 1)
                    slot = slot + a
                return (t + 1, cnt + jnp.max(incl))

            _, count = lax.while_loop(b_cond, b_body, (0, 0))

            v0 = buf_ref[pl.ds(0, 16)]
            first_raw = jnp.sum(jnp.where(iota == 0, v0, 0))
            first = jnp.where(count > 0, first_raw, 0)
            for t in range(NSAMPLE // 16):
                vt = buf_ref[pl.ds(t * 16, 16)]
                slotv = t * 16 + iota
                plsc.store_scatter(outv_ref, [rowv, slotv],
                                   jnp.where(slotv < count, vt, first))
            return carry

        lax.fori_loop(0, RB, row_body, 0)
        pltpu.sync_copy(outv_ref, out_hbm.at[pl.ds(row0, RB)])
        return carry0

    lax.fori_loop(0, rows_per // RB, blk_body, 0)


def _select(words):
    rows = words.shape[0]
    mesh = plsc.VectorSubcoreMesh(core_axis_name="c", subcore_axis_name="s")
    cp = pltpu.CompilerParams()
    if "needs_layout_passes" in pltpu.CompilerParams.__dataclass_fields__:
        cp = dataclasses.replace(cp, needs_layout_passes=False)
    f = pl.kernel(
        functools.partial(_select_body, rows // NUM_WORKERS),
        out_type=jax.ShapeDtypeStruct((rows, NSAMPLE), jnp.int32),
        mesh=mesh,
        scratch_types=[
            pltpu.VMEM((RB, NWORDS), jnp.int32),
            pltpu.VMEM((NWORDS + 16,), jnp.int32),
            pltpu.VMEM((BUF,), jnp.int32),
            pltpu.VMEM((RB, NSAMPLE), jnp.int32),
        ],
        compiler_params=cp,
    )
    return f(words)


def _prep(new_xyz, xyz):
    q = jnp.pad(new_xyz, ((0, 0), (0, 0), (0, 128 - 3)))
    p = jnp.pad(xyz.transpose(0, 2, 1), ((0, 0), (0, 8 - 3), (0, 0)))
    ii = jnp.arange(NC, dtype=jnp.int32)
    a = jnp.where(
        (ii[:, None] // W) == jnp.arange(NWC, dtype=jnp.int32)[None, :],
        jnp.exp2(jnp.float32(ii[:, None] % W)), 0.0).astype(jnp.bfloat16)
    return q, p, a


@jax.jit
def kernel(new_xyz, xyz):
    q, p, a = _prep(new_xyz, xyz)
    outs = []
    for b in range(B):
        words = _pack_one(q[b:b + 1], p[b:b + 1], a)
        outs.append(_select(words))
    return jnp.stack(outs).reshape(B, S, NSAMPLE)

# --- scband reference (transcript-rebuilt; emitter-appended) ---
"""Pipeline reference for scband-my-model-46256797778100 (READ-ONLY COPY).

The authoritative reference and input builder live on the scoring server;
editing this copy changes nothing except your own understanding.
"""

import jax, jax.numpy as jnp
import numpy as np

RADIUS = 0.1
NSAMPLE = 64


def setup_inputs(seed: int = 0) -> dict:
    key = jax.random.key(seed)
    k1, k2 = jax.random.split(key)
    new_xyz = jax.random.uniform(k1, (4, 1024, 3), dtype=jnp.float32)
    xyz = jax.random.uniform(k2, (4, 16384, 3), dtype=jnp.float32)
    return {"new_xyz": new_xyz, "xyz": xyz}


def reference(new_xyz, xyz):
    # Ball query (PointNet++ semantics): for each query point in new_xyz,
    # return the indices of the first NSAMPLE points in xyz that lie within
    # RADIUS; remaining slots are padded with the first found index.
    B, S, _ = new_xyz.shape
    N = xyz.shape[1]
    # Pairwise squared distances via the |a|^2 + |b|^2 - 2 a.b expansion
    # (matmul-heavy, avoids materializing the [B,S,N,3] diff tensor).
    q2 = jnp.sum(new_xyz * new_xyz, axis=-1)[:, :, None]          # [B, S, 1]
    p2 = jnp.sum(xyz * xyz, axis=-1)[:, None, :]                  # [B, 1, N]
    qp = jnp.einsum('bsd,bnd->bsn', new_xyz, xyz)                 # [B, S, N]
    dist2 = q2 + p2 - 2.0 * qp                                    # [B, S, N]
    mask = dist2 < (RADIUS * RADIUS)
    # Encode point index where within-radius, sentinel N otherwise;
    # the first NSAMPLE valid indices (in ascending index order == the CUDA
    # kernel's scan order) are the NSAMPLE smallest entries of `order`.
    idx_row = jnp.arange(N, dtype=jnp.int32)[None, None, :]
    order = jnp.where(mask, idx_row, jnp.int32(N))                # [B, S, N]
    neg_top, _ = jax.lax.top_k(-order, NSAMPLE)                   # largest of -order
    sel = -neg_top                                                # ascending smallest indices
    first = sel[..., 0:1]
    first = jnp.where(first == N, jnp.int32(0), first)            # no neighbor -> 0
    inds = jnp.where(sel == N, first, sel)                        # pad with first found index
    return inds.astype(jnp.int32)                                 # [B, S, NSAMPLE]

if __name__ == "__main__":
    import jax
    _d = setup_inputs()
    print(jax.jit(kernel)(*tuple(_d.values())))

</pallas_src>

<mosaic_0001>
#map = affine_map<(d0, d1) -> (0, 0)>
module attributes {stable_mosaic.version = 14 : i64} {
  func.func @_select_body(%arg0: i32, %arg1: i32, %arg2: memref<1024x1024xi32, #tpu.memory_space<hbm>>, %arg3: memref<1024x64xi32, #tpu.memory_space<hbm>>, %arg4: memref<16x1024xi32, #tpu.memory_space<vmem>>, %arg5: memref<1040xi32, #tpu.memory_space<vmem>>, %arg6: memref<320xi32, #tpu.memory_space<vmem>>, %arg7: memref<16x64xi32, #tpu.memory_space<vmem>>) attributes {dimension_semantics = [#tpu.dimension_semantics<core_parallel>, #tpu.dimension_semantics<subcore_parallel>], iteration_bounds = array<i64: 2, 16>, scalar_prefetch = 0 : i64, scratch_operands = 4 : i64, tpu.core_type = #tpu.core_type<sc_vector_subcore>, window_params = [{transform_indices = #map}, {transform_indices = #map}]} {
    %mul3A = arith.constant 2 : i32
    %mul3A_0 = arith.muli %arg1, %mul3A : i32
    %add3A = arith.addi %mul3A_0, %arg0 : i32
    %mul3A_1 = arith.constant 32 : i32
    %mul3A_2 = arith.muli %add3A, %mul3A_1 : i32
    %iota3A = tpu.iota {dimensions = array<i32: 0>} : vector<16xi32>
    %scan3A = arith.constant 0 : i32
    %scan3A_3 = arith.constant 0 : i32
    %scan3A_4 = arith.constant 2 : i32
    %scan3A_5 = arith.addi %scan3A_3, %scan3A_4 : i32
    %scan3A_6 = arith.constant 1 : i32
    scf.for %scan3A_8 = %scan3A_3 to %scan3A_5 step %scan3A_6  : i32 {
      %mul3A_9 = arith.constant 16 : i32
      %mul3A_10 = arith.muli %scan3A_8, %mul3A_9 : i32
      %add3A_11 = arith.addi %mul3A_2, %mul3A_10 : i32
      "tpu.region"() ({
        %run_scoped3A = tpu.sem_alloc : memref<!tpu.dma_semaphore, #tpu.memory_space<semaphore_mem>>
        %dma_start3A = arith.constant 0 : i32
        %dma_start3A_18 = tpu.memref_slice %arg2[%add3A_11, %dma_start3A] : memref<1024x1024xi32, #tpu.memory_space<hbm>> -> memref<16x1024xi32, #tpu.memory_space<hbm>>
        %dma_start3A_19 = arith.constant 0 : i32
        %dma_start3A_20 = tpu.memref_slice %arg2[%add3A_11, %dma_start3A_19] : memref<1024x1024xi32, #tpu.memory_space<hbm>> -> memref<16x1024xi32, #tpu.memory_space<hbm>>
        tpu.enqueue_dma source(%dma_start3A_20 : memref<16x1024xi32, #tpu.memory_space<hbm>>) target(%arg4 : memref<16x1024xi32, #tpu.memory_space<vmem>>) target_semaphore(%run_scoped3A : memref<!tpu.dma_semaphore, #tpu.memory_space<semaphore_mem>>)
        %dma_wait3A = arith.constant 0 : i32
        %dma_wait3A_21 = tpu.memref_slice %arg2[%add3A_11, %dma_wait3A] : memref<1024x1024xi32, #tpu.memory_space<hbm>> -> memref<16x1024xi32, #tpu.memory_space<hbm>>
        %dma_wait3A_22 = arith.constant 0 : i32
        %dma_wait3A_23 = tpu.memref_slice %arg2[%add3A_11, %dma_wait3A_22] : memref<1024x1024xi32, #tpu.memory_space<hbm>> -> memref<16x1024xi32, #tpu.memory_space<hbm>>
        tpu.wait_dma2 semaphore(%run_scoped3A : memref<!tpu.dma_semaphore, #tpu.memory_space<semaphore_mem>>) src(%dma_wait3A_23 : memref<16x1024xi32, #tpu.memory_space<hbm>>) dst(%arg4 : memref<16x1024xi32, #tpu.memory_space<vmem>>)
        tpu.yield
      }) : () -> ()
      %scan3A_12 = arith.constant 0 : i32
      %scan3A_13 = arith.constant 0 : i32
      %scan3A_14 = arith.constant 16 : i32
      %scan3A_15 = arith.addi %scan3A_13, %scan3A_14 : i32
      %scan3A_16 = arith.constant 1 : i32
      scf.for %scan3A_18 = %scan3A_13 to %scan3A_15 step %scan3A_16  : i32 {
        %broadcast_in_dim3A = vector.broadcast %scan3A_18 : i32 to vector<16xi32>
        %scan3A_19 = arith.constant 0 : i32
        %scan3A_20 = arith.constant 0 : i32
        %scan3A_21 = arith.constant 64 : i32
        %scan3A_22 = arith.addi %scan3A_20, %scan3A_21 : i32
        %scan3A_23 = arith.constant 1 : i32
        %scan3A_24 = scf.for %scan3A_74 = %scan3A_20 to %scan3A_22 step %scan3A_23 iter_args(%scan3A_75 = %scan3A_19) -> (i32)  : i32 {
          %mul3A_76 = arith.constant 16 : i32
          %mul3A_77 = arith.muli %scan3A_74, %mul3A_76 : i32
          %add3A_78 = vector.broadcast %mul3A_77 : i32 to vector<16xi32>
          %add3A_79 = arith.addi %add3A_78, %iota3A : vector<16xi32>
          %gather3A = tpu.vector_load_idx %arg4[%broadcast_in_dim3A, %add3A_79] : memref<16x1024xi32, #tpu.memory_space<vmem>>[vector<16xi32>, vector<16xi32>], vector<16xi32>,
          %ne3A = arith.constant 0 : i32
          %ne3A_80 = vector.broadcast %ne3A : i32 to vector<16xi32>
          %ne3A_81 = arith.cmpi ne, %gather3A, %ne3A_80 : vector<16xi32>
          %mul3A_82 = arith.constant 16 : i32
          %mul3A_83 = arith.muli %scan3A_74, %mul3A_82 : i32
          %add3A_84 = vector.broadcast %mul3A_83 : i32 to vector<16xi32>
          %add3A_85 = arith.addi %add3A_84, %iota3A : vector<16xi32>
          %swap3A = arith.index_cast %scan3A_75 : i32 to index
          %swap3A_86 = tpu.vector_load %arg5[%swap3A] masked %ne3A_81 {strides = array<i32>} : memref<1040xi32, #tpu.memory_space<vmem>>, vector<16xi32>, vector<16xi1>
          tpu.vector_store %arg5[%swap3A], %add3A_85 masked %ne3A_81 {strides = array<i32>} : memref<1040xi32, #tpu.memory_space<vmem>>, vector<16xi32>, vector<16xi1>
          %all_reduce_population_count3A = tpu.all_reduce %ne3A_81 {dim = 0 : i64, kind = #tpu.reduction_kind<sum>} : vector<16xi1> -> vector<16xi32>
          %reduce_max3A = arith.constant true
          %reduce_max3A_87 = vector.broadcast %reduce_max3A : i1 to vector<16xi1>
          %reduce_max3A_88 = arith.constant -2147483648 : i32
          %reduce_max3A_89 = vector.broadcast %reduce_max3A_88 : i32 to vector<16xi32>
          %reduce_max3A_90 = arith.xori %all_reduce_population_count3A, %reduce_max3A_89 : vector<16xi32>
          %reduce_max3A_91 = tpu.scan <max>, %reduce_max3A_90 masked %reduce_max3A_87 : vector<16xi32>, vector<16xi1> -> vector<16xi32>
          %reduce_max3A_92 = arith.xori %reduce_max3A_91, %reduce_max3A_89 : vector<16xi32>
          %reduce_max3A_93 = vector.extract %reduce_max3A_92[15] : i32 from vector<16xi32>
          %add3A_94 = arith.addi %scan3A_75, %reduce_max3A_93 : i32
          scf.yield %add3A_94 : i32
        }
        %scan3A_25 = arith.constant 64 : i32
        %min3A = arith.constant 96 : i32
        %min3A_26 = arith.minsi %scan3A_24, %min3A : i32
        %while3A = arith.constant 0 : i32
        %while3A_27 = arith.constant 0 : i32
        %while3A_28:2 = scf.while (%while3A_74 = %while3A, %while3A_75 = %while3A_27) : (i32, i32) -> (i32, i32) {
          %mul3A_76 = arith.constant 16 : i32
          %mul3A_77 = arith.muli %while3A_74, %mul3A_76 : i32
          %lt3A_78 = arith.cmpi slt, %mul3A_77, %min3A_26 : i32
          %lt3A_79 = arith.constant 64 : i32
          %lt3A_80 = arith.cmpi slt, %while3A_75, %lt3A_79 : i32
          %and3A = arith.andi %lt3A_78, %lt3A_80 : i1
          scf.condition(%and3A) %while3A_74, %while3A_75 : i32, i32
        } do {
        ^bb0(%while3A_74: i32, %while3A_75: i32):
          %mul3A_76 = arith.constant 16 : i32
          %mul3A_77 = arith.muli %while3A_74, %mul3A_76 : i32
          %add3A_78 = vector.broadcast %mul3A_77 : i32 to vector<16xi32>
          %add3A_79 = arith.addi %add3A_78, %iota3A : vector<16xi32>
          %gather3A = tpu.vector_load_idx %arg5[%add3A_79] : memref<1040xi32, #tpu.memory_space<vmem>>[vector<16xi32>], vector<16xi32>,
          %lt3A_80 = vector.broadcast %min3A_26 : i32 to vector<16xi32>
          %lt3A_81 = arith.cmpi slt, %add3A_79, %lt3A_80 : vector<16xi32>
          %jit3A_82 = arith.constant 0 : i32
          %broadcast_in_dim3A_83 = vector.broadcast %jit3A_82 : i32 to vector<16xi32>
          %select_n3A_84 = arith.select %lt3A_81, %gather3A, %broadcast_in_dim3A_83 : vector<16xi1>, vector<16xi32>
          %gather3A_85 = tpu.vector_load_idx %arg4[%broadcast_in_dim3A, %select_n3A_84] : memref<16x1024xi32, #tpu.memory_space<vmem>>[vector<16xi32>, vector<16xi32>], vector<16xi32>,
          %jit3A_86 = arith.constant 0 : i32
          %broadcast_in_dim3A_87 = vector.broadcast %jit3A_86 : i32 to vector<16xi32>
          %select_n3A_88 = arith.select %lt3A_81, %gather3A_85, %broadcast_in_dim3A_87 : vector<16xi1>, vector<16xi32>
          %shift_right_arithmetic3A = arith.constant 1 : i32
          %shift_right_arithmetic3A_89 = vector.broadcast %shift_right_arithmetic3A : i32 to vector<16xi32>
          %shift_right_arithmetic3A_90 = arith.shrsi %select_n3A_88, %shift_right_arithmetic3A_89 : vector<16xi32>
          %and3A = arith.constant 21845 : i32
          %and3A_91 = vector.broadcast %and3A : i32 to vector<16xi32>
          %and3A_92 = arith.andi %shift_right_arithmetic3A_90, %and3A_91 : vector<16xi32>
          %sub3A = arith.subi %select_n3A_88, %and3A_92 : vector<16xi32>
          %and3A_93 = arith.constant 13107 : i32
          %and3A_94 = vector.broadcast %and3A_93 : i32 to vector<16xi32>
          %and3A_95 = arith.andi %sub3A, %and3A_94 : vector<16xi32>
          %shift_right_arithmetic3A_96 = arith.constant 2 : i32
          %shift_right_arithmetic3A_97 = vector.broadcast %shift_right_arithmetic3A_96 : i32 to vector<16xi32>
          %shift_right_arithmetic3A_98 = arith.shrsi %sub3A, %shift_right_arithmetic3A_97 : vector<16xi32>
          %and3A_99 = arith.constant 13107 : i32
          %and3A_100 = vector.broadcast %and3A_99 : i32 to vector<16xi32>
          %and3A_101 = arith.andi %shift_right_arithmetic3A_98, %and3A_100 : vector<16xi32>
          %add3A_102 = arith.addi %and3A_95, %and3A_101 : vector<16xi32>
          %shift_right_arithmetic3A_103 = arith.constant 4 : i32
          %shift_right_arithmetic3A_104 = vector.broadcast %shift_right_arithmetic3A_103 : i32 to vector<16xi32>
          %shift_right_arithmetic3A_105 = arith.shrsi %add3A_102, %shift_right_arithmetic3A_104 : vector<16xi32>
          %add3A_106 = arith.addi %add3A_102, %shift_right_arithmetic3A_105 : vector<16xi32>
          %and3A_107 = arith.constant 3855 : i32
          %and3A_108 = vector.broadcast %and3A_107 : i32 to vector<16xi32>
          %and3A_109 = arith.andi %add3A_106, %and3A_108 : vector<16xi32>
          %shift_right_arithmetic3A_110 = arith.constant 8 : i32
          %shift_right_arithmetic3A_111 = vector.broadcast %shift_right_arithmetic3A_110 : i32 to vector<16xi32>
          %shift_right_arithmetic3A_112 = arith.shrsi %and3A_109, %shift_right_arithmetic3A_111 : vector<16xi32>
          %add3A_113 = arith.addi %and3A_109, %shift_right_arithmetic3A_112 : vector<16xi32>
          %and3A_114 = arith.constant 31 : i32
          %and3A_115 = vector.broadcast %and3A_114 : i32 to vector<16xi32>
          %and3A_116 = arith.andi %add3A_113, %and3A_115 : vector<16xi32>
          %broadcast_in_dim3A_117 = arith.constant true
          %broadcast_in_dim3A_118 = vector.broadcast %broadcast_in_dim3A_117 : i1 to vector<16xi1>
          %masked_cumsum3A = tpu.scan <sum>, %and3A_116 masked %broadcast_in_dim3A_118 : vector<16xi32>, vector<16xi1> -> vector<16xi32>
          %add3A_119 = vector.broadcast %while3A_75 : i32 to vector<16xi32>
          %add3A_120 = arith.addi %add3A_119, %masked_cumsum3A : vector<16xi32>
          %sub3A_121 = arith.subi %add3A_120, %and3A_116 : vector<16xi32>
          %mul3A_122 = arith.constant 16 : i32
          %mul3A_123 = vector.broadcast %mul3A_122 : i32 to vector<16xi32>
          %mul3A_124 = arith.muli %select_n3A_84, %mul3A_123 : vector<16xi32>
          %shift_right_arithmetic3A_125 = arith.constant 0 : i32
          %shift_right_arithmetic3A_126 = vector.broadcast %shift_right_arithmetic3A_125 : i32 to vector<16xi32>
          %shift_right_arithmetic3A_127 = arith.shrsi %select_n3A_88, %shift_right_arithmetic3A_126 : vector<16xi32>
          %and3A_128 = arith.constant 1 : i32
          %and3A_129 = vector.broadcast %and3A_128 : i32 to vector<16xi32>
          %and3A_130 = arith.andi %shift_right_arithmetic3A_127, %and3A_129 : vector<16xi32>
          %add3A_131 = arith.constant 0 : i32
          %add3A_132 = vector.broadcast %add3A_131 : i32 to vector<16xi32>
          %add3A_133 = arith.addi %mul3A_124, %add3A_132 : vector<16xi32>
          %eq3A_134 = arith.constant 1 : i32
          %eq3A_135 = vector.broadcast %eq3A_134 : i32 to vector<16xi32>
          %eq3A_136 = arith.cmpi eq, %and3A_130, %eq3A_135 : vector<16xi32>
          tpu.vector_store_idx %arg6[%sub3A_121], %add3A_133 masked %eq3A_136 : memref<320xi32, #tpu.memory_space<vmem>>[vector<16xi32>], vector<16xi32>, vector<16xi1>
          %add3A_137 = arith.addi %sub3A_121, %and3A_130 : vector<16xi32>
          %shift_right_arithmetic3A_138 = arith.constant 1 : i32
          %shift_right_arithmetic3A_139 = vector.broadcast %shift_right_arithmetic3A_138 : i32 to vector<16xi32>
          %shift_right_arithmetic3A_140 = arith.shrsi %select_n3A_88, %shift_right_arithmetic3A_139 : vector<16xi32>
          %and3A_141 = arith.constant 1 : i32
          %and3A_142 = vector.broadcast %and3A_141 : i32 to vector<16xi32>
          %and3A_143 = arith.andi %shift_right_arithmetic3A_140, %and3A_142 : vector<16xi32>
          %add3A_144 = arith.constant 1 : i32
          %add3A_145 = vector.broadcast %add3A_144 : i32 to vector<16xi32>
          %add3A_146 = arith.addi %mul3A_124, %add3A_145 : vector<16xi32>
          %eq3A_147 = arith.constant 1 : i32
          %eq3A_148 = vector.broadcast %eq3A_147 : i32 to vector<16xi32>
          %eq3A_149 = arith.cmpi eq, %and3A_143, %eq3A_148 : vector<16xi32>
          tpu.vector_store_idx %arg6[%add3A_137], %add3A_146 masked %eq3A_149 : memref<320xi32, #tpu.memory_space<vmem>>[vector<16xi32>], vector<16xi32>, vector<16xi1>
          %add3A_150 = arith.addi %add3A_137, %and3A_143 : vector<16xi32>
          %shift_right_arithmetic3A_151 = arith.constant 2 : i32
          %shift_right_arithmetic3A_152 = vector.broadcast %shift_right_arithmetic3A_151 : i32 to vector<16xi32>
          %shift_right_arithmetic3A_153 = arith.shrsi %select_n3A_88, %shift_right_arithmetic3A_152 : vector<16xi32>
          %and3A_154 = arith.constant 1 : i32
          %and3A_155 = vector.broadcast %and3A_154 : i32 to vector<16xi32>
          %and3A_156 = arith.andi %shift_right_arithmetic3A_153, %and3A_155 : vector<16xi32>
          %add3A_157 = arith.constant 2 : i32
          %add3A_158 = vector.broadcast %add3A_157 : i32 to vector<16xi32>
          %add3A_159 = arith.addi %mul3A_124, %add3A_158 : vector<16xi32>
          %eq3A_160 = arith.constant 1 : i32
          %eq3A_161 = vector.broadcast %eq3A_160 : i32 to vector<16xi32>
          %eq3A_162 = arith.cmpi eq, %and3A_156, %eq3A_161 : vector<16xi32>
          tpu.vector_store_idx %arg6[%add3A_150], %add3A_159 masked %eq3A_162 : memref<320xi32, #tpu.memory_space<vmem>>[vector<16xi32>], vector<16xi32>, vector<16xi1>
          %add3A_163 = arith.addi %add3A_150, %and3A_156 : vector<16xi32>
          %shift_right_arithmetic3A_164 = arith.constant 3 : i32
          %shift_right_arithmetic3A_165 = vector.broadcast %shift_right_arithmetic3A_164 : i32 to vector<16xi32>
          %shift_right_arithmetic3A_166 = arith.shrsi %select_n3A_88, %shift_right_arithmetic3A_165 : vector<16xi32>
          %and3A_167 = arith.constant 1 : i32
          %and3A_168 = vector.broadcast %and3A_167 : i32 to vector<16xi32>
          %and3A_169 = arith.andi %shift_right_arithmetic3A_166, %and3A_168 : vector<16xi32>
          %add3A_170 = arith.constant 3 : i32
          %add3A_171 = vector.broadcast %add3A_170 : i32 to vector<16xi32>
          %add3A_172 = arith.addi %mul3A_124, %add3A_171 : vector<16xi32>
          %eq3A_173 = arith.constant 1 : i32
          %eq3A_174 = vector.broadcast %eq3A_173 : i32 to vector<16xi32>
          %eq3A_175 = arith.cmpi eq, %and3A_169, %eq3A_174 : vector<16xi32>
          tpu.vector_store_idx %arg6[%add3A_163], %add3A_172 masked %eq3A_175 : memref<320xi32, #tpu.memory_space<vmem>>[vector<16xi32>], vector<16xi32>, vector<16xi1>
          %add3A_176 = arith.addi %add3A_163, %and3A_169 : vector<16xi32>
          %shift_right_arithmetic3A_177 = arith.constant 4 : i32
          %shift_right_arithmetic3A_178 = vector.broadcast %shift_right_arithmetic3A_177 : i32 to vector<16xi32>
          %shift_right_arithmetic3A_179 = arith.shrsi %select_n3A_88, %shift_right_arithmetic3A_178 : vector<16xi32>
          %and3A_180 = arith.constant 1 : i32
          %and3A_181 = vector.broadcast %and3A_180 : i32 to vector<16xi32>
          %and3A_182 = arith.andi %shift_right_arithmetic3A_179, %and3A_181 : vector<16xi32>
          %add3A_183 = arith.constant 4 : i32
          %add3A_184 = vector.broadcast %add3A_183 : i32 to vector<16xi32>
          %add3A_185 = arith.addi %mul3A_124, %add3A_184 : vector<16xi32>
          %eq3A_186 = arith.constant 1 : i32
          %eq3A_187 = vector.broadcast %eq3A_186 : i32 to vector<16xi32>
          %eq3A_188 = arith.cmpi eq, %and3A_182, %eq3A_187 : vector<16xi32>
          tpu.vector_store_idx %arg6[%add3A_176], %add3A_185 masked %eq3A_188 : memref<320xi32, #tpu.memory_space<vmem>>[vector<16xi32>], vector<16xi32>, vector<16xi1>
          %add3A_189 = arith.addi %add3A_176, %and3A_182 : vector<16xi32>
          %shift_right_arithmetic3A_190 = arith.constant 5 : i32
          %shift_right_arithmetic3A_191 = vector.broadcast %shift_right_arithmetic3A_190 : i32 to vector<16xi32>
          %shift_right_arithmetic3A_192 = arith.shrsi %select_n3A_88, %shift_right_arithmetic3A_191 : vector<16xi32>
          %and3A_193 = arith.constant 1 : i32
          %and3A_194 = vector.broadcast %and3A_193 : i32 to vector<16xi32>
          %and3A_195 = arith.andi %shift_right_arithmetic3A_192, %and3A_194 : vector<16xi32>
          %add3A_196 = arith.constant 5 : i32
          %add3A_197 = vector.broadcast %add3A_196 : i32 to vector<16xi32>
          %add3A_198 = arith.addi %mul3A_124, %add3A_197 : vector<16xi32>
          %eq3A_199 = arith.constant 1 : i32
          %eq3A_200 = vector.broadcast %eq3A_199 : i32 to vector<16xi32>
          %eq3A_201 = arith.cmpi eq, %and3A_195, %eq3A_200 : vector<16xi32>
          tpu.vector_store_idx %arg6[%add3A_189], %add3A_198 masked %eq3A_201 : memref<320xi32, #tpu.memory_space<vmem>>[vector<16xi32>], vector<16xi32>, vector<16xi1>
          %add3A_202 = arith.addi %add3A_189, %and3A_195 : vector<16xi32>
          %shift_right_arithmetic3A_203 = arith.constant 6 : i32
          %shift_right_arithmetic3A_204 = vector.broadcast %shift_right_arithmetic3A_203 : i32 to vector<16xi32>
          %shift_right_arithmetic3A_205 = arith.shrsi %select_n3A_88, %shift_right_arithmetic3A_204 : vector<16xi32>
          %and3A_206 = arith.constant 1 : i32
          %and3A_207 = vector.broadcast %and3A_206 : i32 to vector<16xi32>
          %and3A_208 = arith.andi %shift_right_arithmetic3A_205, %and3A_207 : vector<16xi32>
          %add3A_209 = arith.constant 6 : i32
          %add3A_210 = vector.broadcast %add3A_209 : i32 to vector<16xi32>
          %add3A_211 = arith.addi %mul3A_124, %add3A_210 : vector<16xi32>
          %eq3A_212 = arith.constant 1 : i32
          %eq3A_213 = vector.broadcast %eq3A_212 : i32 to vector<16xi32>
          %eq3A_214 = arith.cmpi eq, %and3A_208, %eq3A_213 : vector<16xi32>
          tpu.vector_store_idx %arg6[%add3A_202], %add3A_211 masked %eq3A_214 : memref<320xi32, #tpu.memory_space<vmem>>[vector<16xi32>], vector<16xi32>, vector<16xi1>
          %add3A_215 = arith.addi %add3A_202, %and3A_208 : vector<16xi32>
          %shift_right_arithmetic3A_216 = arith.constant 7 : i32
          %shift_right_arithmetic3A_217 = vector.broadcast %shift_right_arithmetic3A_216 : i32 to vector<16xi32>
          %shift_right_arithmetic3A_218 = arith.shrsi %select_n3A_88, %shift_right_arithmetic3A_217 : vector<16xi32>
          %and3A_219 = arith.constant 1 : i32
          %and3A_220 = vector.broadcast %and3A_219 : i32 to vector<16xi32>
          %and3A_221 = arith.andi %shift_right_arithmetic3A_218, %and3A_220 : vector<16xi32>
          %add3A_222 = arith.constant 7 : i32
          %add3A_223 = vector.broadcast %add3A_222 : i32 to vector<16xi32>
          %add3A_224 = arith.addi %mul3A_124, %add3A_223 : vector<16xi32>
          %eq3A_225 = arith.constant 1 : i32
          %eq3A_226 = vector.broadcast %eq3A_225 : i32 to vector<16xi32>
          %eq3A_227 = arith.cmpi eq, %and3A_221, %eq3A_226 : vector<16xi32>
          tpu.vector_store_idx %arg6[%add3A_215], %add3A_224 masked %eq3A_227 : memref<320xi32, #tpu.memory_space<vmem>>[vector<16xi32>], vector<16xi32>, vector<16xi1>
          %add3A_228 = arith.addi %add3A_215, %and3A_221 : vector<16xi32>
          %shift_right_arithmetic3A_229 = arith.constant 8 : i32
          %shift_right_arithmetic3A_230 = vector.broadcast %shift_right_arithmetic3A_229 : i32 to vector<16xi32>
          %shift_right_arithmetic3A_231 = arith.shrsi %select_n3A_88, %shift_right_arithmetic3A_230 : vector<16xi32>
          %and3A_232 = arith.constant 1 : i32
          %and3A_233 = vector.broadcast %and3A_232 : i32 to vector<16xi32>
          %and3A_234 = arith.andi %shift_right_arithmetic3A_231, %and3A_233 : vector<16xi32>
          %add3A_235 = arith.constant 8 : i32
          %add3A_236 = vector.broadcast %add3A_235 : i32 to vector<16xi32>
          %add3A_237 = arith.addi %mul3A_124, %add3A_236 : vector<16xi32>
          %eq3A_238 = arith.constant 1 : i32
          %eq3A_239 = vector.broadcast %eq3A_238 : i32 to vector<16xi32>
          %eq3A_240 = arith.cmpi eq, %and3A_234, %eq3A_239 : vector<16xi32>
          tpu.vector_store_idx %arg6[%add3A_228], %add3A_237 masked %eq3A_240 : memref<320xi32, #tpu.memory_space<vmem>>[vector<16xi32>], vector<16xi32>, vector<16xi1>
          %add3A_241 = arith.addi %add3A_228, %and3A_234 : vector<16xi32>
          %shift_right_arithmetic3A_242 = arith.constant 9 : i32
          %shift_right_arithmetic3A_243 = vector.broadcast %shift_right_arithmetic3A_242 : i32 to vector<16xi32>
          %shift_right_arithmetic3A_244 = arith.shrsi %select_n3A_88, %shift_right_arithmetic3A_243 : vector<16xi32>
          %and3A_245 = arith.constant 1 : i32
          %and3A_246 = vector.broadcast %and3A_245 : i32 to vector<16xi32>
          %and3A_247 = arith.andi %shift_right_arithmetic3A_244, %and3A_246 : vector<16xi32>
          %add3A_248 = arith.constant 9 : i32
          %add3A_249 = vector.broadcast %add3A_248 : i32 to vector<16xi32>
          %add3A_250 = arith.addi %mul3A_124, %add3A_249 : vector<16xi32>
          %eq3A_251 = arith.constant 1 : i32
          %eq3A_252 = vector.broadcast %eq3A_251 : i32 to vector<16xi32>
          %eq3A_253 = arith.cmpi eq, %and3A_247, %eq3A_252 : vector<16xi32>
          tpu.vector_store_idx %arg6[%add3A_241], %add3A_250 masked %eq3A_253 : memref<320xi32, #tpu.memory_space<vmem>>[vector<16xi32>], vector<16xi32>, vector<16xi1>
          %add3A_254 = arith.addi %add3A_241, %and3A_247 : vector<16xi32>
          %shift_right_arithmetic3A_255 = arith.constant 10 : i32
          %shift_right_arithmetic3A_256 = vector.broadcast %shift_right_arithmetic3A_255 : i32 to vector<16xi32>
          %shift_right_arithmetic3A_257 = arith.shrsi %select_n3A_88, %shift_right_arithmetic3A_256 : vector<16xi32>
          %and3A_258 = arith.constant 1 : i32
          %and3A_259 = vector.broadcast %and3A_258 : i32 to vector<16xi32>
          %and3A_260 = arith.andi %shift_right_arithmetic3A_257, %and3A_259 : vector<16xi32>
          %add3A_261 = arith.constant 10 : i32
          %add3A_262 = vector.broadcast %add3A_261 : i32 to vector<16xi32>
          %add3A_263 = arith.addi %mul3A_124, %add3A_262 : vector<16xi32>
          %eq3A_264 = arith.constant 1 : i32
          %eq3A_265 = vector.broadcast %eq3A_264 : i32 to vector<16xi32>
          %eq3A_266 = arith.cmpi eq, %and3A_260, %eq3A_265 : vector<16xi32>
          tpu.vector_store_idx %arg6[%add3A_254], %add3A_263 masked %eq3A_266 : memref<320xi32, #tpu.memory_space<vmem>>[vector<16xi32>], vector<16xi32>, vector<16xi1>
          %add3A_267 = arith.addi %add3A_254, %and3A_260 : vector<16xi32>
          %shift_right_arithmetic3A_268 = arith.constant 11 : i32
          %shift_right_arithmetic3A_269 = vector.broadcast %shift_right_arithmetic3A_268 : i32 to vector<16xi32>
          %shift_right_arithmetic3A_270 = arith.shrsi %select_n3A_88, %shift_right_arithmetic3A_269 : vector<16xi32>
          %and3A_271 = arith.constant 1 : i32
          %and3A_272 = vector.broadcast %and3A_271 : i32 to vector<16xi32>
          %and3A_273 = arith.andi %shift_right_arithmetic3A_270, %and3A_272 : vector<16xi32>
          %add3A_274 = arith.constant 11 : i32
          %add3A_275 = vector.broadcast %add3A_274 : i32 to vector<16xi32>
          %add3A_276 = arith.addi %mul3A_124, %add3A_275 : vector<16xi32>
          %eq3A_277 = arith.constant 1 : i32
          %eq3A_278 = vector.broadcast %eq3A_277 : i32 to vector<16xi32>
          %eq3A_279 = arith.cmpi eq, %and3A_273, %eq3A_278 : vector<16xi32>
          tpu.vector_store_idx %arg6[%add3A_267], %add3A_276 masked %eq3A_279 : memref<320xi32, #tpu.memory_space<vmem>>[vector<16xi32>], vector<16xi32>, vector<16xi1>
          %add3A_280 = arith.addi %add3A_267, %and3A_273 : vector<16xi32>
          %shift_right_arithmetic3A_281 = arith.constant 12 : i32
          %shift_right_arithmetic3A_282 = vector.broadcast %shift_right_arithmetic3A_281 : i32 to vector<16xi32>
          %shift_right_arithmetic3A_283 = arith.shrsi %select_n3A_88, %shift_right_arithmetic3A_282 : vector<16xi32>
          %and3A_284 = arith.constant 1 : i32
          %and3A_285 = vector.broadcast %and3A_284 : i32 to vector<16xi32>
          %and3A_286 = arith.andi %shift_right_arithmetic3A_283, %and3A_285 : vector<16xi32>
          %add3A_287 = arith.constant 12 : i32
          %add3A_288 = vector.broadcast %add3A_287 : i32 to vector<16xi32>
          %add3A_289 = arith.addi %mul3A_124, %add3A_288 : vector<16xi32>
          %eq3A_290 = arith.constant 1 : i32
          %eq3A_291 = vector.broadcast %eq3A_290 : i32 to vector<16xi32>
          %eq3A_292 = arith.cmpi eq, %and3A_286, %eq3A_291 : vector<16xi32>
          tpu.vector_store_idx %arg6[%add3A_280], %add3A_289 masked %eq3A_292 : memref<320xi32, #tpu.memory_space<vmem>>[vector<16xi32>], vector<16xi32>, vector<16xi1>
          %add3A_293 = arith.addi %add3A_280, %and3A_286 : vector<16xi32>
          %shift_right_arithmetic3A_294 = arith.constant 13 : i32
          %shift_right_arithmetic3A_295 = vector.broadcast %shift_right_arithmetic3A_294 : i32 to vector<16xi32>
          %shift_right_arithmetic3A_296 = arith.shrsi %select_n3A_88, %shift_right_arithmetic3A_295 : vector<16xi32>
          %and3A_297 = arith.constant 1 : i32
          %and3A_298 = vector.broadcast %and3A_297 : i32 to vector<16xi32>
          %and3A_299 = arith.andi %shift_right_arithmetic3A_296, %and3A_298 : vector<16xi32>
          %add3A_300 = arith.constant 13 : i32
          %add3A_301 = vector.broadcast %add3A_300 : i32 to vector<16xi32>
          %add3A_302 = arith.addi %mul3A_124, %add3A_301 : vector<16xi32>
          %eq3A_303 = arith.constant 1 : i32
          %eq3A_304 = vector.broadcast %eq3A_303 : i32 to vector<16xi32>
          %eq3A_305 = arith.cmpi eq, %and3A_299, %eq3A_304 : vector<16xi32>
          tpu.vector_store_idx %arg6[%add3A_293], %add3A_302 masked %eq3A_305 : memref<320xi32, #tpu.memory_space<vmem>>[vector<16xi32>], vector<16xi32>, vector<16xi1>
          %add3A_306 = arith.addi %add3A_293, %and3A_299 : vector<16xi32>
          %shift_right_arithmetic3A_307 = arith.constant 14 : i32
          %shift_right_arithmetic3A_308 = vector.broadcast %shift_right_arithmetic3A_307 : i32 to vector<16xi32>
          %shift_right_arithmetic3A_309 = arith.shrsi %select_n3A_88, %shift_right_arithmetic3A_308 : vector<16xi32>
          %and3A_310 = arith.constant 1 : i32
          %and3A_311 = vector.broadcast %and3A_310 : i32 to vector<16xi32>
          %and3A_312 = arith.andi %shift_right_arithmetic3A_309, %and3A_311 : vector<16xi32>
          %add3A_313 = arith.constant 14 : i32
          %add3A_314 = vector.broadcast %add3A_313 : i32 to vector<16xi32>
          %add3A_315 = arith.addi %mul3A_124, %add3A_314 : vector<16xi32>
          %eq3A_316 = arith.constant 1 : i32
          %eq3A_317 = vector.broadcast %eq3A_316 : i32 to vector<16xi32>
          %eq3A_318 = arith.cmpi eq, %and3A_312, %eq3A_317 : vector<16xi32>
          tpu.vector_store_idx %arg6[%add3A_306], %add3A_315 masked %eq3A_318 : memref<320xi32, #tpu.memory_space<vmem>>[vector<16xi32>], vector<16xi32>, vector<16xi1>
          %add3A_319 = arith.addi %add3A_306, %and3A_312 : vector<16xi32>
          %shift_right_arithmetic3A_320 = arith.constant 15 : i32
          %shift_right_arithmetic3A_321 = vector.broadcast %shift_right_arithmetic3A_320 : i32 to vector<16xi32>
          %shift_right_arithmetic3A_322 = arith.shrsi %select_n3A_88, %shift_right_arithmetic3A_321 : vector<16xi32>
          %and3A_323 = arith.constant 1 : i32
          %and3A_324 = vector.broadcast %and3A_323 : i32 to vector<16xi32>
          %and3A_325 = arith.andi %shift_right_arithmetic3A_322, %and3A_324 : vector<16xi32>
          %add3A_326 = arith.constant 15 : i32
          %add3A_327 = vector.broadcast %add3A_326 : i32 to vector<16xi32>
          %add3A_328 = arith.addi %mul3A_124, %add3A_327 : vector<16xi32>
          %eq3A_329 = arith.constant 1 : i32
          %eq3A_330 = vector.broadcast %eq3A_329 : i32 to vector<16xi32>
          %eq3A_331 = arith.cmpi eq, %and3A_325, %eq3A_330 : vector<16xi32>
          tpu.vector_store_idx %arg6[%add3A_319], %add3A_328 masked %eq3A_331 : memref<320xi32, #tpu.memory_space<vmem>>[vector<16xi32>], vector<16xi32>, vector<16xi1>
          %add3A_332 = arith.addi %add3A_319, %and3A_325 : vector<16xi32>
          %add3A_333 = arith.constant 1 : i32
          %add3A_334 = arith.addi %while3A_74, %add3A_333 : i32
          %reduce_max3A = arith.constant true
          %reduce_max3A_335 = vector.broadcast %reduce_max3A : i1 to vector<16xi1>
          %reduce_max3A_336 = arith.constant -2147483648 : i32
          %reduce_max3A_337 = vector.broadcast %reduce_max3A_336 : i32 to vector<16xi32>
          %reduce_max3A_338 = arith.xori %masked_cumsum3A, %reduce_max3A_337 : vector<16xi32>
          %reduce_max3A_339 = tpu.scan <max>, %reduce_max3A_338 masked %reduce_max3A_335 : vector<16xi32>, vector<16xi1> -> vector<16xi32>
          %reduce_max3A_340 = arith.xori %reduce_max3A_339, %reduce_max3A_337 : vector<16xi32>
          %reduce_max3A_341 = vector.extract %reduce_max3A_340[15] : i32 from vector<16xi32>
          %add3A_342 = arith.addi %while3A_75, %reduce_max3A_341 : i32
          scf.yield %add3A_334, %add3A_342 : i32, i32
        }
        %get3A = arith.constant 0 : index
        %get3A_29 = tpu.vector_load %arg6[%get3A] {strides = array<i32>} : memref<320xi32, #tpu.memory_space<vmem>>, vector<16xi32>,
        %eq3A = arith.constant 0 : i32
        %eq3A_30 = vector.broadcast %eq3A : i32 to vector<16xi32>
        %eq3A_31 = arith.cmpi eq, %iota3A, %eq3A_30 : vector<16xi32>
        %jit3A = arith.constant 0 : i32
        %broadcast_in_dim3A_32 = vector.broadcast %jit3A : i32 to vector<16xi32>
        %select_n3A = arith.select %eq3A_31, %get3A_29, %broadcast_in_dim3A_32 : vector<16xi1>, vector<16xi32>
        %reduce_sum3A = arith.constant true
        %reduce_sum3A_33 = vector.broadcast %reduce_sum3A : i1 to vector<16xi1>
        %reduce_sum3A_34 = tpu.scan <sum>, %select_n3A masked %reduce_sum3A_33 : vector<16xi32>, vector<16xi1> -> vector<16xi32>
        %reduce_sum3A_35 = vector.extract %reduce_sum3A_34[15] : i32 from vector<16xi32>
        %gt3A = arith.constant 0 : i32
        %gt3A_36 = arith.cmpi sgt, %while3A_28#1, %gt3A : i32
        %jit3A_37 = arith.constant 0 : i32
        %select_n3A_38 = arith.select %gt3A_36, %reduce_sum3A_35, %jit3A_37 : i32
        %get3A_39 = arith.constant 0 : index
        %get3A_40 = tpu.vector_load %arg6[%get3A_39] {strides = array<i32>} : memref<320xi32, #tpu.memory_space<vmem>>, vector<16xi32>,
        %add3A_41 = arith.constant 0 : i32
        %add3A_42 = vector.broadcast %add3A_41 : i32 to vector<16xi32>
        %add3A_43 = arith.addi %add3A_42, %iota3A : vector<16xi32>
        %lt3A = vector.broadcast %while3A_28#1 : i32 to vector<16xi32>
        %lt3A_44 = arith.cmpi slt, %add3A_43, %lt3A : vector<16xi32>
        %broadcast_in_dim3A_45 = vector.broadcast %select_n3A_38 : i32 to vector<16xi32>
        %select_n3A_46 = arith.select %lt3A_44, %get3A_40, %broadcast_in_dim3A_45 : vector<16xi1>, vector<16xi32>
        tpu.vector_store_idx %arg7[%broadcast_in_dim3A, %add3A_43], %select_n3A_46 : memref<16x64xi32, #tpu.memory_space<vmem>>[vector<16xi32>, vector<16xi32>], vector<16xi32>,
        %get3A_47 = arith.constant 16 : index
        %get3A_48 = tpu.vector_load %arg6[%get3A_47] {strides = array<i32>} : memref<320xi32, #tpu.memory_space<vmem>>, vector<16xi32>,
        %add3A_49 = arith.constant 16 : i32
        %add3A_50 = vector.broadcast %add3A_49 : i32 to vector<16xi32>
        %add3A_51 = arith.addi %add3A_50, %iota3A : vector<16xi32>
        %lt3A_52 = vector.broadcast %while3A_28#1 : i32 to vector<16xi32>
        %lt3A_53 = arith.cmpi slt, %add3A_51, %lt3A_52 : vector<16xi32>
        %broadcast_in_dim3A_54 = vector.broadcast %select_n3A_38 : i32 to vector<16xi32>
        %select_n3A_55 = arith.select %lt3A_53, %get3A_48, %broadcast_in_dim3A_54 : vector<16xi1>, vector<16xi32>
        tpu.vector_store_idx %arg7[%broadcast_in_dim3A, %add3A_51], %select_n3A_55 : memref<16x64xi32, #tpu.memory_space<vmem>>[vector<16xi32>, vector<16xi32>], vector<16xi32>,
        %get3A_56 = arith.constant 32 : index
        %get3A_57 = tpu.vector_load %arg6[%get3A_56] {strides = array<i32>} : memref<320xi32, #tpu.memory_space<vmem>>, vector<16xi32>,
        %add3A_58 = arith.constant 32 : i32
        %add3A_59 = vector.broadcast %add3A_58 : i32 to vector<16xi32>
        %add3A_60 = arith.addi %add3A_59, %iota3A : vector<16xi32>
        %lt3A_61 = vector.broadcast %while3A_28#1 : i32 to vector<16xi32>
        %lt3A_62 = arith.cmpi slt, %add3A_60, %lt3A_61 : vector<16xi32>
        %broadcast_in_dim3A_63 = vector.broadcast %select_n3A_38 : i32 to vector<16xi32>
        %select_n3A_64 = arith.select %lt3A_62, %get3A_57, %broadcast_in_dim3A_63 : vector<16xi1>, vector<16xi32>
        tpu.vector_store_idx %arg7[%broadcast_in_dim3A, %add3A_60], %select_n3A_64 : memref<16x64xi32, #tpu.memory_space<vmem>>[vector<16xi32>, vector<16xi32>], vector<16xi32>,
        %get3A_65 = arith.constant 48 : index
        %get3A_66 = tpu.vector_load %arg6[%get3A_65] {strides = array<i32>} : memref<320xi32, #tpu.memory_space<vmem>>, vector<16xi32>,
        %add3A_67 = arith.constant 48 : i32
        %add3A_68 = vector.broadcast %add3A_67 : i32 to vector<16xi32>
        %add3A_69 = arith.addi %add3A_68, %iota3A : vector<16xi32>
        %lt3A_70 = vector.broadcast %while3A_28#1 : i32 to vector<16xi32>
        %lt3A_71 = arith.cmpi slt, %add3A_69, %lt3A_70 : vector<16xi32>
        %broadcast_in_dim3A_72 = vector.broadcast %select_n3A_38 : i32 to vector<16xi32>
        %select_n3A_73 = arith.select %lt3A_71, %get3A_66, %broadcast_in_dim3A_72 : vector<16xi1>, vector<16xi32>
        tpu.vector_store_idx %arg7[%broadcast_in_dim3A, %add3A_69], %select_n3A_73 : memref<16x64xi32, #tpu.memory_space<vmem>>[vector<16xi32>, vector<16xi32>], vector<16xi32>,
      }
      %scan3A_17 = arith.constant 16 : i32
      "tpu.region"() ({
        %run_scoped3A = tpu.sem_alloc : memref<!tpu.dma_semaphore, #tpu.memory_space<semaphore_mem>>
        %dma_start3A = arith.constant 0 : i32
        %dma_start3A_18 = tpu.memref_slice %arg3[%add3A_11, %dma_start3A] : memref<1024x64xi32, #tpu.memory_space<hbm>> -> memref<16x64xi32, #tpu.memory_space<hbm>>
        %dma_start3A_19 = arith.constant 0 : i32
        %dma_start3A_20 = tpu.memref_slice %arg3[%add3A_11, %dma_start3A_19] : memref<1024x64xi32, #tpu.memory_space<hbm>> -> memref<16x64xi32, #tpu.memory_space<hbm>>
        tpu.enqueue_dma source(%arg7 : memref<16x64xi32, #tpu.memory_space<vmem>>) target(%dma_start3A_20 : memref<16x64xi32, #tpu.memory_space<hbm>>) target_semaphore(%run_scoped3A : memref<!tpu.dma_semaphore, #tpu.memory_space<semaphore_mem>>)
        %dma_wait3A = arith.constant 0 : i32
        %dma_wait3A_21 = tpu.memref_slice %arg3[%add3A_11, %dma_wait3A] : memref<1024x64xi32, #tpu.memory_space<hbm>> -> memref<16x64xi32, #tpu.memory_space<hbm>>
        %dma_wait3A_22 = arith.constant 0 : i32
        %dma_wait3A_23 = tpu.memref_slice %arg3[%add3A_11, %dma_wait3A_22] : memref<1024x64xi32, #tpu.memory_space<hbm>> -> memref<16x64xi32, #tpu.memory_space<hbm>>
        tpu.wait_dma2 semaphore(%run_scoped3A : memref<!tpu.dma_semaphore, #tpu.memory_space<semaphore_mem>>) src(%arg7 : memref<16x64xi32, #tpu.memory_space<vmem>>) dst(%dma_wait3A_23 : memref<16x64xi32, #tpu.memory_space<hbm>>)
        tpu.yield
      }) : () -> ()
    }
    %scan3A_7 = arith.constant 2 : i32
    return
  }
}

#map = affine_map<(d0, d1) -> (0, 0)>
module attributes {stable_mosaic.version = 14 : i64} {
  func.func @_select_body(%arg0: i32, %arg1: i32, %arg2: memref<1024x1024xi32, #tpu.memory_space<hbm>>, %arg3: memref<1024x64xi32, #tpu.memory_space<hbm>>, %arg4: memref<16x1024xi32, #tpu.memory_space<vmem>>, %arg5: memref<1040xi32, #tpu.memory_space<vmem>>, %arg6: memref<320xi32, #tpu.memory_space<vmem>>, %arg7: memref<16x64xi32, #tpu.memory_space<vmem>>) attributes {dimension_semantics = [#tpu.dimension_semantics<core_parallel>, #tpu.dimension_semantics<subcore_parallel>], iteration_bounds = array<i64: 2, 16>, scalar_prefetch = 0 : i64, scratch_operands = 4 : i64, tpu.core_type = #tpu.core_type<sc_vector_subcore>, window_params = [{transform_indices = #map}, {transform_indices = #map}]} {
    %mul3A = arith.constant 2 : i32
    %mul3A_0 = arith.muli %arg1, %mul3A : i32
    %add3A = arith.addi %mul3A_0, %arg0 : i32
    %mul3A_1 = arith.constant 32 : i32
    %mul3A_2 = arith.muli %add3A, %mul3A_1 : i32
    %iota3A = tpu.iota {dimensions = array<i32: 0>} : vector<16xi32>
    %scan3A = arith.constant 0 : i32
    %scan3A_3 = arith.constant 0 : i32
    %scan3A_4 = arith.constant 2 : i32
    %scan3A_5 = arith.addi %scan3A_3, %scan3A_4 : i32
    %scan3A_6 = arith.constant 1 : i32
    scf.for %scan3A_8 = %scan3A_3 to %scan3A_5 step %scan3A_6  : i32 {
      %mul3A_9 = arith.constant 16 : i32
      %mul3A_10 = arith.muli %scan3A_8, %mul3A_9 : i32
      %add3A_11 = arith.addi %mul3A_2, %mul3A_10 : i32
      "tpu.region"() ({
        %run_scoped3A = tpu.sem_alloc : memref<!tpu.dma_semaphore, #tpu.memory_space<semaphore_mem>>
        %dma_start3A = arith.constant 0 : i32
        %dma_start3A_18 = tpu.memref_slice %arg2[%add3A_11, %dma_start3A] : memref<1024x1024xi32, #tpu.memory_space<hbm>> -> memref<16x1024xi32, #tpu.memory_space<hbm>>
        %dma_start3A_19 = arith.constant 0 : i32
        %dma_start3A_20 = tpu.memref_slice %arg2[%add3A_11, %dma_start3A_19] : memref<1024x1024xi32, #tpu.memory_space<hbm>> -> memref<16x1024xi32, #tpu.memory_space<hbm>>
        tpu.enqueue_dma source(%dma_start3A_20 : memref<16x1024xi32, #tpu.memory_space<hbm>>) target(%arg4 : memref<16x1024xi32, #tpu.memory_space<vmem>>) target_semaphore(%run_scoped3A : memref<!tpu.dma_semaphore, #tpu.memory_space<semaphore_mem>>)
        %dma_wait3A = arith.constant 0 : i32
        %dma_wait3A_21 = tpu.memref_slice %arg2[%add3A_11, %dma_wait3A] : memref<1024x1024xi32, #tpu.memory_space<hbm>> -> memref<16x1024xi32, #tpu.memory_space<hbm>>
        %dma_wait3A_22 = arith.constant 0 : i32
        %dma_wait3A_23 = tpu.memref_slice %arg2[%add3A_11, %dma_wait3A_22] : memref<1024x1024xi32, #tpu.memory_space<hbm>> -> memref<16x1024xi32, #tpu.memory_space<hbm>>
        tpu.wait_dma2 semaphore(%run_scoped3A : memref<!tpu.dma_semaphore, #tpu.memory_space<semaphore_mem>>) src(%dma_wait3A_23 : memref<16x1024xi32, #tpu.memory_space<hbm>>) dst(%arg4 : memref<16x1024xi32, #tpu.memory_space<vmem>>)
        tpu.yield
      }) : () -> ()
      %scan3A_12 = arith.constant 0 : i32
      %scan3A_13 = arith.constant 0 : i32
      %scan3A_14 = arith.constant 16 : i32
      %scan3A_15 = arith.addi %scan3A_13, %scan3A_14 : i32
      %scan3A_16 = arith.constant 1 : i32
      scf.for %scan3A_18 = %scan3A_13 to %scan3A_15 step %scan3A_16  : i32 {
        %broadcast_in_dim3A = vector.broadcast %scan3A_18 : i32 to vector<16xi32>
        %scan3A_19 = arith.constant 0 : i32
        %scan3A_20 = arith.constant 0 : i32
        %scan3A_21 = arith.constant 64 : i32
        %scan3A_22 = arith.addi %scan3A_20, %scan3A_21 : i32
        %scan3A_23 = arith.constant 1 : i32
        %scan3A_24 = scf.for %scan3A_74 = %scan3A_20 to %scan3A_22 step %scan3A_23 iter_args(%scan3A_75 = %scan3A_19) -> (i32)  : i32 {
          %mul3A_76 = arith.constant 16 : i32
          %mul3A_77 = arith.muli %scan3A_74, %mul3A_76 : i32
          %add3A_78 = vector.broadcast %mul3A_77 : i32 to vector<16xi32>
          %add3A_79 = arith.addi %add3A_78, %iota3A : vector<16xi32>
          %gather3A = tpu.vector_load_idx %arg4[%broadcast_in_dim3A, %add3A_79] : memref<16x1024xi32, #tpu.memory_space<vmem>>[vector<16xi32>, vector<16xi32>], vector<16xi32>,
          %ne3A = arith.constant 0 : i32
          %ne3A_80 = vector.broadcast %ne3A : i32 to vector<16xi32>
          %ne3A_81 = arith.cmpi ne, %gather3A, %ne3A_80 : vector<16xi32>
          %mul3A_82 = arith.constant 16 : i32
          %mul3A_83 = arith.muli %scan3A_74, %mul3A_82 : i32
          %add3A_84 = vector.broadcast %mul3A_83 : i32 to vector<16xi32>
          %add3A_85 = arith.addi %add3A_84, %iota3A : vector<16xi32>
          %swap3A = arith.index_cast %scan3A_75 : i32 to index
          %swap3A_86 = tpu.vector_load %arg5[%swap3A] masked %ne3A_81 {strides = array<i32>} : memref<1040xi32, #tpu.memory_space<vmem>>, vector<16xi32>, vector<16xi1>
          tpu.vector_store %arg5[%swap3A], %add3A_85 masked %ne3A_81 {strides = array<i32>} : memref<1040xi32, #tpu.memory_space<vmem>>, vector<16xi32>, vector<16xi1>
          %all_reduce_population_count3A = tpu.all_reduce %ne3A_81 {dim = 0 : i64, kind = #tpu.reduction_kind<sum>} : vector<16xi1> -> vector<16xi32>
          %reduce_max3A = arith.constant true
          %reduce_max3A_87 = vector.broadcast %reduce_max3A : i1 to vector<16xi1>
          %reduce_max3A_88 = arith.constant -2147483648 : i32
          %reduce_max3A_89 = vector.broadcast %reduce_max3A_88 : i32 to vector<16xi32>
          %reduce_max3A_90 = arith.xori %all_reduce_population_count3A, %reduce_max3A_89 : vector<16xi32>
          %reduce_max3A_91 = tpu.scan <max>, %reduce_max3A_90 masked %reduce_max3A_87 : vector<16xi32>, vector<16xi1> -> vector<16xi32>
          %reduce_max3A_92 = arith.xori %reduce_max3A_91, %reduce_max3A_89 : vector<16xi32>
          %reduce_max3A_93 = vector.extract %reduce_max3A_92[15] : i32 from vector<16xi32>
          %add3A_94 = arith.addi %scan3A_75, %reduce_max3A_93 : i32
          scf.yield %add3A_94 : i32
        }
        %scan3A_25 = arith.constant 64 : i32
        %min3A = arith.constant 96 : i32
        %min3A_26 = arith.minsi %scan3A_24, %min3A : i32
        %while3A = arith.constant 0 : i32
        %while3A_27 = arith.constant 0 : i32
        %while3A_28:2 = scf.while (%while3A_74 = %while3A, %while3A_75 = %while3A_27) : (i32, i32) -> (i32, i32) {
          %mul3A_76 = arith.constant 16 : i32
          %mul3A_77 = arith.muli %while3A_74, %mul3A_76 : i32
          %lt3A_78 = arith.cmpi slt, %mul3A_77, %min3A_26 : i32
          %lt3A_79 = arith.constant 64 : i32
          %lt3A_80 = arith.cmpi slt, %while3A_75, %lt3A_79 : i32
          %and3A = arith.andi %lt3A_78, %lt3A_80 : i1
          scf.condition(%and3A) %while3A_74, %while3A_75 : i32, i32
        } do {
        ^bb0(%while3A_74: i32, %while3A_75: i32):
          %mul3A_76 = arith.constant 16 : i32
          %mul3A_77 = arith.muli %while3A_74, %mul3A_76 : i32
          %add3A_78 = vector.broadcast %mul3A_77 : i32 to vector<16xi32>
          %add3A_79 = arith.addi %add3A_78, %iota3A : vector<16xi32>
          %gather3A = tpu.vector_load_idx %arg5[%add3A_79] : memref<1040xi32, #tpu.memory_space<vmem>>[vector<16xi32>], vector<16xi32>,
          %lt3A_80 = vector.broadcast %min3A_26 : i32 to vector<16xi32>
          %lt3A_81 = arith.cmpi slt, %add3A_79, %lt3A_80 : vector<16xi32>
          %jit3A_82 = arith.constant 0 : i32
          %broadcast_in_dim3A_83 = vector.broadcast %jit3A_82 : i32 to vector<16xi32>
          %select_n3A_84 = arith.select %lt3A_81, %gather3A, %broadcast_in_dim3A_83 : vector<16xi1>, vector<16xi32>
          %gather3A_85 = tpu.vector_load_idx %arg4[%broadcast_in_dim3A, %select_n3A_84] : memref<16x1024xi32, #tpu.memory_space<vmem>>[vector<16xi32>, vector<16xi32>], vector<16xi32>,
          %jit3A_86 = arith.constant 0 : i32
          %broadcast_in_dim3A_87 = vector.broadcast %jit3A_86 : i32 to vector<16xi32>
          %select_n3A_88 = arith.select %lt3A_81, %gather3A_85, %broadcast_in_dim3A_87 : vector<16xi1>, vector<16xi32>
          %shift_right_arithmetic3A = arith.constant 1 : i32
          %shift_right_arithmetic3A_89 = vector.broadcast %shift_right_arithmetic3A : i32 to vector<16xi32>
          %shift_right_arithmetic3A_90 = arith.shrsi %select_n3A_88, %shift_right_arithmetic3A_89 : vector<16xi32>
          %and3A = arith.constant 21845 : i32
          %and3A_91 = vector.broadcast %and3A : i32 to vector<16xi32>
          %and3A_92 = arith.andi %shift_right_arithmetic3A_90, %and3A_91 : vector<16xi32>
          %sub3A = arith.subi %select_n3A_88, %and3A_92 : vector<16xi32>
          %and3A_93 = arith.constant 13107 : i32
          %and3A_94 = vector.broadcast %and3A_93 : i32 to vector<16xi32>
          %and3A_95 = arith.andi %sub3A, %and3A_94 : vector<16xi32>
          %shift_right_arithmetic3A_96 = arith.constant 2 : i32
          %shift_right_arithmetic3A_97 = vector.broadcast %shift_right_arithmetic3A_96 : i32 to vector<16xi32>
          %shift_right_arithmetic3A_98 = arith.shrsi %sub3A, %shift_right_arithmetic3A_97 : vector<16xi32>
          %and3A_99 = arith.constant 13107 : i32
          %and3A_100 = vector.broadcast %and3A_99 : i32 to vector<16xi32>
          %and3A_101 = arith.andi %shift_right_arithmetic3A_98, %and3A_100 : vector<16xi32>
          %add3A_102 = arith.addi %and3A_95, %and3A_101 : vector<16xi32>
          %shift_right_arithmetic3A_103 = arith.constant 4 : i32
          %shift_right_arithmetic3A_104 = vector.broadcast %shift_right_arithmetic3A_103 : i32 to vector<16xi32>
          %shift_right_arithmetic3A_105 = arith.shrsi %add3A_102, %shift_right_arithmetic3A_104 : vector<16xi32>
          %add3A_106 = arith.addi %add3A_102, %shift_right_arithmetic3A_105 : vector<16xi32>
          %and3A_107 = arith.constant 3855 : i32
          %and3A_108 = vector.broadcast %and3A_107 : i32 to vector<16xi32>
          %and3A_109 = arith.andi %add3A_106, %and3A_108 : vector<16xi32>
          %shift_right_arithmetic3A_110 = arith.constant 8 : i32
          %shift_right_arithmetic3A_111 = vector.broadcast %shift_right_arithmetic3A_110 : i32 to vector<16xi32>
          %shift_right_arithmetic3A_112 = arith.shrsi %and3A_109, %shift_right_arithmetic3A_111 : vector<16xi32>
          %add3A_113 = arith.addi %and3A_109, %shift_right_arithmetic3A_112 : vector<16xi32>
          %and3A_114 = arith.constant 31 : i32
          %and3A_115 = vector.broadcast %and3A_114 : i32 to vector<16xi32>
          %and3A_116 = arith.andi %add3A_113, %and3A_115 : vector<16xi32>
          %broadcast_in_dim3A_117 = arith.constant true
          %broadcast_in_dim3A_118 = vector.broadcast %broadcast_in_dim3A_117 : i1 to vector<16xi1>
          %masked_cumsum3A = tpu.scan <sum>, %and3A_116 masked %broadcast_in_dim3A_118 : vector<16xi32>, vector<16xi1> -> vector<16xi32>
          %add3A_119 = vector.broadcast %while3A_75 : i32 to vector<16xi32>
          %add3A_120 = arith.addi %add3A_119, %masked_cumsum3A : vector<16xi32>
          %sub3A_121 = arith.subi %add3A_120, %and3A_116 : vector<16xi32>
          %mul3A_122 = arith.constant 16 : i32
          %mul3A_123 = vector.broadcast %mul3A_122 : i32 to vector<16xi32>
          %mul3A_124 = arith.muli %select_n3A_84, %mul3A_123 : vector<16xi32>
          %shift_right_arithmetic3A_125 = arith.constant 0 : i32
          %shift_right_arithmetic3A_126 = vector.broadcast %shift_right_arithmetic3A_125 : i32 to vector<16xi32>
          %shift_right_arithmetic3A_127 = arith.shrsi %select_n3A_88, %shift_right_arithmetic3A_126 : vector<16xi32>
          %and3A_128 = arith.constant 1 : i32
          %and3A_129 = vector.broadcast %and3A_128 : i32 to vector<16xi32>
          %and3A_130 = arith.andi %shift_right_arithmetic3A_127, %and3A_129 : vector<16xi32>
          %add3A_131 = arith.constant 0 : i32
          %add3A_132 = vector.broadcast %add3A_131 : i32 to vector<16xi32>
          %add3A_133 = arith.addi %mul3A_124, %add3A_132 : vector<16xi32>
          %eq3A_134 = arith.constant 1 : i32
          %eq3A_135 = vector.broadcast %eq3A_134 : i32 to vector<16xi32>
          %eq3A_136 = arith.cmpi eq, %and3A_130, %eq3A_135 : vector<16xi32>
          tpu.vector_store_idx %arg6[%sub3A_121], %add3A_133 masked %eq3A_136 : memref<320xi32, #tpu.memory_space<vmem>>[vector<16xi32>], vector<16xi32>, vector<16xi1>
          %add3A_137 = arith.addi %sub3A_121, %and3A_130 : vector<16xi32>
          %shift_right_arithmetic3A_138 = arith.constant 1 : i32
          %shift_right_arithmetic3A_139 = vector.broadcast %shift_right_arithmetic3A_138 : i32 to vector<16xi32>
          %shift_right_arithmetic3A_140 = arith.shrsi %select_n3A_88, %shift_right_arithmetic3A_139 : vector<16xi32>
          %and3A_141 = arith.constant 1 : i32
          %and3A_142 = vector.broadcast %and3A_141 : i32 to vector<16xi32>
          %and3A_143 = arith.andi %shift_right_arithmetic3A_140, %and3A_142 : vector<16xi32>
          %add3A_144 = arith.constant 1 : i32
          %add3A_145 = vector.broadcast %add3A_144 : i32 to vector<16xi32>
          %add3A_146 = arith.addi %mul3A_124, %add3A_145 : vector<16xi32>
          %eq3A_147 = arith.constant 1 : i32
          %eq3A_148 = vector.broadcast %eq3A_147 : i32 to vector<16xi32>
          %eq3A_149 = arith.cmpi eq, %and3A_143, %eq3A_148 : vector<16xi32>
          tpu.vector_store_idx %arg6[%add3A_137], %add3A_146 masked %eq3A_149 : memref<320xi32, #tpu.memory_space<vmem>>[vector<16xi32>], vector<16xi32>, vector<16xi1>
          %add3A_150 = arith.addi %add3A_137, %and3A_143 : vector<16xi32>
          %shift_right_arithmetic3A_151 = arith.constant 2 : i32
          %shift_right_arithmetic3A_152 = vector.broadcast %shift_right_arithmetic3A_151 : i32 to vector<16xi32>
          %shift_right_arithmetic3A_153 = arith.shrsi %select_n3A_88, %shift_right_arithmetic3A_152 : vector<16xi32>
          %and3A_154 = arith.constant 1 : i32
          %and3A_155 = vector.broadcast %and3A_154 : i32 to vector<16xi32>
          %and3A_156 = arith.andi %shift_right_arithmetic3A_153, %and3A_155 : vector<16xi32>
          %add3A_157 = arith.constant 2 : i32
          %add3A_158 = vector.broadcast %add3A_157 : i32 to vector<16xi32>
          %add3A_159 = arith.addi %mul3A_124, %add3A_158 : vector<16xi32>
          %eq3A_160 = arith.constant 1 : i32
          %eq3A_161 = vector.broadcast %eq3A_160 : i32 to vector<16xi32>
          %eq3A_162 = arith.cmpi eq, %and3A_156, %eq3A_161 : vector<16xi32>
          tpu.vector_store_idx %arg6[%add3A_150], %add3A_159 masked %eq3A_162 : memref<320xi32, #tpu.memory_space<vmem>>[vector<16xi32>], vector<16xi32>, vector<16xi1>
          %add3A_163 = arith.addi %add3A_150, %and3A_156 : vector<16xi32>
          %shift_right_arithmetic3A_164 = arith.constant 3 : i32
          %shift_right_arithmetic3A_165 = vector.broadcast %shift_right_arithmetic3A_164 : i32 to vector<16xi32>
          %shift_right_arithmetic3A_166 = arith.shrsi %select_n3A_88, %shift_right_arithmetic3A_165 : vector<16xi32>
          %and3A_167 = arith.constant 1 : i32
          %and3A_168 = vector.broadcast %and3A_167 : i32 to vector<16xi32>
          %and3A_169 = arith.andi %shift_right_arithmetic3A_166, %and3A_168 : vector<16xi32>
          %add3A_170 = arith.constant 3 : i32
          %add3A_171 = vector.broadcast %add3A_170 : i32 to vector<16xi32>
          %add3A_172 = arith.addi %mul3A_124, %add3A_171 : vector<16xi32>
          %eq3A_173 = arith.constant 1 : i32
          %eq3A_174 = vector.broadcast %eq3A_173 : i32 to vector<16xi32>
          %eq3A_175 = arith.cmpi eq, %and3A_169, %eq3A_174 : vector<16xi32>
          tpu.vector_store_idx %arg6[%add3A_163], %add3A_172 masked %eq3A_175 : memref<320xi32, #tpu.memory_space<vmem>>[vector<16xi32>], vector<16xi32>, vector<16xi1>
          %add3A_176 = arith.addi %add3A_163, %and3A_169 : vector<16xi32>
          %shift_right_arithmetic3A_177 = arith.constant 4 : i32
          %shift_right_arithmetic3A_178 = vector.broadcast %shift_right_arithmetic3A_177 : i32 to vector<16xi32>
          %shift_right_arithmetic3A_179 = arith.shrsi %select_n3A_88, %shift_right_arithmetic3A_178 : vector<16xi32>
          %and3A_180 = arith.constant 1 : i32
          %and3A_181 = vector.broadcast %and3A_180 : i32 to vector<16xi32>
          %and3A_182 = arith.andi %shift_right_arithmetic3A_179, %and3A_181 : vector<16xi32>
          %add3A_183 = arith.constant 4 : i32
          %add3A_184 = vector.broadcast %add3A_183 : i32 to vector<16xi32>
          %add3A_185 = arith.addi %mul3A_124, %add3A_184 : vector<16xi32>
          %eq3A_186 = arith.constant 1 : i32
          %eq3A_187 = vector.broadcast %eq3A_186 : i32 to vector<16xi32>
          %eq3A_188 = arith.cmpi eq, %and3A_182, %eq3A_187 : vector<16xi32>
          tpu.vector_store_idx %arg6[%add3A_176], %add3A_185 masked %eq3A_188 : memref<320xi32, #tpu.memory_space<vmem>>[vector<16xi32>], vector<16xi32>, vector<16xi1>
          %add3A_189 = arith.addi %add3A_176, %and3A_182 : vector<16xi32>
          %shift_right_arithmetic3A_190 = arith.constant 5 : i32
          %shift_right_arithmetic3A_191 = vector.broadcast %shift_right_arithmetic3A_190 : i32 to vector<16xi32>
          %shift_right_arithmetic3A_192 = arith.shrsi %select_n3A_88, %shift_right_arithmetic3A_191 : vector<16xi32>
          %and3A_193 = arith.constant 1 : i32
          %and3A_194 = vector.broadcast %and3A_193 : i32 to vector<16xi32>
          %and3A_195 = arith.andi %shift_right_arithmetic3A_192, %and3A_194 : vector<16xi32>
          %add3A_196 = arith.constant 5 : i32
          %add3A_197 = vector.broadcast %add3A_196 : i32 to vector<16xi32>
          %add3A_198 = arith.addi %mul3A_124, %add3A_197 : vector<16xi32>
          %eq3A_199 = arith.constant 1 : i32
          %eq3A_200 = vector.broadcast %eq3A_199 : i32 to vector<16xi32>
          %eq3A_201 = arith.cmpi eq, %and3A_195, %eq3A_200 : vector<16xi32>
          tpu.vector_store_idx %arg6[%add3A_189], %add3A_198 masked %eq3A_201 : memref<320xi32, #tpu.memory_space<vmem>>[vector<16xi32>], vector<16xi32>, vector<16xi1>
          %add3A_202 = arith.addi %add3A_189, %and3A_195 : vector<16xi32>
          %shift_right_arithmetic3A_203 = arith.constant 6 : i32
          %shift_right_arithmetic3A_204 = vector.broadcast %shift_right_arithmetic3A_203 : i32 to vector<16xi32>
          %shift_right_arithmetic3A_205 = arith.shrsi %select_n3A_88, %shift_right_arithmetic3A_204 : vector<16xi32>
          %and3A_206 = arith.constant 1 : i32
          %and3A_207 = vector.broadcast %and3A_206 : i32 to vector<16xi32>
          %and3A_208 = arith.andi %shift_right_arithmetic3A_205, %and3A_207 : vector<16xi32>
          %add3A_209 = arith.constant 6 : i32
          %add3A_210 = vector.broadcast %add3A_209 : i32 to vector<16xi32>
          %add3A_211 = arith.addi %mul3A_124, %add3A_210 : vector<16xi32>
          %eq3A_212 = arith.constant 1 : i32
          %eq3A_213 = vector.broadcast %eq3A_212 : i32 to vector<16xi32>
          %eq3A_214 = arith.cmpi eq, %and3A_208, %eq3A_213 : vector<16xi32>
          tpu.vector_store_idx %arg6[%add3A_202], %add3A_211 masked %eq3A_214 : memref<320xi32, #tpu.memory_space<vmem>>[vector<16xi32>], vector<16xi32>, vector<16xi1>
          %add3A_215 = arith.addi %add3A_202, %and3A_208 : vector<16xi32>
          %shift_right_arithmetic3A_216 = arith.constant 7 : i32
          %shift_right_arithmetic3A_217 = vector.broadcast %shift_right_arithmetic3A_216 : i32 to vector<16xi32>
          %shift_right_arithmetic3A_218 = arith.shrsi %select_n3A_88, %shift_right_arithmetic3A_217 : vector<16xi32>
          %and3A_219 = arith.constant 1 : i32
          %and3A_220 = vector.broadcast %and3A_219 : i32 to vector<16xi32>
          %and3A_221 = arith.andi %shift_right_arithmetic3A_218, %and3A_220 : vector<16xi32>
          %add3A_222 = arith.constant 7 : i32
          %add3A_223 = vector.broadcast %add3A_222 : i32 to vector<16xi32>
          %add3A_224 = arith.addi %mul3A_124, %add3A_223 : vector<16xi32>
          %eq3A_225 = arith.constant 1 : i32
          %eq3A_226 = vector.broadcast %eq3A_225 : i32 to vector<16xi32>
          %eq3A_227 = arith.cmpi eq, %and3A_221, %eq3A_226 : vector<16xi32>
          tpu.vector_store_idx %arg6[%add3A_215], %add3A_224 masked %eq3A_227 : memref<320xi32, #tpu.memory_space<vmem>>[vector<16xi32>], vector<16xi32>, vector<16xi1>
          %add3A_228 = arith.addi %add3A_215, %and3A_221 : vector<16xi32>
          %shift_right_arithmetic3A_229 = arith.constant 8 : i32
          %shift_right_arithmetic3A_230 = vector.broadcast %shift_right_arithmetic3A_229 : i32 to vector<16xi32>
          %shift_right_arithmetic3A_231 = arith.shrsi %select_n3A_88, %shift_right_arithmetic3A_230 : vector<16xi32>
          %and3A_232 = arith.constant 1 : i32
          %and3A_233 = vector.broadcast %and3A_232 : i32 to vector<16xi32>
          %and3A_234 = arith.andi %shift_right_arithmetic3A_231, %and3A_233 : vector<16xi32>
          %add3A_235 = arith.constant 8 : i32
          %add3A_236 = vector.broadcast %add3A_235 : i32 to vector<16xi32>
          %add3A_237 = arith.addi %mul3A_124, %add3A_236 : vector<16xi32>
          %eq3A_238 = arith.constant 1 : i32
          %eq3A_239 = vector.broadcast %eq3A_238 : i32 to vector<16xi32>
          %eq3A_240 = arith.cmpi eq, %and3A_234, %eq3A_239 : vector<16xi32>
          tpu.vector_store_idx %arg6[%add3A_228], %add3A_237 masked %eq3A_240 : memref<320xi32, #tpu.memory_space<vmem>>[vector<16xi32>], vector<16xi32>, vector<16xi1>
          %add3A_241 = arith.addi %add3A_228, %and3A_234 : vector<16xi32>
          %shift_right_arithmetic3A_242 = arith.constant 9 : i32
          %shift_right_arithmetic3A_243 = vector.broadcast %shift_right_arithmetic3A_242 : i32 to vector<16xi32>
          %shift_right_arithmetic3A_244 = arith.shrsi %select_n3A_88, %shift_right_arithmetic3A_243 : vector<16xi32>
          %and3A_245 = arith.constant 1 : i32
          %and3A_246 = vector.broadcast %and3A_245 : i32 to vector<16xi32>
          %and3A_247 = arith.andi %shift_right_arithmetic3A_244, %and3A_246 : vector<16xi32>
          %add3A_248 = arith.constant 9 : i32
          %add3A_249 = vector.broadcast %add3A_248 : i32 to vector<16xi32>
          %add3A_250 = arith.addi %mul3A_124, %add3A_249 : vector<16xi32>
          %eq3A_251 = arith.constant 1 : i32
          %eq3A_252 = vector.broadcast %eq3A_251 : i32 to vector<16xi32>
          %eq3A_253 = arith.cmpi eq, %and3A_247, %eq3A_252 : vector<16xi32>
          tpu.vector_store_idx %arg6[%add3A_241], %add3A_250 masked %eq3A_253 : memref<320xi32, #tpu.memory_space<vmem>>[vector<16xi32>], vector<16xi32>, vector<16xi1>
          %add3A_254 = arith.addi %add3A_241, %and3A_247 : vector<16xi32>
          %shift_right_arithmetic3A_255 = arith.constant 10 : i32
          %shift_right_arithmetic3A_256 = vector.broadcast %shift_right_arithmetic3A_255 : i32 to vector<16xi32>
          %shift_right_arithmetic3A_257 = arith.shrsi %select_n3A_88, %shift_right_arithmetic3A_256 : vector<16xi32>
          %and3A_258 = arith.constant 1 : i32
          %and3A_259 = vector.broadcast %and3A_258 : i32 to vector<16xi32>
          %and3A_260 = arith.andi %shift_right_arithmetic3A_257, %and3A_259 : vector<16xi32>
          %add3A_261 = arith.constant 10 : i32
          %add3A_262 = vector.broadcast %add3A_261 : i32 to vector<16xi32>
          %add3A_263 = arith.addi %mul3A_124, %add3A_262 : vector<16xi32>
          %eq3A_264 = arith.constant 1 : i32
          %eq3A_265 = vector.broadcast %eq3A_264 : i32 to vector<16xi32>
          %eq3A_266 = arith.cmpi eq, %and3A_260, %eq3A_265 : vector<16xi32>
          tpu.vector_store_idx %arg6[%add3A_254], %add3A_263 masked %eq3A_266 : memref<320xi32, #tpu.memory_space<vmem>>[vector<16xi32>], vector<16xi32>, vector<16xi1>
          %add3A_267 = arith.addi %add3A_254, %and3A_260 : vector<16xi32>
          %shift_right_arithmetic3A_268 = arith.constant 11 : i32
          %shift_right_arithmetic3A_269 = vector.broadcast %shift_right_arithmetic3A_268 : i32 to vector<16xi32>
          %shift_right_arithmetic3A_270 = arith.shrsi %select_n3A_88, %shift_right_arithmetic3A_269 : vector<16xi32>
          %and3A_271 = arith.constant 1 : i32
          %and3A_272 = vector.broadcast %and3A_271 : i32 to vector<16xi32>
          %and3A_273 = arith.andi %shift_right_arithmetic3A_270, %and3A_272 : vector<16xi32>
          %add3A_274 = arith.constant 11 : i32
          %add3A_275 = vector.broadcast %add3A_274 : i32 to vector<16xi32>
          %add3A_276 = arith.addi %mul3A_124, %add3A_275 : vector<16xi32>
          %eq3A_277 = arith.constant 1 : i32
          %eq3A_278 = vector.broadcast %eq3A_277 : i32 to vector<16xi32>
          %eq3A_279 = arith.cmpi eq, %and3A_273, %eq3A_278 : vector<16xi32>
          tpu.vector_store_idx %arg6[%add3A_267], %add3A_276 masked %eq3A_279 : memref<320xi32, #tpu.memory_space<vmem>>[vector<16xi32>], vector<16xi32>, vector<16xi1>
          %add3A_280 = arith.addi %add3A_267, %and3A_273 : vector<16xi32>
          %shift_right_arithmetic3A_281 = arith.constant 12 : i32
          %shift_right_arithmetic3A_282 = vector.broadcast %shift_right_arithmetic3A_281 : i32 to vector<16xi32>
          %shift_right_arithmetic3A_283 = arith.shrsi %select_n3A_88, %shift_right_arithmetic3A_282 : vector<16xi32>
          %and3A_284 = arith.constant 1 : i32
          %and3A_285 = vector.broadcast %and3A_284 : i32 to vector<16xi32>
          %and3A_286 = arith.andi %shift_right_arithmetic3A_283, %and3A_285 : vector<16xi32>
          %add3A_287 = arith.constant 12 : i32
          %add3A_288 = vector.broadcast %add3A_287 : i32 to vector<16xi32>
          %add3A_289 = arith.addi %mul3A_124, %add3A_288 : vector<16xi32>
          %eq3A_290 = arith.constant 1 : i32
          %eq3A_291 = vector.broadcast %eq3A_290 : i32 to vector<16xi32>
          %eq3A_292 = arith.cmpi eq, %and3A_286, %eq3A_291 : vector<16xi32>
          tpu.vector_store_idx %arg6[%add3A_280], %add3A_289 masked %eq3A_292 : memref<320xi32, #tpu.memory_space<vmem>>[vector<16xi32>], vector<16xi32>, vector<16xi1>
          %add3A_293 = arith.addi %add3A_280, %and3A_286 : vector<16xi32>
          %shift_right_arithmetic3A_294 = arith.constant 13 : i32
          %shift_right_arithmetic3A_295 = vector.broadcast %shift_right_arithmetic3A_294 : i32 to vector<16xi32>
          %shift_right_arithmetic3A_296 = arith.shrsi %select_n3A_88, %shift_right_arithmetic3A_295 : vector<16xi32>
          %and3A_297 = arith.constant 1 : i32
          %and3A_298 = vector.broadcast %and3A_297 : i32 to vector<16xi32>
          %and3A_299 = arith.andi %shift_right_arithmetic3A_296, %and3A_298 : vector<16xi32>
          %add3A_300 = arith.constant 13 : i32
          %add3A_301 = vector.broadcast %add3A_300 : i32 to vector<16xi32>
          %add3A_302 = arith.addi %mul3A_124, %add3A_301 : vector<16xi32>
          %eq3A_303 = arith.constant 1 : i32
          %eq3A_304 = vector.broadcast %eq3A_303 : i32 to vector<16xi32>
          %eq3A_305 = arith.cmpi eq, %and3A_299, %eq3A_304 : vector<16xi32>
          tpu.vector_store_idx %arg6[%add3A_293], %add3A_302 masked %eq3A_305 : memref<320xi32, #tpu.memory_space<vmem>>[vector<16xi32>], vector<16xi32>, vector<16xi1>
          %add3A_306 = arith.addi %add3A_293, %and3A_299 : vector<16xi32>
          %shift_right_arithmetic3A_307 = arith.constant 14 : i32
          %shift_right_arithmetic3A_308 = vector.broadcast %shift_right_arithmetic3A_307 : i32 to vector<16xi32>
          %shift_right_arithmetic3A_309 = arith.shrsi %select_n3A_88, %shift_right_arithmetic3A_308 : vector<16xi32>
          %and3A_310 = arith.constant 1 : i32
          %and3A_311 = vector.broadcast %and3A_310 : i32 to vector<16xi32>
          %and3A_312 = arith.andi %shift_right_arithmetic3A_309, %and3A_311 : vector<16xi32>
          %add3A_313 = arith.constant 14 : i32
          %add3A_314 = vector.broadcast %add3A_313 : i32 to vector<16xi32>
          %add3A_315 = arith.addi %mul3A_124, %add3A_314 : vector<16xi32>
          %eq3A_316 = arith.constant 1 : i32
          %eq3A_317 = vector.broadcast %eq3A_316 : i32 to vector<16xi32>
          %eq3A_318 = arith.cmpi eq, %and3A_312, %eq3A_317 : vector<16xi32>
          tpu.vector_store_idx %arg6[%add3A_306], %add3A_315 masked %eq3A_318 : memref<320xi32, #tpu.memory_space<vmem>>[vector<16xi32>], vector<16xi32>, vector<16xi1>
          %add3A_319 = arith.addi %add3A_306, %and3A_312 : vector<16xi32>
          %shift_right_arithmetic3A_320 = arith.constant 15 : i32
          %shift_right_arithmetic3A_321 = vector.broadcast %shift_right_arithmetic3A_320 : i32 to vector<16xi32>
          %shift_right_arithmetic3A_322 = arith.shrsi %select_n3A_88, %shift_right_arithmetic3A_321 : vector<16xi32>
          %and3A_323 = arith.constant 1 : i32
          %and3A_324 = vector.broadcast %and3A_323 : i32 to vector<16xi32>
          %and3A_325 = arith.andi %shift_right_arithmetic3A_322, %and3A_324 : vector<16xi32>
          %add3A_326 = arith.constant 15 : i32
          %add3A_327 = vector.broadcast %add3A_326 : i32 to vector<16xi32>
          %add3A_328 = arith.addi %mul3A_124, %add3A_327 : vector<16xi32>
          %eq3A_329 = arith.constant 1 : i32
          %eq3A_330 = vector.broadcast %eq3A_329 : i32 to vector<16xi32>
          %eq3A_331 = arith.cmpi eq, %and3A_325, %eq3A_330 : vector<16xi32>
          tpu.vector_store_idx %arg6[%add3A_319], %add3A_328 masked %eq3A_331 : memref<320xi32, #tpu.memory_space<vmem>>[vector<16xi32>], vector<16xi32>, vector<16xi1>
          %add3A_332 = arith.addi %add3A_319, %and3A_325 : vector<16xi32>
          %add3A_333 = arith.constant 1 : i32
          %add3A_334 = arith.addi %while3A_74, %add3A_333 : i32
          %reduce_max3A = arith.constant true
          %reduce_max3A_335 = vector.broadcast %reduce_max3A : i1 to vector<16xi1>
          %reduce_max3A_336 = arith.constant -2147483648 : i32
          %reduce_max3A_337 = vector.broadcast %reduce_max3A_336 : i32 to vector<16xi32>
          %reduce_max3A_338 = arith.xori %masked_cumsum3A, %reduce_max3A_337 : vector<16xi32>
          %reduce_max3A_339 = tpu.scan <max>, %reduce_max3A_338 masked %reduce_max3A_335 : vector<16xi32>, vector<16xi1> -> vector<16xi32>
          %reduce_max3A_340 = arith.xori %reduce_max3A_339, %reduce_max3A_337 : vector<16xi32>
          %reduce_max3A_341 = vector.extract %reduce_max3A_340[15] : i32 from vector<16xi32>
          %add3A_342 = arith.addi %while3A_75, %reduce_max3A_341 : i32
          scf.yield %add3A_334, %add3A_342 : i32, i32
        }
        %get3A = arith.constant 0 : index
        %get3A_29 = tpu.vector_load %arg6[%get3A] {strides = array<i32>} : memref<320xi32, #tpu.memory_space<vmem>>, vector<16xi32>,
        %eq3A = arith.constant 0 : i32
        %eq3A_30 = vector.broadcast %eq3A : i32 to vector<16xi32>
        %eq3A_31 = arith.cmpi eq, %iota3A, %eq3A_30 : vector<16xi32>
        %jit3A = arith.constant 0 : i32
        %broadcast_in_dim3A_32 = vector.broadcast %jit3A : i32 to vector<16xi32>
        %select_n3A = arith.select %eq3A_31, %get3A_29, %broadcast_in_dim3A_32 : vector<16xi1>, vector<16xi32>
        %reduce_sum3A = arith.constant true
        %reduce_sum3A_33 = vector.broadcast %reduce_sum3A : i1 to vector<16xi1>
        %reduce_sum3A_34 = tpu.scan <sum>, %select_n3A masked %reduce_sum3A_33 : vector<16xi32>, vector<16xi1> -> vector<16xi32>
        %reduce_sum3A_35 = vector.extract %reduce_sum3A_34[15] : i32 from vector<16xi32>
        %gt3A = arith.constant 0 : i32
        %gt3A_36 = arith.cmpi sgt, %while3A_28#1, %gt3A : i32
        %jit3A_37 = arith.constant 0 : i32
        %select_n3A_38 = arith.select %gt3A_36, %reduce_sum3A_35, %jit3A_37 : i32
        %get3A_39 = arith.constant 0 : index
        %get3A_40 = tpu.vector_load %arg6[%get3A_39] {strides = array<i32>} : memref<320xi32, #tpu.memory_space<vmem>>, vector<16xi32>,
        %add3A_41 = arith.constant 0 : i32
        %add3A_42 = vector.broadcast %add3A_41 : i32 to vector<16xi32>
        %add3A_43 = arith.addi %add3A_42, %iota3A : vector<16xi32>
        %lt3A = vector.broadcast %while3A_28#1 : i32 to vector<16xi32>
        %lt3A_44 = arith.cmpi slt, %add3A_43, %lt3A : vector<16xi32>
        %broadcast_in_dim3A_45 = vector.broadcast %select_n3A_38 : i32 to vector<16xi32>
        %select_n3A_46 = arith.select %lt3A_44, %get3A_40, %broadcast_in_dim3A_45 : vector<16xi1>, vector<16xi32>
        tpu.vector_store_idx %arg7[%broadcast_in_dim3A, %add3A_43], %select_n3A_46 : memref<16x64xi32, #tpu.memory_space<vmem>>[vector<16xi32>, vector<16xi32>], vector<16xi32>,
        %get3A_47 = arith.constant 16 : index
        %get3A_48 = tpu.vector_load %arg6[%get3A_47] {strides = array<i32>} : memref<320xi32, #tpu.memory_space<vmem>>, vector<16xi32>,
        %add3A_49 = arith.constant 16 : i32
        %add3A_50 = vector.broadcast %add3A_49 : i32 to vector<16xi32>
        %add3A_51 = arith.addi %add3A_50, %iota3A : vector<16xi32>
        %lt3A_52 = vector.broadcast %while3A_28#1 : i32 to vector<16xi32>
        %lt3A_53 = arith.cmpi slt, %add3A_51, %lt3A_52 : vector<16xi32>
        %broadcast_in_dim3A_54 = vector.broadcast %select_n3A_38 : i32 to vector<16xi32>
        %select_n3A_55 = arith.select %lt3A_53, %get3A_48, %broadcast_in_dim3A_54 : vector<16xi1>, vector<16xi32>
        tpu.vector_store_idx %arg7[%broadcast_in_dim3A, %add3A_51], %select_n3A_55 : memref<16x64xi32, #tpu.memory_space<vmem>>[vector<16xi32>, vector<16xi32>], vector<16xi32>,
        %get3A_56 = arith.constant 32 : index
        %get3A_57 = tpu.vector_load %arg6[%get3A_56] {strides = array<i32>} : memref<320xi32, #tpu.memory_space<vmem>>, vector<16xi32>,
        %add3A_58 = arith.constant 32 : i32
        %add3A_59 = vector.broadcast %add3A_58 : i32 to vector<16xi32>
        %add3A_60 = arith.addi %add3A_59, %iota3A : vector<16xi32>
        %lt3A_61 = vector.broadcast %while3A_28#1 : i32 to vector<16xi32>
        %lt3A_62 = arith.cmpi slt, %add3A_60, %lt3A_61 : vector<16xi32>
        %broadcast_in_dim3A_63 = vector.broadcast %select_n3A_38 : i32 to vector<16xi32>
        %select_n3A_64 = arith.select %lt3A_62, %get3A_57, %broadcast_in_dim3A_63 : vector<16xi1>, vector<16xi32>
        tpu.vector_store_idx %arg7[%broadcast_in_dim3A, %add3A_60], %select_n3A_64 : memref<16x64xi32, #tpu.memory_space<vmem>>[vector<16xi32>, vector<16xi32>], vector<16xi32>,
        %get3A_65 = arith.constant 48 : index
        %get3A_66 = tpu.vector_load %arg6[%get3A_65] {strides = array<i32>} : memref<320xi32, #tpu.memory_space<vmem>>, vector<16xi32>,
        %add3A_67 = arith.constant 48 : i32
        %add3A_68 = vector.broadcast %add3A_67 : i32 to vector<16xi32>
        %add3A_69 = arith.addi %add3A_68, %iota3A : vector<16xi32>
        %lt3A_70 = vector.broadcast %while3A_28#1 : i32 to vector<16xi32>
        %lt3A_71 = arith.cmpi slt, %add3A_69, %lt3A_70 : vector<16xi32>
        %broadcast_in_dim3A_72 = vector.broadcast %select_n3A_38 : i32 to vector<16xi32>
        %select_n3A_73 = arith.select %lt3A_71, %get3A_66, %broadcast_in_dim3A_72 : vector<16xi1>, vector<16xi32>
        tpu.vector_store_idx %arg7[%broadcast_in_dim3A, %add3A_69], %select_n3A_73 : memref<16x64xi32, #tpu.memory_space<vmem>>[vector<16xi32>, vector<16xi32>], vector<16xi32>,
      }
      %scan3A_17 = arith.constant 16 : i32
      "tpu.region"() ({
        %run_scoped3A = tpu.sem_alloc : memref<!tpu.dma_semaphore, #tpu.memory_space<semaphore_mem>>
        %dma_start3A = arith.constant 0 : i32
        %dma_start3A_18 = tpu.memref_slice %arg3[%add3A_11, %dma_start3A] : memref<1024x64xi32, #tpu.memory_space<hbm>> -> memref<16x64xi32, #tpu.memory_space<hbm>>
        %dma_start3A_19 = arith.constant 0 : i32
        %dma_start3A_20 = tpu.memref_slice %arg3[%add3A_11, %dma_start3A_19] : memref<1024x64xi32, #tpu.memory_space<hbm>> -> memref<16x64xi32, #tpu.memory_space<hbm>>
        tpu.enqueue_dma source(%arg7 : memref<16x64xi32, #tpu.memory_space<vmem>>) target(%dma_start3A_20 : memref<16x64xi32, #tpu.memory_space<hbm>>) target_semaphore(%run_scoped3A : memref<!tpu.dma_semaphore, #tpu.memory_space<semaphore_mem>>)
        %dma_wait3A = arith.constant 0 : i32
        %dma_wait3A_21 = tpu.memref_slice %arg3[%add3A_11, %dma_wait3A] : memref<1024x64xi32, #tpu.memory_space<hbm>> -> memref<16x64xi32, #tpu.memory_space<hbm>>
        %dma_wait3A_22 = arith.constant 0 : i32
        %dma_wait3A_23 = tpu.memref_slice %arg3[%add3A_11, %dma_wait3A_22] : memref<1024x64xi32, #tpu.memory_space<hbm>> -> memref<16x64xi32, #tpu.memory_space<hbm>>
        tpu.wait_dma2 semaphore(%run_scoped3A : memref<!tpu.dma_semaphore, #tpu.memory_space<semaphore_mem>>) src(%arg7 : memref<16x64xi32, #tpu.memory_space<vmem>>) dst(%dma_wait3A_23 : memref<16x64xi32, #tpu.memory_space<hbm>>)
        tpu.yield
      }) : () -> ()
    }
    %scan3A_7 = arith.constant 2 : i32
    return
  }
}

#map = affine_map<(d0, d1) -> (0, 0)>
module attributes {stable_mosaic.version = 14 : i64} {
  func.func @_select_body(%arg0: i32, %arg1: i32, %arg2: memref<1024x1024xi32, #tpu.memory_space<hbm>>, %arg3: memref<1024x64xi32, #tpu.memory_space<hbm>>, %arg4: memref<16x1024xi32, #tpu.memory_space<vmem>>, %arg5: memref<1040xi32, #tpu.memory_space<vmem>>, %arg6: memref<320xi32, #tpu.memory_space<vmem>>, %arg7: memref<16x64xi32, #tpu.memory_space<vmem>>) attributes {dimension_semantics = [#tpu.dimension_semantics<core_parallel>, #tpu.dimension_semantics<subcore_parallel>], iteration_bounds = array<i64: 2, 16>, scalar_prefetch = 0 : i64, scratch_operands = 4 : i64, tpu.core_type = #tpu.core_type<sc_vector_subcore>, window_params = [{transform_indices = #map}, {transform_indices = #map}]} {
    %mul3A = arith.constant 2 : i32
    %mul3A_0 = arith.muli %arg1, %mul3A : i32
    %add3A = arith.addi %mul3A_0, %arg0 : i32
    %mul3A_1 = arith.constant 32 : i32
    %mul3A_2 = arith.muli %add3A, %mul3A_1 : i32
    %iota3A = tpu.iota {dimensions = array<i32: 0>} : vector<16xi32>
    %scan3A = arith.constant 0 : i32
    %scan3A_3 = arith.constant 0 : i32
    %scan3A_4 = arith.constant 2 : i32
    %scan3A_5 = arith.addi %scan3A_3, %scan3A_4 : i32
    %scan3A_6 = arith.constant 1 : i32
    scf.for %scan3A_8 = %scan3A_3 to %scan3A_5 step %scan3A_6  : i32 {
      %mul3A_9 = arith.constant 16 : i32
      %mul3A_10 = arith.muli %scan3A_8, %mul3A_9 : i32
      %add3A_11 = arith.addi %mul3A_2, %mul3A_10 : i32
      "tpu.region"() ({
        %run_scoped3A = tpu.sem_alloc : memref<!tpu.dma_semaphore, #tpu.memory_space<semaphore_mem>>
        %dma_start3A = arith.constant 0 : i32
        %dma_start3A_18 = tpu.memref_slice %arg2[%add3A_11, %dma_start3A] : memref<1024x1024xi32, #tpu.memory_space<hbm>> -> memref<16x1024xi32, #tpu.memory_space<hbm>>
        %dma_start3A_19 = arith.constant 0 : i32
        %dma_start3A_20 = tpu.memref_slice %arg2[%add3A_11, %dma_start3A_19] : memref<1024x1024xi32, #tpu.memory_space<hbm>> -> memref<16x1024xi32, #tpu.memory_space<hbm>>
        tpu.enqueue_dma source(%dma_start3A_20 : memref<16x1024xi32, #tpu.memory_space<hbm>>) target(%arg4 : memref<16x1024xi32, #tpu.memory_space<vmem>>) target_semaphore(%run_scoped3A : memref<!tpu.dma_semaphore, #tpu.memory_space<semaphore_mem>>)
        %dma_wait3A = arith.constant 0 : i32
        %dma_wait3A_21 = tpu.memref_slice %arg2[%add3A_11, %dma_wait3A] : memref<1024x1024xi32, #tpu.memory_space<hbm>> -> memref<16x1024xi32, #tpu.memory_space<hbm>>
        %dma_wait3A_22 = arith.constant 0 : i32
        %dma_wait3A_23 = tpu.memref_slice %arg2[%add3A_11, %dma_wait3A_22] : memref<1024x1024xi32, #tpu.memory_space<hbm>> -> memref<16x1024xi32, #tpu.memory_space<hbm>>
        tpu.wait_dma2 semaphore(%run_scoped3A : memref<!tpu.dma_semaphore, #tpu.memory_space<semaphore_mem>>) src(%dma_wait3A_23 : memref<16x1024xi32, #tpu.memory_space<hbm>>) dst(%arg4 : memref<16x1024xi32, #tpu.memory_space<vmem>>)
        tpu.yield
      }) : () -> ()
      %scan3A_12 = arith.constant 0 : i32
      %scan3A_13 = arith.constant 0 : i32
      %scan3A_14 = arith.constant 16 : i32
      %scan3A_15 = arith.addi %scan3A_13, %scan3A_14 : i32
      %scan3A_16 = arith.constant 1 : i32
      scf.for %scan3A_18 = %scan3A_13 to %scan3A_15 step %scan3A_16  : i32 {
        %broadcast_in_dim3A = vector.broadcast %scan3A_18 : i32 to vector<16xi32>
        %scan3A_19 = arith.constant 0 : i32
        %scan3A_20 = arith.constant 0 : i32
        %scan3A_21 = arith.constant 64 : i32
        %scan3A_22 = arith.addi %scan3A_20, %scan3A_21 : i32
        %scan3A_23 = arith.constant 1 : i32
        %scan3A_24 = scf.for %scan3A_74 = %scan3A_20 to %scan3A_22 step %scan3A_23 iter_args(%scan3A_75 = %scan3A_19) -> (i32)  : i32 {
          %mul3A_76 = arith.constant 16 : i32
          %mul3A_77 = arith.muli %scan3A_74, %mul3A_76 : i32
          %add3A_78 = vector.broadcast %mul3A_77 : i32 to vector<16xi32>
          %add3A_79 = arith.addi %add3A_78, %iota3A : vector<16xi32>
          %gather3A = tpu.vector_load_idx %arg4[%broadcast_in_dim3A, %add3A_79] : memref<16x1024xi32, #tpu.memory_space<vmem>>[vector<16xi32>, vector<16xi32>], vector<16xi32>,
          %ne3A = arith.constant 0 : i32
          %ne3A_80 = vector.broadcast %ne3A : i32 to vector<16xi32>
          %ne3A_81 = arith.cmpi ne, %gather3A, %ne3A_80 : vector<16xi32>
          %mul3A_82 = arith.constant 16 : i32
          %mul3A_83 = arith.muli %scan3A_74, %mul3A_82 : i32
          %add3A_84 = vector.broadcast %mul3A_83 : i32 to vector<16xi32>
          %add3A_85 = arith.addi %add3A_84, %iota3A : vector<16xi32>
          %swap3A = arith.index_cast %scan3A_75 : i32 to index
          %swap3A_86 = tpu.vector_load %arg5[%swap3A] masked %ne3A_81 {strides = array<i32>} : memref<1040xi32, #tpu.memory_space<vmem>>, vector<16xi32>, vector<16xi1>
          tpu.vector_store %arg5[%swap3A], %add3A_85 masked %ne3A_81 {strides = array<i32>} : memref<1040xi32, #tpu.memory_space<vmem>>, vector<16xi32>, vector<16xi1>
          %all_reduce_population_count3A = tpu.all_reduce %ne3A_81 {dim = 0 : i64, kind = #tpu.reduction_kind<sum>} : vector<16xi1> -> vector<16xi32>
          %reduce_max3A = arith.constant true
          %reduce_max3A_87 = vector.broadcast %reduce_max3A : i1 to vector<16xi1>
          %reduce_max3A_88 = arith.constant -2147483648 : i32
          %reduce_max3A_89 = vector.broadcast %reduce_max3A_88 : i32 to vector<16xi32>
          %reduce_max3A_90 = arith.xori %all_reduce_population_count3A, %reduce_max3A_89 : vector<16xi32>
          %reduce_max3A_91 = tpu.scan <max>, %reduce_max3A_90 masked %reduce_max3A_87 : vector<16xi32>, vector<16xi1> -> vector<16xi32>
          %reduce_max3A_92 = arith.xori %reduce_max3A_91, %reduce_max3A_89 : vector<16xi32>
          %reduce_max3A_93 = vector.extract %reduce_max3A_92[15] : i32 from vector<16xi32>
          %add3A_94 = arith.addi %scan3A_75, %reduce_max3A_93 : i32
          scf.yield %add3A_94 : i32
        }
        %scan3A_25 = arith.constant 64 : i32
        %min3A = arith.constant 96 : i32
        %min3A_26 = arith.minsi %scan3A_24, %min3A : i32
        %while3A = arith.constant 0 : i32
        %while3A_27 = arith.constant 0 : i32
        %while3A_28:2 = scf.while (%while3A_74 = %while3A, %while3A_75 = %while3A_27) : (i32, i32) -> (i32, i32) {
          %mul3A_76 = arith.constant 16 : i32
          %mul3A_77 = arith.muli %while3A_74, %mul3A_76 : i32
          %lt3A_78 = arith.cmpi slt, %mul3A_77, %min3A_26 : i32
          %lt3A_79 = arith.constant 64 : i32
          %lt3A_80 = arith.cmpi slt, %while3A_75, %lt3A_79 : i32
          %and3A = arith.andi %lt3A_78, %lt3A_80 : i1
          scf.condition(%and3A) %while3A_74, %while3A_75 : i32, i32
        } do {
        ^bb0(%while3A_74: i32, %while3A_75: i32):
          %mul3A_76 = arith.constant 16 : i32
          %mul3A_77 = arith.muli %while3A_74, %mul3A_76 : i32
          %add3A_78 = vector.broadcast %mul3A_77 : i32 to vector<16xi32>
          %add3A_79 = arith.addi %add3A_78, %iota3A : vector<16xi32>
          %gather3A = tpu.vector_load_idx %arg5[%add3A_79] : memref<1040xi32, #tpu.memory_space<vmem>>[vector<16xi32>], vector<16xi32>,
          %lt3A_80 = vector.broadcast %min3A_26 : i32 to vector<16xi32>
          %lt3A_81 = arith.cmpi slt, %add3A_79, %lt3A_80 : vector<16xi32>
          %jit3A_82 = arith.constant 0 : i32
          %broadcast_in_dim3A_83 = vector.broadcast %jit3A_82 : i32 to vector<16xi32>
          %select_n3A_84 = arith.select %lt3A_81, %gather3A, %broadcast_in_dim3A_83 : vector<16xi1>, vector<16xi32>
          %gather3A_85 = tpu.vector_load_idx %arg4[%broadcast_in_dim3A, %select_n3A_84] : memref<16x1024xi32, #tpu.memory_space<vmem>>[vector<16xi32>, vector<16xi32>], vector<16xi32>,
          %jit3A_86 = arith.constant 0 : i32
          %broadcast_in_dim3A_87 = vector.broadcast %jit3A_86 : i32 to vector<16xi32>
          %select_n3A_88 = arith.select %lt3A_81, %gather3A_85, %broadcast_in_dim3A_87 : vector<16xi1>, vector<16xi32>
          %shift_right_arithmetic3A = arith.constant 1 : i32
          %shift_right_arithmetic3A_89 = vector.broadcast %shift_right_arithmetic3A : i32 to vector<16xi32>
          %shift_right_arithmetic3A_90 = arith.shrsi %select_n3A_88, %shift_right_arithmetic3A_89 : vector<16xi32>
          %and3A = arith.constant 21845 : i32
          %and3A_91 = vector.broadcast %and3A : i32 to vector<16xi32>
          %and3A_92 = arith.andi %shift_right_arithmetic3A_90, %and3A_91 : vector<16xi32>
          %sub3A = arith.subi %select_n3A_88, %and3A_92 : vector<16xi32>
          %and3A_93 = arith.constant 13107 : i32
          %and3A_94 = vector.broadcast %and3A_93 : i32 to vector<16xi32>
          %and3A_95 = arith.andi %sub3A, %and3A_94 : vector<16xi32>
          %shift_right_arithmetic3A_96 = arith.constant 2 : i32
          %shift_right_arithmetic3A_97 = vector.broadcast %shift_right_arithmetic3A_96 : i32 to vector<16xi32>
          %shift_right_arithmetic3A_98 = arith.shrsi %sub3A, %shift_right_arithmetic3A_97 : vector<16xi32>
          %and3A_99 = arith.constant 13107 : i32
          %and3A_100 = vector.broadcast %and3A_99 : i32 to vector<16xi32>
          %and3A_101 = arith.andi %shift_right_arithmetic3A_98, %and3A_100 : vector<16xi32>
          %add3A_102 = arith.addi %and3A_95, %and3A_101 : vector<16xi32>
          %shift_right_arithmetic3A_103 = arith.constant 4 : i32
          %shift_right_arithmetic3A_104 = vector.broadcast %shift_right_arithmetic3A_103 : i32 to vector<16xi32>
          %shift_right_arithmetic3A_105 = arith.shrsi %add3A_102, %shift_right_arithmetic3A_104 : vector<16xi32>
          %add3A_106 = arith.addi %add3A_102, %shift_right_arithmetic3A_105 : vector<16xi32>
          %and3A_107 = arith.constant 3855 : i32
          %and3A_108 = vector.broadcast %and3A_107 : i32 to vector<16xi32>
          %and3A_109 = arith.andi %add3A_106, %and3A_108 : vector<16xi32>
          %shift_right_arithmetic3A_110 = arith.constant 8 : i32
          %shift_right_arithmetic3A_111 = vector.broadcast %shift_right_arithmetic3A_110 : i32 to vector<16xi32>
          %shift_right_arithmetic3A_112 = arith.shrsi %and3A_109, %shift_right_arithmetic3A_111 : vector<16xi32>
          %add3A_113 = arith.addi %and3A_109, %shift_right_arithmetic3A_112 : vector<16xi32>
          %and3A_114 = arith.constant 31 : i32
          %and3A_115 = vector.broadcast %and3A_114 : i32 to vector<16xi32>
          %and3A_116 = arith.andi %add3A_113, %and3A_115 : vector<16xi32>
          %broadcast_in_dim3A_117 = arith.constant true
          %broadcast_in_dim3A_118 = vector.broadcast %broadcast_in_dim3A_117 : i1 to vector<16xi1>
          %masked_cumsum3A = tpu.scan <sum>, %and3A_116 masked %broadcast_in_dim3A_118 : vector<16xi32>, vector<16xi1> -> vector<16xi32>
          %add3A_119 = vector.broadcast %while3A_75 : i32 to vector<16xi32>
          %add3A_120 = arith.addi %add3A_119, %masked_cumsum3A : vector<16xi32>
          %sub3A_121 = arith.subi %add3A_120, %and3A_116 : vector<16xi32>
          %mul3A_122 = arith.constant 16 : i32
          %mul3A_123 = vector.broadcast %mul3A_122 : i32 to vector<16xi32>
          %mul3A_124 = arith.muli %select_n3A_84, %mul3A_123 : vector<16xi32>
          %shift_right_arithmetic3A_125 = arith.constant 0 : i32
          %shift_right_arithmetic3A_126 = vector.broadcast %shift_right_arithmetic3A_125 : i32 to vector<16xi32>
          %shift_right_arithmetic3A_127 = arith.shrsi %select_n3A_88, %shift_right_arithmetic3A_126 : vector<16xi32>
          %and3A_128 = arith.constant 1 : i32
          %and3A_129 = vector.broadcast %and3A_128 : i32 to vector<16xi32>
          %and3A_130 = arith.andi %shift_right_arithmetic3A_127, %and3A_129 : vector<16xi32>
          %add3A_131 = arith.constant 0 : i32
          %add3A_132 = vector.broadcast %add3A_131 : i32 to vector<16xi32>
          %add3A_133 = arith.addi %mul3A_124, %add3A_132 : vector<16xi32>
          %eq3A_134 = arith.constant 1 : i32
          %eq3A_135 = vector.broadcast %eq3A_134 : i32 to vector<16xi32>
          %eq3A_136 = arith.cmpi eq, %and3A_130, %eq3A_135 : vector<16xi32>
          tpu.vector_store_idx %arg6[%sub3A_121], %add3A_133 masked %eq3A_136 : memref<320xi32, #tpu.memory_space<vmem>>[vector<16xi32>], vector<16xi32>, vector<16xi1>
          %add3A_137 = arith.addi %sub3A_121, %and3A_130 : vector<16xi32>
          %shift_right_arithmetic3A_138 = arith.constant 1 : i32
          %shift_right_arithmetic3A_139 = vector.broadcast %shift_right_arithmetic3A_138 : i32 to vector<16xi32>
          %shift_right_arithmetic3A_140 = arith.shrsi %select_n3A_88, %shift_right_arithmetic3A_139 : vector<16xi32>
          %and3A_141 = arith.constant 1 : i32
          %and3A_142 = vector.broadcast %and3A_141 : i32 to vector<16xi32>
          %and3A_143 = arith.andi %shift_right_arithmetic3A_140, %and3A_142 : vector<16xi32>
          %add3A_144 = arith.constant 1 : i32
          %add3A_145 = vector.broadcast %add3A_144 : i32 to vector<16xi32>
          %add3A_146 = arith.addi %mul3A_124, %add3A_145 : vector<16xi32>
          %eq3A_147 = arith.constant 1 : i32
          %eq3A_148 = vector.broadcast %eq3A_147 : i32 to vector<16xi32>
          %eq3A_149 = arith.cmpi eq, %and3A_143, %eq3A_148 : vector<16xi32>
          tpu.vector_store_idx %arg6[%add3A_137], %add3A_146 masked %eq3A_149 : memref<320xi32, #tpu.memory_space<vmem>>[vector<16xi32>], vector<16xi32>, vector<16xi1>
          %add3A_150 = arith.addi %add3A_137, %and3A_143 : vector<16xi32>
          %shift_right_arithmetic3A_151 = arith.constant 2 : i32
          %shift_right_arithmetic3A_152 = vector.broadcast %shift_right_arithmetic3A_151 : i32 to vector<16xi32>
          %shift_right_arithmetic3A_153 = arith.shrsi %select_n3A_88, %shift_right_arithmetic3A_152 : vector<16xi32>
          %and3A_154 = arith.constant 1 : i32
          %and3A_155 = vector.broadcast %and3A_154 : i32 to vector<16xi32>
          %and3A_156 = arith.andi %shift_right_arithmetic3A_153, %and3A_155 : vector<16xi32>
          %add3A_157 = arith.constant 2 : i32
          %add3A_158 = vector.broadcast %add3A_157 : i32 to vector<16xi32>
          %add3A_159 = arith.addi %mul3A_124, %add3A_158 : vector<16xi32>
          %eq3A_160 = arith.constant 1 : i32
          %eq3A_161 = vector.broadcast %eq3A_160 : i32 to vector<16xi32>
          %eq3A_162 = arith.cmpi eq, %and3A_156, %eq3A_161 : vector<16xi32>
          tpu.vector_store_idx %arg6[%add3A_150], %add3A_159 masked %eq3A_162 : memref<320xi32, #tpu.memory_space<vmem>>[vector<16xi32>], vector<16xi32>, vector<16xi1>
          %add3A_163 = arith.addi %add3A_150, %and3A_156 : vector<16xi32>
          %shift_right_arithmetic3A_164 = arith.constant 3 : i32
          %shift_right_arithmetic3A_165 = vector.broadcast %shift_right_arithmetic3A_164 : i32 to vector<16xi32>
          %shift_right_arithmetic3A_166 = arith.shrsi %select_n3A_88, %shift_right_arithmetic3A_165 : vector<16xi32>
          %and3A_167 = arith.constant 1 : i32
          %and3A_168 = vector.broadcast %and3A_167 : i32 to vector<16xi32>
          %and3A_169 = arith.andi %shift_right_arithmetic3A_166, %and3A_168 : vector<16xi32>
          %add3A_170 = arith.constant 3 : i32
          %add3A_171 = vector.broadcast %add3A_170 : i32 to vector<16xi32>
          %add3A_172 = arith.addi %mul3A_124, %add3A_171 : vector<16xi32>
          %eq3A_173 = arith.constant 1 : i32
          %eq3A_174 = vector.broadcast %eq3A_173 : i32 to vector<16xi32>
          %eq3A_175 = arith.cmpi eq, %and3A_169, %eq3A_174 : vector<16xi32>
          tpu.vector_store_idx %arg6[%add3A_163], %add3A_172 masked %eq3A_175 : memref<320xi32, #tpu.memory_space<vmem>>[vector<16xi32>], vector<16xi32>, vector<16xi1>
          %add3A_176 = arith.addi %add3A_163, %and3A_169 : vector<16xi32>
          %shift_right_arithmetic3A_177 = arith.constant 4 : i32
          %shift_right_arithmetic3A_178 = vector.broadcast %shift_right_arithmetic3A_177 : i32 to vector<16xi32>
          %shift_right_arithmetic3A_179 = arith.shrsi %select_n3A_88, %shift_right_arithmetic3A_178 : vector<16xi32>
          %and3A_180 = arith.constant 1 : i32
          %and3A_181 = vector.broadcast %and3A_180 : i32 to vector<16xi32>
          %and3A_182 = arith.andi %shift_right_arithmetic3A_179, %and3A_181 : vector<16xi32>
          %add3A_183 = arith.constant 4 : i32
          %add3A_184 = vector.broadcast %add3A_183 : i32 to vector<16xi32>
          %add3A_185 = arith.addi %mul3A_124, %add3A_184 : vector<16xi32>
          %eq3A_186 = arith.constant 1 : i32
          %eq3A_187 = vector.broadcast %eq3A_186 : i32 to vector<16xi32>
          %eq3A_188 = arith.cmpi eq, %and3A_182, %eq3A_187 : vector<16xi32>
          tpu.vector_store_idx %arg6[%add3A_176], %add3A_185 masked %eq3A_188 : memref<320xi32, #tpu.memory_space<vmem>>[vector<16xi32>], vector<16xi32>, vector<16xi1>
          %add3A_189 = arith.addi %add3A_176, %and3A_182 : vector<16xi32>
          %shift_right_arithmetic3A_190 = arith.constant 5 : i32
          %shift_right_arithmetic3A_191 = vector.broadcast %shift_right_arithmetic3A_190 : i32 to vector<16xi32>
          %shift_right_arithmetic3A_192 = arith.shrsi %select_n3A_88, %shift_right_arithmetic3A_191 : vector<16xi32>
          %and3A_193 = arith.constant 1 : i32
          %and3A_194 = vector.broadcast %and3A_193 : i32 to vector<16xi32>
          %and3A_195 = arith.andi %shift_right_arithmetic3A_192, %and3A_194 : vector<16xi32>
          %add3A_196 = arith.constant 5 : i32
          %add3A_197 = vector.broadcast %add3A_196 : i32 to vector<16xi32>
          %add3A_198 = arith.addi %mul3A_124, %add3A_197 : vector<16xi32>
          %eq3A_199 = arith.constant 1 : i32
          %eq3A_200 = vector.broadcast %eq3A_199 : i32 to vector<16xi32>
          %eq3A_201 = arith.cmpi eq, %and3A_195, %eq3A_200 : vector<16xi32>
          tpu.vector_store_idx %arg6[%add3A_189], %add3A_198 masked %eq3A_201 : memref<320xi32, #tpu.memory_space<vmem>>[vector<16xi32>], vector<16xi32>, vector<16xi1>
          %add3A_202 = arith.addi %add3A_189, %and3A_195 : vector<16xi32>
          %shift_right_arithmetic3A_203 = arith.constant 6 : i32
          %shift_right_arithmetic3A_204 = vector.broadcast %shift_right_arithmetic3A_203 : i32 to vector<16xi32>
          %shift_right_arithmetic3A_205 = arith.shrsi %select_n3A_88, %shift_right_arithmetic3A_204 : vector<16xi32>
          %and3A_206 = arith.constant 1 : i32
          %and3A_207 = vector.broadcast %and3A_206 : i32 to vector<16xi32>
          %and3A_208 = arith.andi %shift_right_arithmetic3A_205, %and3A_207 : vector<16xi32>
          %add3A_209 = arith.constant 6 : i32
          %add3A_210 = vector.broadcast %add3A_209 : i32 to vector<16xi32>
          %add3A_211 = arith.addi %mul3A_124, %add3A_210 : vector<16xi32>
          %eq3A_212 = arith.constant 1 : i32
          %eq3A_213 = vector.broadcast %eq3A_212 : i32 to vector<16xi32>
          %eq3A_214 = arith.cmpi eq, %and3A_208, %eq3A_213 : vector<16xi32>
          tpu.vector_store_idx %arg6[%add3A_202], %add3A_211 masked %eq3A_214 : memref<320xi32, #tpu.memory_space<vmem>>[vector<16xi32>], vector<16xi32>, vector<16xi1>
          %add3A_215 = arith.addi %add3A_202, %and3A_208 : vector<16xi32>
          %shift_right_arithmetic3A_216 = arith.constant 7 : i32
          %shift_right_arithmetic3A_217 = vector.broadcast %shift_right_arithmetic3A_216 : i32 to vector<16xi32>
          %shift_right_arithmetic3A_218 = arith.shrsi %select_n3A_88, %shift_right_arithmetic3A_217 : vector<16xi32>
          %and3A_219 = arith.constant 1 : i32
          %and3A_220 = vector.broadcast %and3A_219 : i32 to vector<16xi32>
          %and3A_221 = arith.andi %shift_right_arithmetic3A_218, %and3A_220 : vector<16xi32>
          %add3A_222 = arith.constant 7 : i32
          %add3A_223 = vector.broadcast %add3A_222 : i32 to vector<16xi32>
          %add3A_224 = arith.addi %mul3A_124, %add3A_223 : vector<16xi32>
          %eq3A_225 = arith.constant 1 : i32
          %eq3A_226 = vector.broadcast %eq3A_225 : i32 to vector<16xi32>
          %eq3A_227 = arith.cmpi eq, %and3A_221, %eq3A_226 : vector<16xi32>
          tpu.vector_store_idx %arg6[%add3A_215], %add3A_224 masked %eq3A_227 : memref<320xi32, #tpu.memory_space<vmem>>[vector<16xi32>], vector<16xi32>, vector<16xi1>
          %add3A_228 = arith.addi %add3A_215, %and3A_221 : vector<16xi32>
          %shift_right_arithmetic3A_229 = arith.constant 8 : i32
          %shift_right_arithmetic3A_230 = vector.broadcast %shift_right_arithmetic3A_229 : i32 to vector<16xi32>
          %shift_right_arithmetic3A_231 = arith.shrsi %select_n3A_88, %shift_right_arithmetic3A_230 : vector<16xi32>
          %and3A_232 = arith.constant 1 : i32
          %and3A_233 = vector.broadcast %and3A_232 : i32 to vector<16xi32>
          %and3A_234 = arith.andi %shift_right_arithmetic3A_231, %and3A_233 : vector<16xi32>
          %add3A_235 = arith.constant 8 : i32
          %add3A_236 = vector.broadcast %add3A_235 : i32 to vector<16xi32>
          %add3A_237 = arith.addi %mul3A_124, %add3A_236 : vector<16xi32>
          %eq3A_238 = arith.constant 1 : i32
          %eq3A_239 = vector.broadcast %eq3A_238 : i32 to vector<16xi32>
          %eq3A_240 = arith.cmpi eq, %and3A_234, %eq3A_239 : vector<16xi32>
          tpu.vector_store_idx %arg6[%add3A_228], %add3A_237 masked %eq3A_240 : memref<320xi32, #tpu.memory_space<vmem>>[vector<16xi32>], vector<16xi32>, vector<16xi1>
          %add3A_241 = arith.addi %add3A_228, %and3A_234 : vector<16xi32>
          %shift_right_arithmetic3A_242 = arith.constant 9 : i32
          %shift_right_arithmetic3A_243 = vector.broadcast %shift_right_arithmetic3A_242 : i32 to vector<16xi32>
          %shift_right_arithmetic3A_244 = arith.shrsi %select_n3A_88, %shift_right_arithmetic3A_243 : vector<16xi32>
          %and3A_245 = arith.constant 1 : i32
          %and3A_246 = vector.broadcast %and3A_245 : i32 to vector<16xi32>
          %and3A_247 = arith.andi %shift_right_arithmetic3A_244, %and3A_246 : vector<16xi32>
          %add3A_248 = arith.constant 9 : i32
          %add3A_249 = vector.broadcast %add3A_248 : i32 to vector<16xi32>
          %add3A_250 = arith.addi %mul3A_124, %add3A_249 : vector<16xi32>
          %eq3A_251 = arith.constant 1 : i32
          %eq3A_252 = vector.broadcast %eq3A_251 : i32 to vector<16xi32>
          %eq3A_253 = arith.cmpi eq, %and3A_247, %eq3A_252 : vector<16xi32>
          tpu.vector_store_idx %arg6[%add3A_241], %add3A_250 masked %eq3A_253 : memref<320xi32, #tpu.memory_space<vmem>>[vector<16xi32>], vector<16xi32>, vector<16xi1>
          %add3A_254 = arith.addi %add3A_241, %and3A_247 : vector<16xi32>
          %shift_right_arithmetic3A_255 = arith.constant 10 : i32
          %shift_right_arithmetic3A_256 = vector.broadcast %shift_right_arithmetic3A_255 : i32 to vector<16xi32>
          %shift_right_arithmetic3A_257 = arith.shrsi %select_n3A_88, %shift_right_arithmetic3A_256 : vector<16xi32>
          %and3A_258 = arith.constant 1 : i32
          %and3A_259 = vector.broadcast %and3A_258 : i32 to vector<16xi32>
          %and3A_260 = arith.andi %shift_right_arithmetic3A_257, %and3A_259 : vector<16xi32>
          %add3A_261 = arith.constant 10 : i32
          %add3A_262 = vector.broadcast %add3A_261 : i32 to vector<16xi32>
          %add3A_263 = arith.addi %mul3A_124, %add3A_262 : vector<16xi32>
          %eq3A_264 = arith.constant 1 : i32
          %eq3A_265 = vector.broadcast %eq3A_264 : i32 to vector<16xi32>
          %eq3A_266 = arith.cmpi eq, %and3A_260, %eq3A_265 : vector<16xi32>
          tpu.vector_store_idx %arg6[%add3A_254], %add3A_263 masked %eq3A_266 : memref<320xi32, #tpu.memory_space<vmem>>[vector<16xi32>], vector<16xi32>, vector<16xi1>
          %add3A_267 = arith.addi %add3A_254, %and3A_260 : vector<16xi32>
          %shift_right_arithmetic3A_268 = arith.constant 11 : i32
          %shift_right_arithmetic3A_269 = vector.broadcast %shift_right_arithmetic3A_268 : i32 to vector<16xi32>
          %shift_right_arithmetic3A_270 = arith.shrsi %select_n3A_88, %shift_right_arithmetic3A_269 : vector<16xi32>
          %and3A_271 = arith.constant 1 : i32
          %and3A_272 = vector.broadcast %and3A_271 : i32 to vector<16xi32>
          %and3A_273 = arith.andi %shift_right_arithmetic3A_270, %and3A_272 : vector<16xi32>
          %add3A_274 = arith.constant 11 : i32
          %add3A_275 = vector.broadcast %add3A_274 : i32 to vector<16xi32>
          %add3A_276 = arith.addi %mul3A_124, %add3A_275 : vector<16xi32>
          %eq3A_277 = arith.constant 1 : i32
          %eq3A_278 = vector.broadcast %eq3A_277 : i32 to vector<16xi32>
          %eq3A_279 = arith.cmpi eq, %and3A_273, %eq3A_278 : vector<16xi32>
          tpu.vector_store_idx %arg6[%add3A_267], %add3A_276 masked %eq3A_279 : memref<320xi32, #tpu.memory_space<vmem>>[vector<16xi32>], vector<16xi32>, vector<16xi1>
          %add3A_280 = arith.addi %add3A_267, %and3A_273 : vector<16xi32>
          %shift_right_arithmetic3A_281 = arith.constant 12 : i32
          %shift_right_arithmetic3A_282 = vector.broadcast %shift_right_arithmetic3A_281 : i32 to vector<16xi32>
          %shift_right_arithmetic3A_283 = arith.shrsi %select_n3A_88, %shift_right_arithmetic3A_282 : vector<16xi32>
          %and3A_284 = arith.constant 1 : i32
          %and3A_285 = vector.broadcast %and3A_284 : i32 to vector<16xi32>
          %and3A_286 = arith.andi %shift_right_arithmetic3A_283, %and3A_285 : vector<16xi32>
          %add3A_287 = arith.constant 12 : i32
          %add3A_288 = vector.broadcast %add3A_287 : i32 to vector<16xi32>
          %add3A_289 = arith.addi %mul3A_124, %add3A_288 : vector<16xi32>
          %eq3A_290 = arith.constant 1 : i32
          %eq3A_291 = vector.broadcast %eq3A_290 : i32 to vector<16xi32>
          %eq3A_292 = arith.cmpi eq, %and3A_286, %eq3A_291 : vector<16xi32>
          tpu.vector_store_idx %arg6[%add3A_280], %add3A_289 masked %eq3A_292 : memref<320xi32, #tpu.memory_space<vmem>>[vector<16xi32>], vector<16xi32>, vector<16xi1>
          %add3A_293 = arith.addi %add3A_280, %and3A_286 : vector<16xi32>
          %shift_right_arithmetic3A_294 = arith.constant 13 : i32
          %shift_right_arithmetic3A_295 = vector.broadcast %shift_right_arithmetic3A_294 : i32 to vector<16xi32>
          %shift_right_arithmetic3A_296 = arith.shrsi %select_n3A_88, %shift_right_arithmetic3A_295 : vector<16xi32>
          %and3A_297 = arith.constant 1 : i32
          %and3A_298 = vector.broadcast %and3A_297 : i32 to vector<16xi32>
          %and3A_299 = arith.andi %shift_right_arithmetic3A_296, %and3A_298 : vector<16xi32>
          %add3A_300 = arith.constant 13 : i32
          %add3A_301 = vector.broadcast %add3A_300 : i32 to vector<16xi32>
          %add3A_302 = arith.addi %mul3A_124, %add3A_301 : vector<16xi32>
          %eq3A_303 = arith.constant 1 : i32
          %eq3A_304 = vector.broadcast %eq3A_303 : i32 to vector<16xi32>
          %eq3A_305 = arith.cmpi eq, %and3A_299, %eq3A_304 : vector<16xi32>
          tpu.vector_store_idx %arg6[%add3A_293], %add3A_302 masked %eq3A_305 : memref<320xi32, #tpu.memory_space<vmem>>[vector<16xi32>], vector<16xi32>, vector<16xi1>
          %add3A_306 = arith.addi %add3A_293, %and3A_299 : vector<16xi32>
          %shift_right_arithmetic3A_307 = arith.constant 14 : i32
          %shift_right_arithmetic3A_308 = vector.broadcast %shift_right_arithmetic3A_307 : i32 to vector<16xi32>
          %shift_right_arithmetic3A_309 = arith.shrsi %select_n3A_88, %shift_right_arithmetic3A_308 : vector<16xi32>
          %and3A_310 = arith.constant 1 : i32
          %and3A_311 = vector.broadcast %and3A_310 : i32 to vector<16xi32>
          %and3A_312 = arith.andi %shift_right_arithmetic3A_309, %and3A_311 : vector<16xi32>
          %add3A_313 = arith.constant 14 : i32
          %add3A_314 = vector.broadcast %add3A_313 : i32 to vector<16xi32>
          %add3A_315 = arith.addi %mul3A_124, %add3A_314 : vector<16xi32>
          %eq3A_316 = arith.constant 1 : i32
          %eq3A_317 = vector.broadcast %eq3A_316 : i32 to vector<16xi32>
          %eq3A_318 = arith.cmpi eq, %and3A_312, %eq3A_317 : vector<16xi32>
          tpu.vector_store_idx %arg6[%add3A_306], %add3A_315 masked %eq3A_318 : memref<320xi32, #tpu.memory_space<vmem>>[vector<16xi32>], vector<16xi32>, vector<16xi1>
          %add3A_319 = arith.addi %add3A_306, %and3A_312 : vector<16xi32>
          %shift_right_arithmetic3A_320 = arith.constant 15 : i32
          %shift_right_arithmetic3A_321 = vector.broadcast %shift_right_arithmetic3A_320 : i32 to vector<16xi32>
          %shift_right_arithmetic3A_322 = arith.shrsi %select_n3A_88, %shift_right_arithmetic3A_321 : vector<16xi32>
          %and3A_323 = arith.constant 1 : i32
          %and3A_324 = vector.broadcast %and3A_323 : i32 to vector<16xi32>
          %and3A_325 = arith.andi %shift_right_arithmetic3A_322, %and3A_324 : vector<16xi32>
          %add3A_326 = arith.constant 15 : i32
          %add3A_327 = vector.broadcast %add3A_326 : i32 to vector<16xi32>
          %add3A_328 = arith.addi %mul3A_124, %add3A_327 : vector<16xi32>
          %eq3A_329 = arith.constant 1 : i32
          %eq3A_330 = vector.broadcast %eq3A_329 : i32 to vector<16xi32>
          %eq3A_331 = arith.cmpi eq, %and3A_325, %eq3A_330 : vector<16xi32>
          tpu.vector_store_idx %arg6[%add3A_319], %add3A_328 masked %eq3A_331 : memref<320xi32, #tpu.memory_space<vmem>>[vector<16xi32>], vector<16xi32>, vector<16xi1>
          %add3A_332 = arith.addi %add3A_319, %and3A_325 : vector<16xi32>
          %add3A_333 = arith.constant 1 : i32
          %add3A_334 = arith.addi %while3A_74, %add3A_333 : i32
          %reduce_max3A = arith.constant true
          %reduce_max3A_335 = vector.broadcast %reduce_max3A : i1 to vector<16xi1>
          %reduce_max3A_336 = arith.constant -2147483648 : i32
          %reduce_max3A_337 = vector.broadcast %reduce_max3A_336 : i32 to vector<16xi32>
          %reduce_max3A_338 = arith.xori %masked_cumsum3A, %reduce_max3A_337 : vector<16xi32>
          %reduce_max3A_339 = tpu.scan <max>, %reduce_max3A_338 masked %reduce_max3A_335 : vector<16xi32>, vector<16xi1> -> vector<16xi32>
          %reduce_max3A_340 = arith.xori %reduce_max3A_339, %reduce_max3A_337 : vector<16xi32>
          %reduce_max3A_341 = vector.extract %reduce_max3A_340[15] : i32 from vector<16xi32>
          %add3A_342 = arith.addi %while3A_75, %reduce_max3A_341 : i32
          scf.yield %add3A_334, %add3A_342 : i32, i32
        }
        %get3A = arith.constant 0 : index
        %get3A_29 = tpu.vector_load %arg6[%get3A] {strides = array<i32>} : memref<320xi32, #tpu.memory_space<vmem>>, vector<16xi32>,
        %eq3A = arith.constant 0 : i32
        %eq3A_30 = vector.broadcast %eq3A : i32 to vector<16xi32>
        %eq3A_31 = arith.cmpi eq, %iota3A, %eq3A_30 : vector<16xi32>
        %jit3A = arith.constant 0 : i32
        %broadcast_in_dim3A_32 = vector.broadcast %jit3A : i32 to vector<16xi32>
        %select_n3A = arith.select %eq3A_31, %get3A_29, %broadcast_in_dim3A_32 : vector<16xi1>, vector<16xi32>
        %reduce_sum3A = arith.constant true
        %reduce_sum3A_33 = vector.broadcast %reduce_sum3A : i1 to vector<16xi1>
        %reduce_sum3A_34 = tpu.scan <sum>, %select_n3A masked %reduce_sum3A_33 : vector<16xi32>, vector<16xi1> -> vector<16xi32>
        %reduce_sum3A_35 = vector.extract %reduce_sum3A_34[15] : i32 from vector<16xi32>
        %gt3A = arith.constant 0 : i32
        %gt3A_36 = arith.cmpi sgt, %while3A_28#1, %gt3A : i32
        %jit3A_37 = arith.constant 0 : i32
        %select_n3A_38 = arith.select %gt3A_36, %reduce_sum3A_35, %jit3A_37 : i32
        %get3A_39 = arith.constant 0 : index
        %get3A_40 = tpu.vector_load %arg6[%get3A_39] {strides = array<i32>} : memref<320xi32, #tpu.memory_space<vmem>>, vector<16xi32>,
        %add3A_41 = arith.constant 0 : i32
        %add3A_42 = vector.broadcast %add3A_41 : i32 to vector<16xi32>
        %add3A_43 = arith.addi %add3A_42, %iota3A : vector<16xi32>
        %lt3A = vector.broadcast %while3A_28#1 : i32 to vector<16xi32>
        %lt3A_44 = arith.cmpi slt, %add3A_43, %lt3A : vector<16xi32>
        %broadcast_in_dim3A_45 = vector.broadcast %select_n3A_38 : i32 to vector<16xi32>
        %select_n3A_46 = arith.select %lt3A_44, %get3A_40, %broadcast_in_dim3A_45 : vector<16xi1>, vector<16xi32>
        tpu.vector_store_idx %arg7[%broadcast_in_dim3A, %add3A_43], %select_n3A_46 : memref<16x64xi32, #tpu.memory_space<vmem>>[vector<16xi32>, vector<16xi32>], vector<16xi32>,
        %get3A_47 = arith.constant 16 : index
        %get3A_48 = tpu.vector_load %arg6[%get3A_47] {strides = array<i32>} : memref<320xi32, #tpu.memory_space<vmem>>, vector<16xi32>,
        %add3A_49 = arith.constant 16 : i32
        %add3A_50 = vector.broadcast %add3A_49 : i32 to vector<16xi32>
        %add3A_51 = arith.addi %add3A_50, %iota3A : vector<16xi32>
        %lt3A_52 = vector.broadcast %while3A_28#1 : i32 to vector<16xi32>
        %lt3A_53 = arith.cmpi slt, %add3A_51, %lt3A_52 : vector<16xi32>
        %broadcast_in_dim3A_54 = vector.broadcast %select_n3A_38 : i32 to vector<16xi32>
        %select_n3A_55 = arith.select %lt3A_53, %get3A_48, %broadcast_in_dim3A_54 : vector<16xi1>, vector<16xi32>
        tpu.vector_store_idx %arg7[%broadcast_in_dim3A, %add3A_51], %select_n3A_55 : memref<16x64xi32, #tpu.memory_space<vmem>>[vector<16xi32>, vector<16xi32>], vector<16xi32>,
        %get3A_56 = arith.constant 32 : index
        %get3A_57 = tpu.vector_load %arg6[%get3A_56] {strides = array<i32>} : memref<320xi32, #tpu.memory_space<vmem>>, vector<16xi32>,
        %add3A_58 = arith.constant 32 : i32
        %add3A_59 = vector.broadcast %add3A_58 : i32 to vector<16xi32>
        %add3A_60 = arith.addi %add3A_59, %iota3A : vector<16xi32>
        %lt3A_61 = vector.broadcast %while3A_28#1 : i32 to vector<16xi32>
        %lt3A_62 = arith.cmpi slt, %add3A_60, %lt3A_61 : vector<16xi32>
        %broadcast_in_dim3A_63 = vector.broadcast %select_n3A_38 : i32 to vector<16xi32>
        %select_n3A_64 = arith.select %lt3A_62, %get3A_57, %broadcast_in_dim3A_63 : vector<16xi1>, vector<16xi32>
        tpu.vector_store_idx %arg7[%broadcast_in_dim3A, %add3A_60], %select_n3A_64 : memref<16x64xi32, #tpu.memory_space<vmem>>[vector<16xi32>, vector<16xi32>], vector<16xi32>,
        %get3A_65 = arith.constant 48 : index
        %get3A_66 = tpu.vector_load %arg6[%get3A_65] {strides = array<i32>} : memref<320xi32, #tpu.memory_space<vmem>>, vector<16xi32>,
        %add3A_67 = arith.constant 48 : i32
        %add3A_68 = vector.broadcast %add3A_67 : i32 to vector<16xi32>
        %add3A_69 = arith.addi %add3A_68, %iota3A : vector<16xi32>
        %lt3A_70 = vector.broadcast %while3A_28#1 : i32 to vector<16xi32>
        %lt3A_71 = arith.cmpi slt, %add3A_69, %lt3A_70 : vector<16xi32>
        %broadcast_in_dim3A_72 = vector.broadcast %select_n3A_38 : i32 to vector<16xi32>
        %select_n3A_73 = arith.select %lt3A_71, %get3A_66, %broadcast_in_dim3A_72 : vector<16xi1>, vector<16xi32>
        tpu.vector_store_idx %arg7[%broadcast_in_dim3A, %add3A_69], %select_n3A_73 : memref<16x64xi32, #tpu.memory_space<vmem>>[vector<16xi32>, vector<16xi32>], vector<16xi32>,
      }
      %scan3A_17 = arith.constant 16 : i32
      "tpu.region"() ({
        %run_scoped3A = tpu.sem_alloc : memref<!tpu.dma_semaphore, #tpu.memory_space<semaphore_mem>>
        %dma_start3A = arith.constant 0 : i32
        %dma_start3A_18 = tpu.memref_slice %arg3[%add3A_11, %dma_start3A] : memref<1024x64xi32, #tpu.memory_space<hbm>> -> memref<16x64xi32, #tpu.memory_space<hbm>>
        %dma_start3A_19 = arith.constant 0 : i32
        %dma_start3A_20 = tpu.memref_slice %arg3[%add3A_11, %dma_start3A_19] : memref<1024x64xi32, #tpu.memory_space<hbm>> -> memref<16x64xi32, #tpu.memory_space<hbm>>
        tpu.enqueue_dma source(%arg7 : memref<16x64xi32, #tpu.memory_space<vmem>>) target(%dma_start3A_20 : memref<16x64xi32, #tpu.memory_space<hbm>>) target_semaphore(%run_scoped3A : memref<!tpu.dma_semaphore, #tpu.memory_space<semaphore_mem>>)
        %dma_wait3A = arith.constant 0 : i32
        %dma_wait3A_21 = tpu.memref_slice %arg3[%add3A_11, %dma_wait3A] : memref<1024x64xi32, #tpu.memory_space<hbm>> -> memref<16x64xi32, #tpu.memory_space<hbm>>
        %dma_wait3A_22 = arith.constant 0 : i32
        %dma_wait3A_23 = tpu.memref_slice %arg3[%add3A_11, %dma_wait3A_22] : memref<1024x64xi32, #tpu.memory_space<hbm>> -> memref<16x64xi32, #tpu.memory_space<hbm>>
        tpu.wait_dma2 semaphore(%run_scoped3A : memref<!tpu.dma_semaphore, #tpu.memory_space<semaphore_mem>>) src(%arg7 : memref<16x64xi32, #tpu.memory_space<vmem>>) dst(%dma_wait3A_23 : memref<16x64xi32, #tpu.memory_space<hbm>>)
        tpu.yield
      }) : () -> ()
    }
    %scan3A_7 = arith.constant 2 : i32
    return
  }
}

#map = affine_map<(d0, d1) -> (0, 0)>
module attributes {stable_mosaic.version = 14 : i64} {
  func.func @_select_body(%arg0: i32, %arg1: i32, %arg2: memref<1024x1024xi32, #tpu.memory_space<hbm>>, %arg3: memref<1024x64xi32, #tpu.memory_space<hbm>>, %arg4: memref<16x1024xi32, #tpu.memory_space<vmem>>, %arg5: memref<1040xi32, #tpu.memory_space<vmem>>, %arg6: memref<320xi32, #tpu.memory_space<vmem>>, %arg7: memref<16x64xi32, #tpu.memory_space<vmem>>) attributes {dimension_semantics = [#tpu.dimension_semantics<core_parallel>, #tpu.dimension_semantics<subcore_parallel>], iteration_bounds = array<i64: 2, 16>, scalar_prefetch = 0 : i64, scratch_operands = 4 : i64, tpu.core_type = #tpu.core_type<sc_vector_subcore>, window_params = [{transform_indices = #map}, {transform_indices = #map}]} {
    %mul3A = arith.constant 2 : i32
    %mul3A_0 = arith.muli %arg1, %mul3A : i32
    %add3A = arith.addi %mul3A_0, %arg0 : i32
    %mul3A_1 = arith.constant 32 : i32
    %mul3A_2 = arith.muli %add3A, %mul3A_1 : i32
    %iota3A = tpu.iota {dimensions = array<i32: 0>} : vector<16xi32>
    %scan3A = arith.constant 0 : i32
    %scan3A_3 = arith.constant 0 : i32
    %scan3A_4 = arith.constant 2 : i32
    %scan3A_5 = arith.addi %scan3A_3, %scan3A_4 : i32
    %scan3A_6 = arith.constant 1 : i32
    scf.for %scan3A_8 = %scan3A_3 to %scan3A_5 step %scan3A_6  : i32 {
      %mul3A_9 = arith.constant 16 : i32
      %mul3A_10 = arith.muli %scan3A_8, %mul3A_9 : i32
      %add3A_11 = arith.addi %mul3A_2, %mul3A_10 : i32
      "tpu.region"() ({
        %run_scoped3A = tpu.sem_alloc : memref<!tpu.dma_semaphore, #tpu.memory_space<semaphore_mem>>
        %dma_start3A = arith.constant 0 : i32
        %dma_start3A_18 = tpu.memref_slice %arg2[%add3A_11, %dma_start3A] : memref<1024x1024xi32, #tpu.memory_space<hbm>> -> memref<16x1024xi32, #tpu.memory_space<hbm>>
        %dma_start3A_19 = arith.constant 0 : i32
        %dma_start3A_20 = tpu.memref_slice %arg2[%add3A_11, %dma_start3A_19] : memref<1024x1024xi32, #tpu.memory_space<hbm>> -> memref<16x1024xi32, #tpu.memory_space<hbm>>
        tpu.enqueue_dma source(%dma_start3A_20 : memref<16x1024xi32, #tpu.memory_space<hbm>>) target(%arg4 : memref<16x1024xi32, #tpu.memory_space<vmem>>) target_semaphore(%run_scoped3A : memref<!tpu.dma_semaphore, #tpu.memory_space<semaphore_mem>>)
        %dma_wait3A = arith.constant 0 : i32
        %dma_wait3A_21 = tpu.memref_slice %arg2[%add3A_11, %dma_wait3A] : memref<1024x1024xi32, #tpu.memory_space<hbm>> -> memref<16x1024xi32, #tpu.memory_space<hbm>>
        %dma_wait3A_22 = arith.constant 0 : i32
        %dma_wait3A_23 = tpu.memref_slice %arg2[%add3A_11, %dma_wait3A_22] : memref<1024x1024xi32, #tpu.memory_space<hbm>> -> memref<16x1024xi32, #tpu.memory_space<hbm>>
        tpu.wait_dma2 semaphore(%run_scoped3A : memref<!tpu.dma_semaphore, #tpu.memory_space<semaphore_mem>>) src(%dma_wait3A_23 : memref<16x1024xi32, #tpu.memory_space<hbm>>) dst(%arg4 : memref<16x1024xi32, #tpu.memory_space<vmem>>)
        tpu.yield
      }) : () -> ()
      %scan3A_12 = arith.constant 0 : i32
      %scan3A_13 = arith.constant 0 : i32
      %scan3A_14 = arith.constant 16 : i32
      %scan3A_15 = arith.addi %scan3A_13, %scan3A_14 : i32
      %scan3A_16 = arith.constant 1 : i32
      scf.for %scan3A_18 = %scan3A_13 to %scan3A_15 step %scan3A_16  : i32 {
        %broadcast_in_dim3A = vector.broadcast %scan3A_18 : i32 to vector<16xi32>
        %scan3A_19 = arith.constant 0 : i32
        %scan3A_20 = arith.constant 0 : i32
        %scan3A_21 = arith.constant 64 : i32
        %scan3A_22 = arith.addi %scan3A_20, %scan3A_21 : i32
        %scan3A_23 = arith.constant 1 : i32
        %scan3A_24 = scf.for %scan3A_74 = %scan3A_20 to %scan3A_22 step %scan3A_23 iter_args(%scan3A_75 = %scan3A_19) -> (i32)  : i32 {
          %mul3A_76 = arith.constant 16 : i32
          %mul3A_77 = arith.muli %scan3A_74, %mul3A_76 : i32
          %add3A_78 = vector.broadcast %mul3A_77 : i32 to vector<16xi32>
          %add3A_79 = arith.addi %add3A_78, %iota3A : vector<16xi32>
          %gather3A = tpu.vector_load_idx %arg4[%broadcast_in_dim3A, %add3A_79] : memref<16x1024xi32, #tpu.memory_space<vmem>>[vector<16xi32>, vector<16xi32>], vector<16xi32>,
          %ne3A = arith.constant 0 : i32
          %ne3A_80 = vector.broadcast %ne3A : i32 to vector<16xi32>
          %ne3A_81 = arith.cmpi ne, %gather3A, %ne3A_80 : vector<16xi32>
          %mul3A_82 = arith.constant 16 : i32
          %mul3A_83 = arith.muli %scan3A_74, %mul3A_82 : i32
          %add3A_84 = vector.broadcast %mul3A_83 : i32 to vector<16xi32>
          %add3A_85 = arith.addi %add3A_84, %iota3A : vector<16xi32>
          %swap3A = arith.index_cast %scan3A_75 : i32 to index
          %swap3A_86 = tpu.vector_load %arg5[%swap3A] masked %ne3A_81 {strides = array<i32>} : memref<1040xi32, #tpu.memory_space<vmem>>, vector<16xi32>, vector<16xi1>
          tpu.vector_store %arg5[%swap3A], %add3A_85 masked %ne3A_81 {strides = array<i32>} : memref<1040xi32, #tpu.memory_space<vmem>>, vector<16xi32>, vector<16xi1>
          %all_reduce_population_count3A = tpu.all_reduce %ne3A_81 {dim = 0 : i64, kind = #tpu.reduction_kind<sum>} : vector<16xi1> -> vector<16xi32>
          %reduce_max3A = arith.constant true
          %reduce_max3A_87 = vector.broadcast %reduce_max3A : i1 to vector<16xi1>
          %reduce_max3A_88 = arith.constant -2147483648 : i32
          %reduce_max3A_89 = vector.broadcast %reduce_max3A_88 : i32 to vector<16xi32>
          %reduce_max3A_90 = arith.xori %all_reduce_population_count3A, %reduce_max3A_89 : vector<16xi32>
          %reduce_max3A_91 = tpu.scan <max>, %reduce_max3A_90 masked %reduce_max3A_87 : vector<16xi32>, vector<16xi1> -> vector<16xi32>
          %reduce_max3A_92 = arith.xori %reduce_max3A_91, %reduce_max3A_89 : vector<16xi32>
          %reduce_max3A_93 = vector.extract %reduce_max3A_92[15] : i32 from vector<16xi32>
          %add3A_94 = arith.addi %scan3A_75, %reduce_max3A_93 : i32
          scf.yield %add3A_94 : i32
        }
        %scan3A_25 = arith.constant 64 : i32
        %min3A = arith.constant 96 : i32
        %min3A_26 = arith.minsi %scan3A_24, %min3A : i32
        %while3A = arith.constant 0 : i32
        %while3A_27 = arith.constant 0 : i32
        %while3A_28:2 = scf.while (%while3A_74 = %while3A, %while3A_75 = %while3A_27) : (i32, i32) -> (i32, i32) {
          %mul3A_76 = arith.constant 16 : i32
          %mul3A_77 = arith.muli %while3A_74, %mul3A_76 : i32
          %lt3A_78 = arith.cmpi slt, %mul3A_77, %min3A_26 : i32
          %lt3A_79 = arith.constant 64 : i32
          %lt3A_80 = arith.cmpi slt, %while3A_75, %lt3A_79 : i32
          %and3A = arith.andi %lt3A_78, %lt3A_80 : i1
          scf.condition(%and3A) %while3A_74, %while3A_75 : i32, i32
        } do {
        ^bb0(%while3A_74: i32, %while3A_75: i32):
          %mul3A_76 = arith.constant 16 : i32
          %mul3A_77 = arith.muli %while3A_74, %mul3A_76 : i32
          %add3A_78 = vector.broadcast %mul3A_77 : i32 to vector<16xi32>
          %add3A_79 = arith.addi %add3A_78, %iota3A : vector<16xi32>
          %gather3A = tpu.vector_load_idx %arg5[%add3A_79] : memref<1040xi32, #tpu.memory_space<vmem>>[vector<16xi32>], vector<16xi32>,
          %lt3A_80 = vector.broadcast %min3A_26 : i32 to vector<16xi32>
          %lt3A_81 = arith.cmpi slt, %add3A_79, %lt3A_80 : vector<16xi32>
          %jit3A_82 = arith.constant 0 : i32
          %broadcast_in_dim3A_83 = vector.broadcast %jit3A_82 : i32 to vector<16xi32>
          %select_n3A_84 = arith.select %lt3A_81, %gather3A, %broadcast_in_dim3A_83 : vector<16xi1>, vector<16xi32>
          %gather3A_85 = tpu.vector_load_idx %arg4[%broadcast_in_dim3A, %select_n3A_84] : memref<16x1024xi32, #tpu.memory_space<vmem>>[vector<16xi32>, vector<16xi32>], vector<16xi32>,
          %jit3A_86 = arith.constant 0 : i32
          %broadcast_in_dim3A_87 = vector.broadcast %jit3A_86 : i32 to vector<16xi32>
          %select_n3A_88 = arith.select %lt3A_81, %gather3A_85, %broadcast_in_dim3A_87 : vector<16xi1>, vector<16xi32>
          %shift_right_arithmetic3A = arith.constant 1 : i32
          %shift_right_arithmetic3A_89 = vector.broadcast %shift_right_arithmetic3A : i32 to vector<16xi32>
          %shift_right_arithmetic3A_90 = arith.shrsi %select_n3A_88, %shift_right_arithmetic3A_89 : vector<16xi32>
          %and3A = arith.constant 21845 : i32
          %and3A_91 = vector.broadcast %and3A : i32 to vector<16xi32>
          %and3A_92 = arith.andi %shift_right_arithmetic3A_90, %and3A_91 : vector<16xi32>
          %sub3A = arith.subi %select_n3A_88, %and3A_92 : vector<16xi32>
          %and3A_93 = arith.constant 13107 : i32
          %and3A_94 = vector.broadcast %and3A_93 : i32 to vector<16xi32>
          %and3A_95 = arith.andi %sub3A, %and3A_94 : vector<16xi32>
          %shift_right_arithmetic3A_96 = arith.constant 2 : i32
          %shift_right_arithmetic3A_97 = vector.broadcast %shift_right_arithmetic3A_96 : i32 to vector<16xi32>
          %shift_right_arithmetic3A_98 = arith.shrsi %sub3A, %shift_right_arithmetic3A_97 : vector<16xi32>
          %and3A_99 = arith.constant 13107 : i32
          %and3A_100 = vector.broadcast %and3A_99 : i32 to vector<16xi32>
          %and3A_101 = arith.andi %shift_right_arithmetic3A_98, %and3A_100 : vector<16xi32>
          %add3A_102 = arith.addi %and3A_95, %and3A_101 : vector<16xi32>
          %shift_right_arithmetic3A_103 = arith.constant 4 : i32
          %shift_right_arithmetic3A_104 = vector.broadcast %shift_right_arithmetic3A_103 : i32 to vector<16xi32>
          %shift_right_arithmetic3A_105 = arith.shrsi %add3A_102, %shift_right_arithmetic3A_104 : vector<16xi32>
          %add3A_106 = arith.addi %add3A_102, %shift_right_arithmetic3A_105 : vector<16xi32>
          %and3A_107 = arith.constant 3855 : i32
          %and3A_108 = vector.broadcast %and3A_107 : i32 to vector<16xi32>
          %and3A_109 = arith.andi %add3A_106, %and3A_108 : vector<16xi32>
          %shift_right_arithmetic3A_110 = arith.constant 8 : i32
          %shift_right_arithmetic3A_111 = vector.broadcast %shift_right_arithmetic3A_110 : i32 to vector<16xi32>
          %shift_right_arithmetic3A_112 = arith.shrsi %and3A_109, %shift_right_arithmetic3A_111 : vector<16xi32>
          %add3A_113 = arith.addi %and3A_109, %shift_right_arithmetic3A_112 : vector<16xi32>
          %and3A_114 = arith.constant 31 : i32
          %and3A_115 = vector.broadcast %and3A_114 : i32 to vector<16xi32>
          %and3A_116 = arith.andi %add3A_113, %and3A_115 : vector<16xi32>
          %broadcast_in_dim3A_117 = arith.constant true
          %broadcast_in_dim3A_118 = vector.broadcast %broadcast_in_dim3A_117 : i1 to vector<16xi1>
          %masked_cumsum3A = tpu.scan <sum>, %and3A_116 masked %broadcast_in_dim3A_118 : vector<16xi32>, vector<16xi1> -> vector<16xi32>
          %add3A_119 = vector.broadcast %while3A_75 : i32 to vector<16xi32>
          %add3A_120 = arith.addi %add3A_119, %masked_cumsum3A : vector<16xi32>
          %sub3A_121 = arith.subi %add3A_120, %and3A_116 : vector<16xi32>
          %mul3A_122 = arith.constant 16 : i32
          %mul3A_123 = vector.broadcast %mul3A_122 : i32 to vector<16xi32>
          %mul3A_124 = arith.muli %select_n3A_84, %mul3A_123 : vector<16xi32>
          %shift_right_arithmetic3A_125 = arith.constant 0 : i32
          %shift_right_arithmetic3A_126 = vector.broadcast %shift_right_arithmetic3A_125 : i32 to vector<16xi32>
          %shift_right_arithmetic3A_127 = arith.shrsi %select_n3A_88, %shift_right_arithmetic3A_126 : vector<16xi32>
          %and3A_128 = arith.constant 1 : i32
          %and3A_129 = vector.broadcast %and3A_128 : i32 to vector<16xi32>
          %and3A_130 = arith.andi %shift_right_arithmetic3A_127, %and3A_129 : vector<16xi32>
          %add3A_131 = arith.constant 0 : i32
          %add3A_132 = vector.broadcast %add3A_131 : i32 to vector<16xi32>
          %add3A_133 = arith.addi %mul3A_124, %add3A_132 : vector<16xi32>
          %eq3A_134 = arith.constant 1 : i32
          %eq3A_135 = vector.broadcast %eq3A_134 : i32 to vector<16xi32>
          %eq3A_136 = arith.cmpi eq, %and3A_130, %eq3A_135 : vector<16xi32>
          tpu.vector_store_idx %arg6[%sub3A_121], %add3A_133 masked %eq3A_136 : memref<320xi32, #tpu.memory_space<vmem>>[vector<16xi32>], vector<16xi32>, vector<16xi1>
          %add3A_137 = arith.addi %sub3A_121, %and3A_130 : vector<16xi32>
          %shift_right_arithmetic3A_138 = arith.constant 1 : i32
          %shift_right_arithmetic3A_139 = vector.broadcast %shift_right_arithmetic3A_138 : i32 to vector<16xi32>
          %shift_right_arithmetic3A_140 = arith.shrsi %select_n3A_88, %shift_right_arithmetic3A_139 : vector<16xi32>
          %and3A_141 = arith.constant 1 : i32
          %and3A_142 = vector.broadcast %and3A_141 : i32 to vector<16xi32>
          %and3A_143 = arith.andi %shift_right_arithmetic3A_140, %and3A_142 : vector<16xi32>
          %add3A_144 = arith.constant 1 : i32
          %add3A_145 = vector.broadcast %add3A_144 : i32 to vector<16xi32>
          %add3A_146 = arith.addi %mul3A_124, %add3A_145 : vector<16xi32>
          %eq3A_147 = arith.constant 1 : i32
          %eq3A_148 = vector.broadcast %eq3A_147 : i32 to vector<16xi32>
          %eq3A_149 = arith.cmpi eq, %and3A_143, %eq3A_148 : vector<16xi32>
          tpu.vector_store_idx %arg6[%add3A_137], %add3A_146 masked %eq3A_149 : memref<320xi32, #tpu.memory_space<vmem>>[vector<16xi32>], vector<16xi32>, vector<16xi1>
          %add3A_150 = arith.addi %add3A_137, %and3A_143 : vector<16xi32>
          %shift_right_arithmetic3A_151 = arith.constant 2 : i32
          %shift_right_arithmetic3A_152 = vector.broadcast %shift_right_arithmetic3A_151 : i32 to vector<16xi32>
          %shift_right_arithmetic3A_153 = arith.shrsi %select_n3A_88, %shift_right_arithmetic3A_152 : vector<16xi32>
          %and3A_154 = arith.constant 1 : i32
          %and3A_155 = vector.broadcast %and3A_154 : i32 to vector<16xi32>
          %and3A_156 = arith.andi %shift_right_arithmetic3A_153, %and3A_155 : vector<16xi32>
          %add3A_157 = arith.constant 2 : i32
          %add3A_158 = vector.broadcast %add3A_157 : i32 to vector<16xi32>
          %add3A_159 = arith.addi %mul3A_124, %add3A_158 : vector<16xi32>
          %eq3A_160 = arith.constant 1 : i32
          %eq3A_161 = vector.broadcast %eq3A_160 : i32 to vector<16xi32>
          %eq3A_162 = arith.cmpi eq, %and3A_156, %eq3A_161 : vector<16xi32>
          tpu.vector_store_idx %arg6[%add3A_150], %add3A_159 masked %eq3A_162 : memref<320xi32, #tpu.memory_space<vmem>>[vector<16xi32>], vector<16xi32>, vector<16xi1>
          %add3A_163 = arith.addi %add3A_150, %and3A_156 : vector<16xi32>
          %shift_right_arithmetic3A_164 = arith.constant 3 : i32
          %shift_right_arithmetic3A_165 = vector.broadcast %shift_right_arithmetic3A_164 : i32 to vector<16xi32>
          %shift_right_arithmetic3A_166 = arith.shrsi %select_n3A_88, %shift_right_arithmetic3A_165 : vector<16xi32>
          %and3A_167 = arith.constant 1 : i32
          %and3A_168 = vector.broadcast %and3A_167 : i32 to vector<16xi32>
          %and3A_169 = arith.andi %shift_right_arithmetic3A_166, %and3A_168 : vector<16xi32>
          %add3A_170 = arith.constant 3 : i32
          %add3A_171 = vector.broadcast %add3A_170 : i32 to vector<16xi32>
          %add3A_172 = arith.addi %mul3A_124, %add3A_171 : vector<16xi32>
          %eq3A_173 = arith.constant 1 : i32
          %eq3A_174 = vector.broadcast %eq3A_173 : i32 to vector<16xi32>
          %eq3A_175 = arith.cmpi eq, %and3A_169, %eq3A_174 : vector<16xi32>
          tpu.vector_store_idx %arg6[%add3A_163], %add3A_172 masked %eq3A_175 : memref<320xi32, #tpu.memory_space<vmem>>[vector<16xi32>], vector<16xi32>, vector<16xi1>
          %add3A_176 = arith.addi %add3A_163, %and3A_169 : vector<16xi32>
          %shift_right_arithmetic3A_177 = arith.constant 4 : i32
          %shift_right_arithmetic3A_178 = vector.broadcast %shift_right_arithmetic3A_177 : i32 to vector<16xi32>
          %shift_right_arithmetic3A_179 = arith.shrsi %select_n3A_88, %shift_right_arithmetic3A_178 : vector<16xi32>
          %and3A_180 = arith.constant 1 : i32
          %and3A_181 = vector.broadcast %and3A_180 : i32 to vector<16xi32>
          %and3A_182 = arith.andi %shift_right_arithmetic3A_179, %and3A_181 : vector<16xi32>
          %add3A_183 = arith.constant 4 : i32
          %add3A_184 = vector.broadcast %add3A_183 : i32 to vector<16xi32>
          %add3A_185 = arith.addi %mul3A_124, %add3A_184 : vector<16xi32>
          %eq3A_186 = arith.constant 1 : i32
          %eq3A_187 = vector.broadcast %eq3A_186 : i32 to vector<16xi32>
          %eq3A_188 = arith.cmpi eq, %and3A_182, %eq3A_187 : vector<16xi32>
          tpu.vector_store_idx %arg6[%add3A_176], %add3A_185 masked %eq3A_188 : memref<320xi32, #tpu.memory_space<vmem>>[vector<16xi32>], vector<16xi32>, vector<16xi1>
          %add3A_189 = arith.addi %add3A_176, %and3A_182 : vector<16xi32>
          %shift_right_arithmetic3A_190 = arith.constant 5 : i32
          %shift_right_arithmetic3A_191 = vector.broadcast %shift_right_arithmetic3A_190 : i32 to vector<16xi32>
          %shift_right_arithmetic3A_192 = arith.shrsi %select_n3A_88, %shift_right_arithmetic3A_191 : vector<16xi32>
          %and3A_193 = arith.constant 1 : i32
          %and3A_194 = vector.broadcast %and3A_193 : i32 to vector<16xi32>
          %and3A_195 = arith.andi %shift_right_arithmetic3A_192, %and3A_194 : vector<16xi32>
          %add3A_196 = arith.constant 5 : i32
          %add3A_197 = vector.broadcast %add3A_196 : i32 to vector<16xi32>
          %add3A_198 = arith.addi %mul3A_124, %add3A_197 : vector<16xi32>
          %eq3A_199 = arith.constant 1 : i32
          %eq3A_200 = vector.broadcast %eq3A_199 : i32 to vector<16xi32>
          %eq3A_201 = arith.cmpi eq, %and3A_195, %eq3A_200 : vector<16xi32>
          tpu.vector_store_idx %arg6[%add3A_189], %add3A_198 masked %eq3A_201 : memref<320xi32, #tpu.memory_space<vmem>>[vector<16xi32>], vector<16xi32>, vector<16xi1>
          %add3A_202 = arith.addi %add3A_189, %and3A_195 : vector<16xi32>
          %shift_right_arithmetic3A_203 = arith.constant 6 : i32
          %shift_right_arithmetic3A_204 = vector.broadcast %shift_right_arithmetic3A_203 : i32 to vector<16xi32>
          %shift_right_arithmetic3A_205 = arith.shrsi %select_n3A_88, %shift_right_arithmetic3A_204 : vector<16xi32>
          %and3A_206 = arith.constant 1 : i32
          %and3A_207 = vector.broadcast %and3A_206 : i32 to vector<16xi32>
          %and3A_208 = arith.andi %shift_right_arithmetic3A_205, %and3A_207 : vector<16xi32>
          %add3A_209 = arith.constant 6 : i32
          %add3A_210 = vector.broadcast %add3A_209 : i32 to vector<16xi32>
          %add3A_211 = arith.addi %mul3A_124, %add3A_210 : vector<16xi32>
          %eq3A_212 = arith.constant 1 : i32
          %eq3A_213 = vector.broadcast %eq3A_212 : i32 to vector<16xi32>
          %eq3A_214 = arith.cmpi eq, %and3A_208, %eq3A_213 : vector<16xi32>
          tpu.vector_store_idx %arg6[%add3A_202], %add3A_211 masked %eq3A_214 : memref<320xi32, #tpu.memory_space<vmem>>[vector<16xi32>], vector<16xi32>, vector<16xi1>
          %add3A_215 = arith.addi %add3A_202, %and3A_208 : vector<16xi32>
          %shift_right_arithmetic3A_216 = arith.constant 7 : i32
          %shift_right_arithmetic3A_217 = vector.broadcast %shift_right_arithmetic3A_216 : i32 to vector<16xi32>
          %shift_right_arithmetic3A_218 = arith.shrsi %select_n3A_88, %shift_right_arithmetic3A_217 : vector<16xi32>
          %and3A_219 = arith.constant 1 : i32
          %and3A_220 = vector.broadcast %and3A_219 : i32 to vector<16xi32>
          %and3A_221 = arith.andi %shift_right_arithmetic3A_218, %and3A_220 : vector<16xi32>
          %add3A_222 = arith.constant 7 : i32
          %add3A_223 = vector.broadcast %add3A_222 : i32 to vector<16xi32>
          %add3A_224 = arith.addi %mul3A_124, %add3A_223 : vector<16xi32>
          %eq3A_225 = arith.constant 1 : i32
          %eq3A_226 = vector.broadcast %eq3A_225 : i32 to vector<16xi32>
          %eq3A_227 = arith.cmpi eq, %and3A_221, %eq3A_226 : vector<16xi32>
          tpu.vector_store_idx %arg6[%add3A_215], %add3A_224 masked %eq3A_227 : memref<320xi32, #tpu.memory_space<vmem>>[vector<16xi32>], vector<16xi32>, vector<16xi1>
          %add3A_228 = arith.addi %add3A_215, %and3A_221 : vector<16xi32>
          %shift_right_arithmetic3A_229 = arith.constant 8 : i32
          %shift_right_arithmetic3A_230 = vector.broadcast %shift_right_arithmetic3A_229 : i32 to vector<16xi32>
          %shift_right_arithmetic3A_231 = arith.shrsi %select_n3A_88, %shift_right_arithmetic3A_230 : vector<16xi32>
          %and3A_232 = arith.constant 1 : i32
          %and3A_233 = vector.broadcast %and3A_232 : i32 to vector<16xi32>
          %and3A_234 = arith.andi %shift_right_arithmetic3A_231, %and3A_233 : vector<16xi32>
          %add3A_235 = arith.constant 8 : i32
          %add3A_236 = vector.broadcast %add3A_235 : i32 to vector<16xi32>
          %add3A_237 = arith.addi %mul3A_124, %add3A_236 : vector<16xi32>
          %eq3A_238 = arith.constant 1 : i32
          %eq3A_239 = vector.broadcast %eq3A_238 : i32 to vector<16xi32>
          %eq3A_240 = arith.cmpi eq, %and3A_234, %eq3A_239 : vector<16xi32>
          tpu.vector_store_idx %arg6[%add3A_228], %add3A_237 masked %eq3A_240 : memref<320xi32, #tpu.memory_space<vmem>>[vector<16xi32>], vector<16xi32>, vector<16xi1>
          %add3A_241 = arith.addi %add3A_228, %and3A_234 : vector<16xi32>
          %shift_right_arithmetic3A_242 = arith.constant 9 : i32
          %shift_right_arithmetic3A_243 = vector.broadcast %shift_right_arithmetic3A_242 : i32 to vector<16xi32>
          %shift_right_arithmetic3A_244 = arith.shrsi %select_n3A_88, %shift_right_arithmetic3A_243 : vector<16xi32>
          %and3A_245 = arith.constant 1 : i32
          %and3A_246 = vector.broadcast %and3A_245 : i32 to vector<16xi32>
          %and3A_247 = arith.andi %shift_right_arithmetic3A_244, %and3A_246 : vector<16xi32>
          %add3A_248 = arith.constant 9 : i32
          %add3A_249 = vector.broadcast %add3A_248 : i32 to vector<16xi32>
          %add3A_250 = arith.addi %mul3A_124, %add3A_249 : vector<16xi32>
          %eq3A_251 = arith.constant 1 : i32
          %eq3A_252 = vector.broadcast %eq3A_251 : i32 to vector<16xi32>
          %eq3A_253 = arith.cmpi eq, %and3A_247, %eq3A_252 : vector<16xi32>
          tpu.vector_store_idx %arg6[%add3A_241], %add3A_250 masked %eq3A_253 : memref<320xi32, #tpu.memory_space<vmem>>[vector<16xi32>], vector<16xi32>, vector<16xi1>
          %add3A_254 = arith.addi %add3A_241, %and3A_247 : vector<16xi32>
          %shift_right_arithmetic3A_255 = arith.constant 10 : i32
          %shift_right_arithmetic3A_256 = vector.broadcast %shift_right_arithmetic3A_255 : i32 to vector<16xi32>
          %shift_right_arithmetic3A_257 = arith.shrsi %select_n3A_88, %shift_right_arithmetic3A_256 : vector<16xi32>
          %and3A_258 = arith.constant 1 : i32
          %and3A_259 = vector.broadcast %and3A_258 : i32 to vector<16xi32>
          %and3A_260 = arith.andi %shift_right_arithmetic3A_257, %and3A_259 : vector<16xi32>
          %add3A_261 = arith.constant 10 : i32
          %add3A_262 = vector.broadcast %add3A_261 : i32 to vector<16xi32>
          %add3A_263 = arith.addi %mul3A_124, %add3A_262 : vector<16xi32>
          %eq3A_264 = arith.constant 1 : i32
          %eq3A_265 = vector.broadcast %eq3A_264 : i32 to vector<16xi32>
          %eq3A_266 = arith.cmpi eq, %and3A_260, %eq3A_265 : vector<16xi32>
          tpu.vector_store_idx %arg6[%add3A_254], %add3A_263 masked %eq3A_266 : memref<320xi32, #tpu.memory_space<vmem>>[vector<16xi32>], vector<16xi32>, vector<16xi1>
          %add3A_267 = arith.addi %add3A_254, %and3A_260 : vector<16xi32>
          %shift_right_arithmetic3A_268 = arith.constant 11 : i32
          %shift_right_arithmetic3A_269 = vector.broadcast %shift_right_arithmetic3A_268 : i32 to vector<16xi32>
          %shift_right_arithmetic3A_270 = arith.shrsi %select_n3A_88, %shift_right_arithmetic3A_269 : vector<16xi32>
          %and3A_271 = arith.constant 1 : i32
          %and3A_272 = vector.broadcast %and3A_271 : i32 to vector<16xi32>
          %and3A_273 = arith.andi %shift_right_arithmetic3A_270, %and3A_272 : vector<16xi32>
          %add3A_274 = arith.constant 11 : i32
          %add3A_275 = vector.broadcast %add3A_274 : i32 to vector<16xi32>
          %add3A_276 = arith.addi %mul3A_124, %add3A_275 : vector<16xi32>
          %eq3A_277 = arith.constant 1 : i32
          %eq3A_278 = vector.broadcast %eq3A_277 : i32 to vector<16xi32>
          %eq3A_279 = arith.cmpi eq, %and3A_273, %eq3A_278 : vector<16xi32>
          tpu.vector_store_idx %arg6[%add3A_267], %add3A_276 masked %eq3A_279 : memref<320xi32, #tpu.memory_space<vmem>>[vector<16xi32>], vector<16xi32>, vector<16xi1>
          %add3A_280 = arith.addi %add3A_267, %and3A_273 : vector<16xi32>
          %shift_right_arithmetic3A_281 = arith.constant 12 : i32
          %shift_right_arithmetic3A_282 = vector.broadcast %shift_right_arithmetic3A_281 : i32 to vector<16xi32>
          %shift_right_arithmetic3A_283 = arith.shrsi %select_n3A_88, %shift_right_arithmetic3A_282 : vector<16xi32>
          %and3A_284 = arith.constant 1 : i32
          %and3A_285 = vector.broadcast %and3A_284 : i32 to vector<16xi32>
          %and3A_286 = arith.andi %shift_right_arithmetic3A_283, %and3A_285 : vector<16xi32>
          %add3A_287 = arith.constant 12 : i32
          %add3A_288 = vector.broadcast %add3A_287 : i32 to vector<16xi32>
          %add3A_289 = arith.addi %mul3A_124, %add3A_288 : vector<16xi32>
          %eq3A_290 = arith.constant 1 : i32
          %eq3A_291 = vector.broadcast %eq3A_290 : i32 to vector<16xi32>
          %eq3A_292 = arith.cmpi eq, %and3A_286, %eq3A_291 : vector<16xi32>
          tpu.vector_store_idx %arg6[%add3A_280], %add3A_289 masked %eq3A_292 : memref<320xi32, #tpu.memory_space<vmem>>[vector<16xi32>], vector<16xi32>, vector<16xi1>
          %add3A_293 = arith.addi %add3A_280, %and3A_286 : vector<16xi32>
          %shift_right_arithmetic3A_294 = arith.constant 13 : i32
          %shift_right_arithmetic3A_295 = vector.broadcast %shift_right_arithmetic3A_294 : i32 to vector<16xi32>
          %shift_right_arithmetic3A_296 = arith.shrsi %select_n3A_88, %shift_right_arithmetic3A_295 : vector<16xi32>
          %and3A_297 = arith.constant 1 : i32
          %and3A_298 = vector.broadcast %and3A_297 : i32 to vector<16xi32>
          %and3A_299 = arith.andi %shift_right_arithmetic3A_296, %and3A_298 : vector<16xi32>
          %add3A_300 = arith.constant 13 : i32
          %add3A_301 = vector.broadcast %add3A_300 : i32 to vector<16xi32>
          %add3A_302 = arith.addi %mul3A_124, %add3A_301 : vector<16xi32>
          %eq3A_303 = arith.constant 1 : i32
          %eq3A_304 = vector.broadcast %eq3A_303 : i32 to vector<16xi32>
          %eq3A_305 = arith.cmpi eq, %and3A_299, %eq3A_304 : vector<16xi32>
          tpu.vector_store_idx %arg6[%add3A_293], %add3A_302 masked %eq3A_305 : memref<320xi32, #tpu.memory_space<vmem>>[vector<16xi32>], vector<16xi32>, vector<16xi1>
          %add3A_306 = arith.addi %add3A_293, %and3A_299 : vector<16xi32>
          %shift_right_arithmetic3A_307 = arith.constant 14 : i32
          %shift_right_arithmetic3A_308 = vector.broadcast %shift_right_arithmetic3A_307 : i32 to vector<16xi32>
          %shift_right_arithmetic3A_309 = arith.shrsi %select_n3A_88, %shift_right_arithmetic3A_308 : vector<16xi32>
          %and3A_310 = arith.constant 1 : i32
          %and3A_311 = vector.broadcast %and3A_310 : i32 to vector<16xi32>
          %and3A_312 = arith.andi %shift_right_arithmetic3A_309, %and3A_311 : vector<16xi32>
          %add3A_313 = arith.constant 14 : i32
          %add3A_314 = vector.broadcast %add3A_313 : i32 to vector<16xi32>
          %add3A_315 = arith.addi %mul3A_124, %add3A_314 : vector<16xi32>
          %eq3A_316 = arith.constant 1 : i32
          %eq3A_317 = vector.broadcast %eq3A_316 : i32 to vector<16xi32>
          %eq3A_318 = arith.cmpi eq, %and3A_312, %eq3A_317 : vector<16xi32>
          tpu.vector_store_idx %arg6[%add3A_306], %add3A_315 masked %eq3A_318 : memref<320xi32, #tpu.memory_space<vmem>>[vector<16xi32>], vector<16xi32>, vector<16xi1>
          %add3A_319 = arith.addi %add3A_306, %and3A_312 : vector<16xi32>
          %shift_right_arithmetic3A_320 = arith.constant 15 : i32
          %shift_right_arithmetic3A_321 = vector.broadcast %shift_right_arithmetic3A_320 : i32 to vector<16xi32>
          %shift_right_arithmetic3A_322 = arith.shrsi %select_n3A_88, %shift_right_arithmetic3A_321 : vector<16xi32>
          %and3A_323 = arith.constant 1 : i32
          %and3A_324 = vector.broadcast %and3A_323 : i32 to vector<16xi32>
          %and3A_325 = arith.andi %shift_right_arithmetic3A_322, %and3A_324 : vector<16xi32>
          %add3A_326 = arith.constant 15 : i32
          %add3A_327 = vector.broadcast %add3A_326 : i32 to vector<16xi32>
          %add3A_328 = arith.addi %mul3A_124, %add3A_327 : vector<16xi32>
          %eq3A_329 = arith.constant 1 : i32
          %eq3A_330 = vector.broadcast %eq3A_329 : i32 to vector<16xi32>
          %eq3A_331 = arith.cmpi eq, %and3A_325, %eq3A_330 : vector<16xi32>
          tpu.vector_store_idx %arg6[%add3A_319], %add3A_328 masked %eq3A_331 : memref<320xi32, #tpu.memory_space<vmem>>[vector<16xi32>], vector<16xi32>, vector<16xi1>
          %add3A_332 = arith.addi %add3A_319, %and3A_325 : vector<16xi32>
          %add3A_333 = arith.constant 1 : i32
          %add3A_334 = arith.addi %while3A_74, %add3A_333 : i32
          %reduce_max3A = arith.constant true
          %reduce_max3A_335 = vector.broadcast %reduce_max3A : i1 to vector<16xi1>
          %reduce_max3A_336 = arith.constant -2147483648 : i32
          %reduce_max3A_337 = vector.broadcast %reduce_max3A_336 : i32 to vector<16xi32>
          %reduce_max3A_338 = arith.xori %masked_cumsum3A, %reduce_max3A_337 : vector<16xi32>
          %reduce_max3A_339 = tpu.scan <max>, %reduce_max3A_338 masked %reduce_max3A_335 : vector<16xi32>, vector<16xi1> -> vector<16xi32>
          %reduce_max3A_340 = arith.xori %reduce_max3A_339, %reduce_max3A_337 : vector<16xi32>
          %reduce_max3A_341 = vector.extract %reduce_max3A_340[15] : i32 from vector<16xi32>
          %add3A_342 = arith.addi %while3A_75, %reduce_max3A_341 : i32
          scf.yield %add3A_334, %add3A_342 : i32, i32
        }
        %get3A = arith.constant 0 : index
        %get3A_29 = tpu.vector_load %arg6[%get3A] {strides = array<i32>} : memref<320xi32, #tpu.memory_space<vmem>>, vector<16xi32>,
        %eq3A = arith.constant 0 : i32
        %eq3A_30 = vector.broadcast %eq3A : i32 to vector<16xi32>
        %eq3A_31 = arith.cmpi eq, %iota3A, %eq3A_30 : vector<16xi32>
        %jit3A = arith.constant 0 : i32
        %broadcast_in_dim3A_32 = vector.broadcast %jit3A : i32 to vector<16xi32>
        %select_n3A = arith.select %eq3A_31, %get3A_29, %broadcast_in_dim3A_32 : vector<16xi1>, vector<16xi32>
        %reduce_sum3A = arith.constant true
        %reduce_sum3A_33 = vector.broadcast %reduce_sum3A : i1 to vector<16xi1>
        %reduce_sum3A_34 = tpu.scan <sum>, %select_n3A masked %reduce_sum3A_33 : vector<16xi32>, vector<16xi1> -> vector<16xi32>
        %reduce_sum3A_35 = vector.extract %reduce_sum3A_34[15] : i32 from vector<16xi32>
        %gt3A = arith.constant 0 : i32
        %gt3A_36 = arith.cmpi sgt, %while3A_28#1, %gt3A : i32
        %jit3A_37 = arith.constant 0 : i32
        %select_n3A_38 = arith.select %gt3A_36, %reduce_sum3A_35, %jit3A_37 : i32
        %get3A_39 = arith.constant 0 : index
        %get3A_40 = tpu.vector_load %arg6[%get3A_39] {strides = array<i32>} : memref<320xi32, #tpu.memory_space<vmem>>, vector<16xi32>,
        %add3A_41 = arith.constant 0 : i32
        %add3A_42 = vector.broadcast %add3A_41 : i32 to vector<16xi32>
        %add3A_43 = arith.addi %add3A_42, %iota3A : vector<16xi32>
        %lt3A = vector.broadcast %while3A_28#1 : i32 to vector<16xi32>
        %lt3A_44 = arith.cmpi slt, %add3A_43, %lt3A : vector<16xi32>
        %broadcast_in_dim3A_45 = vector.broadcast %select_n3A_38 : i32 to vector<16xi32>
        %select_n3A_46 = arith.select %lt3A_44, %get3A_40, %broadcast_in_dim3A_45 : vector<16xi1>, vector<16xi32>
        tpu.vector_store_idx %arg7[%broadcast_in_dim3A, %add3A_43], %select_n3A_46 : memref<16x64xi32, #tpu.memory_space<vmem>>[vector<16xi32>, vector<16xi32>], vector<16xi32>,
        %get3A_47 = arith.constant 16 : index
        %get3A_48 = tpu.vector_load %arg6[%get3A_47] {strides = array<i32>} : memref<320xi32, #tpu.memory_space<vmem>>, vector<16xi32>,
        %add3A_49 = arith.constant 16 : i32
        %add3A_50 = vector.broadcast %add3A_49 : i32 to vector<16xi32>
        %add3A_51 = arith.addi %add3A_50, %iota3A : vector<16xi32>
        %lt3A_52 = vector.broadcast %while3A_28#1 : i32 to vector<16xi32>
        %lt3A_53 = arith.cmpi slt, %add3A_51, %lt3A_52 : vector<16xi32>
        %broadcast_in_dim3A_54 = vector.broadcast %select_n3A_38 : i32 to vector<16xi32>
        %select_n3A_55 = arith.select %lt3A_53, %get3A_48, %broadcast_in_dim3A_54 : vector<16xi1>, vector<16xi32>
        tpu.vector_store_idx %arg7[%broadcast_in_dim3A, %add3A_51], %select_n3A_55 : memref<16x64xi32, #tpu.memory_space<vmem>>[vector<16xi32>, vector<16xi32>], vector<16xi32>,
        %get3A_56 = arith.constant 32 : index
        %get3A_57 = tpu.vector_load %arg6[%get3A_56] {strides = array<i32>} : memref<320xi32, #tpu.memory_space<vmem>>, vector<16xi32>,
        %add3A_58 = arith.constant 32 : i32
        %add3A_59 = vector.broadcast %add3A_58 : i32 to vector<16xi32>
        %add3A_60 = arith.addi %add3A_59, %iota3A : vector<16xi32>
        %lt3A_61 = vector.broadcast %while3A_28#1 : i32 to vector<16xi32>
        %lt3A_62 = arith.cmpi slt, %add3A_60, %lt3A_61 : vector<16xi32>
        %broadcast_in_dim3A_63 = vector.broadcast %select_n3A_38 : i32 to vector<16xi32>
        %select_n3A_64 = arith.select %lt3A_62, %get3A_57, %broadcast_in_dim3A_63 : vector<16xi1>, vector<16xi32>
        tpu.vector_store_idx %arg7[%broadcast_in_dim3A, %add3A_60], %select_n3A_64 : memref<16x64xi32, #tpu.memory_space<vmem>>[vector<16xi32>, vector<16xi32>], vector<16xi32>,
        %get3A_65 = arith.constant 48 : index
        %get3A_66 = tpu.vector_load %arg6[%get3A_65] {strides = array<i32>} : memref<320xi32, #tpu.memory_space<vmem>>, vector<16xi32>,
        %add3A_67 = arith.constant 48 : i32
        %add3A_68 = vector.broadcast %add3A_67 : i32 to vector<16xi32>
        %add3A_69 = arith.addi %add3A_68, %iota3A : vector<16xi32>
        %lt3A_70 = vector.broadcast %while3A_28#1 : i32 to vector<16xi32>
        %lt3A_71 = arith.cmpi slt, %add3A_69, %lt3A_70 : vector<16xi32>
        %broadcast_in_dim3A_72 = vector.broadcast %select_n3A_38 : i32 to vector<16xi32>
        %select_n3A_73 = arith.select %lt3A_71, %get3A_66, %broadcast_in_dim3A_72 : vector<16xi1>, vector<16xi32>
        tpu.vector_store_idx %arg7[%broadcast_in_dim3A, %add3A_69], %select_n3A_73 : memref<16x64xi32, #tpu.memory_space<vmem>>[vector<16xi32>, vector<16xi32>], vector<16xi32>,
      }
      %scan3A_17 = arith.constant 16 : i32
      "tpu.region"() ({
        %run_scoped3A = tpu.sem_alloc : memref<!tpu.dma_semaphore, #tpu.memory_space<semaphore_mem>>
        %dma_start3A = arith.constant 0 : i32
        %dma_start3A_18 = tpu.memref_slice %arg3[%add3A_11, %dma_start3A] : memref<1024x64xi32, #tpu.memory_space<hbm>> -> memref<16x64xi32, #tpu.memory_space<hbm>>
        %dma_start3A_19 = arith.constant 0 : i32
        %dma_start3A_20 = tpu.memref_slice %arg3[%add3A_11, %dma_start3A_19] : memref<1024x64xi32, #tpu.memory_space<hbm>> -> memref<16x64xi32, #tpu.memory_space<hbm>>
        tpu.enqueue_dma source(%arg7 : memref<16x64xi32, #tpu.memory_space<vmem>>) target(%dma_start3A_20 : memref<16x64xi32, #tpu.memory_space<hbm>>) target_semaphore(%run_scoped3A : memref<!tpu.dma_semaphore, #tpu.memory_space<semaphore_mem>>)
        %dma_wait3A = arith.constant 0 : i32
        %dma_wait3A_21 = tpu.memref_slice %arg3[%add3A_11, %dma_wait3A] : memref<1024x64xi32, #tpu.memory_space<hbm>> -> memref<16x64xi32, #tpu.memory_space<hbm>>
        %dma_wait3A_22 = arith.constant 0 : i32
        %dma_wait3A_23 = tpu.memref_slice %arg3[%add3A_11, %dma_wait3A_22] : memref<1024x64xi32, #tpu.memory_space<hbm>> -> memref<16x64xi32, #tpu.memory_space<hbm>>
        tpu.wait_dma2 semaphore(%run_scoped3A : memref<!tpu.dma_semaphore, #tpu.memory_space<semaphore_mem>>) src(%arg7 : memref<16x64xi32, #tpu.memory_space<vmem>>) dst(%dma_wait3A_23 : memref<16x64xi32, #tpu.memory_space<hbm>>)
        tpu.yield
      }) : () -> ()
    }
    %scan3A_7 = arith.constant 2 : i32
    return
  }
}

module attributes {stable_mosaic.version = 14 : i64} {
  func.func @_pack_kernel(%arg0: i32, %arg1: i32, %arg2: memref<1x256x128xf32, #tpu.memory_space<vmem>>, %arg3: memref<1x8x2048xf32, #tpu.memory_space<vmem>>, %arg4: memref<2048x128xbf16, #tpu.memory_space<vmem>>, %arg5: memref<1x256x128xi32, #tpu.memory_space<vmem>>) attributes {dimension_semantics = [#tpu.dimension_semantics<arbitrary>, #tpu.dimension_semantics<arbitrary>], iteration_bounds = array<i64: 4, 8>, scalar_prefetch = 0 : i64, scratch_operands = 0 : i64, tpu.core_type = #tpu.core_type<tc>, window_params = [{transform_indices = @transform_0, window_bounds = array<i64: 1, 256, 128>}, {transform_indices = @transform_1, window_bounds = array<i64: 1, 8, 2048>}, {pipeline_mode = #tpu.pipeline_mode<synchronous>, transform_indices = @transform_2, window_bounds = array<i64: 2048, 128>}, {transform_indices = @transform_3, window_bounds = array<i64: 1, 256, 128>}]} {
    %get3A = arith.constant 0 : index
    %get3A_0 = arith.constant 0 : index
    %get3A_1 = arith.constant 0 : index
    %get3A_2 = vector.load %arg2[%get3A, %get3A_0, %get3A_1] : memref<1x256x128xf32, #tpu.memory_space<vmem>>, vector<1x256x128xf32>
    %get3A_3 = vector.shape_cast %get3A_2 : vector<1x256x128xf32> to vector<256x128xf32>
    %get3A_4 = arith.constant 0 : index
    %get3A_5 = arith.constant 0 : index
    %get3A_6 = arith.constant 0 : index
    %get3A_7 = vector.load %arg3[%get3A_4, %get3A_5, %get3A_6] : memref<1x8x2048xf32, #tpu.memory_space<vmem>>, vector<1x8x2048xf32>
    %get3A_8 = vector.shape_cast %get3A_7 : vector<1x8x2048xf32> to vector<8x2048xf32>
    %slice3A = vector.extract_strided_slice %get3A_3 {offsets = [0, 0], sizes = [256, 1], strides = [1, 1]} : vector<256x128xf32> to vector<256x1xf32>
    %slice3A_9 = vector.extract_strided_slice %get3A_3 {offsets = [0, 1], sizes = [256, 1], strides = [1, 1]} : vector<256x128xf32> to vector<256x1xf32>
    %slice3A_10 = vector.extract_strided_slice %get3A_3 {offsets = [0, 2], sizes = [256, 1], strides = [1, 1]} : vector<256x128xf32> to vector<256x1xf32>
    %slice3A_11 = vector.extract_strided_slice %get3A_8 {offsets = [0, 0], sizes = [1, 2048], strides = [1, 1]} : vector<8x2048xf32> to vector<1x2048xf32>
    %slice3A_12 = vector.extract_strided_slice %get3A_8 {offsets = [1, 0], sizes = [1, 2048], strides = [1, 1]} : vector<8x2048xf32> to vector<1x2048xf32>
    %slice3A_13 = vector.extract_strided_slice %get3A_8 {offsets = [2, 0], sizes = [1, 2048], strides = [1, 1]} : vector<8x2048xf32> to vector<1x2048xf32>
    %mul3A = arith.mulf %slice3A, %slice3A : vector<256x1xf32>
    %mul3A_14 = arith.mulf %slice3A_9, %slice3A_9 : vector<256x1xf32>
    %add3A = arith.addf %mul3A, %mul3A_14 : vector<256x1xf32>
    %mul3A_15 = arith.mulf %slice3A_10, %slice3A_10 : vector<256x1xf32>
    %add3A_16 = arith.addf %add3A, %mul3A_15 : vector<256x1xf32>
    %mul3A_17 = arith.mulf %slice3A_11, %slice3A_11 : vector<1x2048xf32>
    %mul3A_18 = arith.mulf %slice3A_12, %slice3A_12 : vector<1x2048xf32>
    %add3A_19 = arith.addf %mul3A_17, %mul3A_18 : vector<1x2048xf32>
    %mul3A_20 = arith.mulf %slice3A_13, %slice3A_13 : vector<1x2048xf32>
    %add3A_21 = arith.addf %add3A_19, %mul3A_20 : vector<1x2048xf32>
    %slice3A_22 = vector.extract_strided_slice %get3A_3 {offsets = [0, 0], sizes = [256, 8], strides = [1, 1]} : vector<256x128xf32> to vector<256x8xf32>
    %convert_element_type3A = arith.truncf %slice3A_22 : vector<256x8xf32> to vector<256x8xbf16>
    %convert_element_type3A_23 = arith.truncf %get3A_8 : vector<8x2048xf32> to vector<8x2048xbf16>
    %dot_general3A = arith.constant dense<0.000000e+00> : vector<256x2048xf32>
    %dot_general3A_24 = tpu.matmul %convert_element_type3A, %convert_element_type3A_23, %dot_general3A {dimension_numbers = #tpu.dot_dimension_numbers<[1], [0], [0], [1], [0, 0, 1, 1], [], []>, transpose_lhs_hint = false} : vector<256x8xbf16>, vector<8x2048xbf16>, vector<256x2048xf32> -> vector<256x2048xf32>
    %add3A_25 = vector.broadcast %add3A_16 : vector<256x1xf32> to vector<256x2048xf32>
    %add3A_26 = vector.broadcast %add3A_21 : vector<1x2048xf32> to vector<256x2048xf32>
    %add3A_27 = arith.addf %add3A_25, %add3A_26 : vector<256x2048xf32>
    %mul3A_28 = arith.constant 2.000000e+00 : f32
    %mul3A_29 = vector.broadcast %mul3A_28 : f32 to vector<256x2048xf32>
    %mul3A_30 = arith.mulf %mul3A_29, %dot_general3A_24 : vector<256x2048xf32>
    %sub3A = arith.subf %add3A_27, %mul3A_30 : vector<256x2048xf32>
    %lt3A = arith.constant 0.00999999977 : f32
    %lt3A_31 = vector.broadcast %lt3A : f32 to vector<256x2048xf32>
    %lt3A_32 = arith.cmpf olt, %sub3A, %lt3A_31 : vector<256x2048xf32>
    %convert_element_type3A_33 = arith.extui %lt3A_32 : vector<256x2048xi1> to vector<256x2048xi32>
    %convert_element_type3A_34 = arith.sitofp %convert_element_type3A_33 : vector<256x2048xi32> to vector<256x2048xf32>
    %convert_element_type3A_35 = arith.truncf %convert_element_type3A_34 : vector<256x2048xf32> to vector<256x2048xbf16>
    %get3A_36 = arith.constant 0 : index
    %get3A_37 = arith.constant 0 : index
    %get3A_38 = vector.load %arg4[%get3A_36, %get3A_37] : memref<2048x128xbf16, #tpu.memory_space<vmem>>, vector<2048x128xbf16>
    %dot_general3A_39 = arith.constant dense<0.000000e+00> : vector<256x128xf32>
    %dot_general3A_40 = tpu.matmul %convert_element_type3A_35, %get3A_38, %dot_general3A_39 {dimension_numbers = #tpu.dot_dimension_numbers<[1], [0], [0], [1], [0, 0, 1, 1], [], []>, transpose_lhs_hint = false} : vector<256x2048xbf16>, vector<2048x128xbf16>, vector<256x128xf32> -> vector<256x128xf32>
    %convert_element_type3A_41 = arith.fptosi %dot_general3A_40 : vector<256x128xf32> to vector<256x128xi32>
    %swap3A = arith.constant 0 : index
    %swap3A_42 = arith.constant 0 : index
    %swap3A_43 = arith.constant 0 : index
    %swap3A_44 = vector.load %arg5[%swap3A, %swap3A_42, %swap3A_43] : memref<1x256x128xi32, #tpu.memory_space<vmem>>, vector<1x256x128xi32>
    %swap3A_45 = vector.shape_cast %swap3A_44 : vector<1x256x128xi32> to vector<256x128xi32>
    %swap3A_46 = vector.shape_cast %convert_element_type3A_41 : vector<256x128xi32> to vector<1x256x128xi32>
    tpu.vector_store %arg5[%swap3A, %swap3A_42, %swap3A_43], %swap3A_46 {strides = array<i32>} : memref<1x256x128xi32, #tpu.memory_space<vmem>>, vector<1x256x128xi32>,
    return
  }
  func.func @transform_0(%arg0: i32, %arg1: i32) -> (i32, i32, i32) {
    %c0_i32 = arith.constant 0 : i32
    %c0_i32_0 = arith.constant 0 : i32
    %c0_i32_1 = arith.constant 0 : i32
    return %c0_i32, %arg0, %c0_i32_0 : i32, i32, i32
  }
  func.func @transform_1(%arg0: i32, %arg1: i32) -> (i32, i32, i32) {
    %c0_i32 = arith.constant 0 : i32
    %c0_i32_0 = arith.constant 0 : i32
    %c0_i32_1 = arith.constant 0 : i32
    return %c0_i32, %c0_i32_0, %arg1 : i32, i32, i32
  }
  func.func @transform_2(%arg0: i32, %arg1: i32) -> (i32, i32) {
    %c0_i32 = arith.constant 0 : i32
    %c0_i32_0 = arith.constant 0 : i32
    %c0_i32_1 = arith.constant 0 : i32
    return %c0_i32, %c0_i32_0 : i32, i32
  }
  func.func @transform_3(%arg0: i32, %arg1: i32) -> (i32, i32, i32) {
    %c0_i32 = arith.constant 0 : i32
    %c0_i32_0 = arith.constant 0 : i32
    return %c0_i32, %arg0, %arg1 : i32, i32, i32
  }
}

</mosaic_0001>

<sc_bundles>
// kernel: kernel.10.cloned.1.call-start
scs
__scs_entry_jumppad:
0x0: {  	(pc) =	sbr.rel $0x88, $3  }
0x1: {  	(tag) =	ssettag $0x0;
	lr =	simm.s32 $0x1  }
0x2: {  	[smem:$0x3F9F] =	sst lr;
	_ =	strace $0xD0000000  }
0x3: {  	_ = 	snop  }
0x4: {  	_ = 	snop  }
0x5: {  	_ = 	snop  }
0x6: {  	_ = 	snop  }
0x7: {  	_ = 	snop  }
__scs_overlays_trampoline_lowered:
0x8: {  	[smem:$0x3FAE] =	sst s0  }
0x9: {  	[smem:$0x3FAF] =	sst s1  }
0xa: {  	[smem:$0x3FB0] =	sst s2  }
0xb: {  	[smem:$0x3FB1] =	sst s3  }
0xc: {  	[smem:$0x3FB2] =	sst s4  }
0xd: {  	[smem:$0x3FB3] =	sst s5  }
0xe: {  	[smem:$0x3FB4] =	sst s6  }
0xf: {  	[smem:$0x3FB5] =	sst s7  }
0x10: {  	[smem:$0x3FB6] =	sst s8  }
0x11: {  	[smem:$0x3FB7] =	sst s9;
	s0 =	simm.s32 @!p0 $0x0  }
0x12: {  	s1 =	sld [smem:$0x3F9D];
	s0 =	simm.s32 @p0 $0x1  }
0x13: {  	[smem:$0x3FB8] =	sst s0;
	s0 =	simm.s32 @!p1 $0x0  }
0x14: {  	s2 =	sld [smem:$0x3F9C];
	s0 =	simm.s32 @p1 $0x1  }
0x15: {  	[smem:$0x3FB9] =	sst s0;
	s0 =	simm.s32 @!p2 $0x0  }
0x16: {  	s3 =	sld [smem:$0x3FDB];
	s0 =	simm.s32 @p2 $0x1  }
0x17: {  	s4 =	simm.s32 $0x1BF5;
	[smem:$0x3FBB] =	sst s0  }
0x18: {  	s0 =	sld [smem:$0x3F9E];
	_ =	swait.ge [sflag:s4], $0x0  }
0x19: {  	s7 =	sld [smem:$0x3F9F]  }
0x1a: {  	s8 =	sadd.s32 $0xFFFFE003, lr  }
0x1b: {  	s9 =	sadd.s32 $0xFFFFFEF7, lr;
	s5 =	simm.s32 $0xFFFFFFFF;
	p2 =	slt.u32 s8, $0xFFFFF086  }
0x1c: {  	p1 =	slt.u32 s9, $0xF7A;
	s5 =	simm.s32 @!p2 $0x0  }
0x1d: {  	s5 =	simm.s32 @p1 $0x1;
	p0 =	seq.s32 s7, s2  }
0x1e: {  	s7 =	smul.u32 @!p0 $0xF7A, s2;
	p2 =	seq.s32 @!p0 s5, $0x0  }
0x1f: {  	s9 =	smul.u32 $0xF7A, s1;
	s8 =	simm.s32 @!p0 $0x1BF5;
	p2 =	por !p2, p0  }
0x20: {  	[sflag:s8] =	ssyncset.s32 @!p0 $0xFFFFF086;
	s6 =	sadd.s32 @!p0 s3, s7;
	s7 =	simm.s32 @!p0 $0x108  }
0x21: {  	s3 =	sadd.s32 s3, s9;
	s6 =	sadd.s32 @!p0 $0x88, s6;
	s7 =	simm.s32 @p2 $0x1082  }
0x22: {  	[simem:s7], [sflag:s8] =	dma.local @!p0 [hbm:s6], $0xF7A  }
0x23: {  	s9 =	sor.u32 $0xD0000000, s2;
	s6 =	simm.s32 $0x108;
	_ =	swait.ge @!p0 [sflag:s8], $0x0  }
0x24: {  	s3 =	sadd.s32 $0x88, s3;
	s6 =	simm.s32 @!p1 $0x1082;
	[sflag:s4] =	ssyncset.s32 $0xFFFFF086  }
0x25: {  	[simem:s6], [sflag:s4] =	dma.local [hbm:s3], $0xF7A  }
0x26: {  	[smem:$0x3F9F] =	sst s1;
	(tag) =	ssettag s2;
	_ =	strace s9  }
0x27: {  	s1 =	sld [smem:$0x3FAF]  }
0x28: {  	s2 =	sld [smem:$0x3FB0]  }
0x29: {  	s4 =	sld [smem:$0x3FB2]  }
0x2a: {  	p0 =	seq.s32 s5, $0x0;
	s5 =	sld [smem:$0x3FB3]  }
0x2b: {  	s6 =	sld [smem:$0x3FB4]  }
0x2c: {  	s7 =	sld [smem:$0x3FB5]  }
0x2d: {  	s3 =	simm.s32 $0x108;
	s8 =	sld [smem:$0x3FB6]  }
0x2e: {  	s3 =	simm.s32 @!p0 $0x1082;
	s9 =	sld [smem:$0x3FB7]  }
0x2f: {  	lr =	sadd.s32 s0, s3;
	s0 =	sld [smem:$0x3FAE]  }
0x30: {  	s3 =	sld [smem:$0x3FB1]  }
0x31: {  	[smem:$0x3FBA] =	sst s10  }
0x32: {  	s10 =	sld [smem:$0x3FB8];
	_ =	sdelay $0x3  }
0x33: {  	p0 =	seq.s32 s10, $0x1;
	s10 =	sld [smem:$0x3FBA];
	_ =	sdelay $0x3  }
0x34: {  	[smem:$0x3FBA] =	sst s10  }
0x35: {  	s10 =	sld [smem:$0x3FB9];
	_ =	sdelay $0x3  }
0x36: {  	p1 =	seq.s32 s10, $0x1;
	s10 =	sld [smem:$0x3FBA];
	_ =	sdelay $0x3  }
0x37: {  	[smem:$0x3FBA] =	sst s10  }
0x38: {  	s10 =	sld [smem:$0x3FBB]  }
0x39: {  	_ = 	snop;
	(pc) =	sbr.ind lr, $3  }
0x3a: {  	_ = 	snop  }
0x3b: {  	_ = 	snop  }
0x3c: {  	p2 =	seq.s32 s10, $0x1;
	s10 =	sld [smem:$0x3FBA]  }
0x3d: {  	_ =	shalt  }
0x3e: {  	_ =	shalt  }
0x3f: {  	_ =	shalt  }
0x40: {  	_ =	shalt  }
0x41: {  	_ =	shalt  }
0x42: {  	_ =	shalt  }
0x43: {  	_ =	shalt  }
0x44: {  	_ =	shalt  }
0x45: {  	_ =	shalt  }
0x46: {  	_ =	shalt  }
0x47: {  	_ =	shalt  }
0x48: {  	_ =	shalt  }
0x49: {  	_ =	shalt  }
0x4a: {  	_ =	shalt  }
0x4b: {  	_ =	shalt  }
0x4c: {  	_ =	shalt  }
0x4d: {  	_ =	shalt  }
0x4e: {  	_ =	shalt  }
0x4f: {  	_ =	shalt  }
0x50: {  	_ =	shalt  }
0x51: {  	_ =	shalt  }
0x52: {  	_ =	shalt  }
0x53: {  	_ =	shalt  }
0x54: {  	_ =	shalt  }
0x55: {  	_ =	shalt  }
0x56: {  	_ =	shalt  }
0x57: {  	_ =	shalt  }
0x58: {  	_ =	shalt  }
0x59: {  	_ =	shalt  }
0x5a: {  	_ =	shalt  }
0x5b: {  	_ =	shalt  }
0x5c: {  	_ =	shalt  }
0x5d: {  	_ =	shalt  }
0x5e: {  	_ =	shalt  }
0x5f: {  	_ =	shalt  }
0x60: {  	_ =	shalt  }
0x61: {  	_ =	shalt  }
0x62: {  	_ =	shalt  }
0x63: {  	_ =	shalt  }
0x64: {  	_ =	shalt  }
0x65: {  	_ =	shalt  }
0x66: {  	_ =	shalt  }
0x67: {  	_ =	shalt  }
0x68: {  	_ =	shalt  }
0x69: {  	_ =	shalt  }
0x6a: {  	_ =	shalt  }
0x6b: {  	_ =	shalt  }
0x6c: {  	_ =	shalt  }
0x6d: {  	_ =	shalt  }
0x6e: {  	_ =	shalt  }
0x6f: {  	_ =	shalt  }
0x70: {  	_ =	shalt  }
0x71: {  	_ =	shalt  }
0x72: {  	_ =	shalt  }
0x73: {  	_ =	shalt  }
0x74: {  	_ =	shalt  }
0x75: {  	_ =	shalt  }
0x76: {  	_ =	shalt  }
0x77: {  	_ =	shalt  }
0x78: {  	_ =	shalt  }
0x79: {  	_ =	shalt  }
0x7a: {  	_ =	shalt  }
0x7b: {  	_ =	shalt  }
0x7c: {  	_ =	shalt  }
0x7d: {  	_ =	shalt  }
0x7e: {  	_ =	shalt  }
0x7f: {  	_ =	shalt  }
0x80: {  	_ =	shalt  }
0x81: {  	_ =	shalt  }
0x82: {  	_ =	shalt  }
0x83: {  	_ =	shalt  }
0x84: {  	_ =	shalt  }
0x85: {  	_ =	shalt  }
0x86: {  	_ =	shalt  }
0x87: {  	_ =	shalt  }
.Lfunc_end0:
.L_simem_size_0:
called_computation_lowered:
.L_overlay_start_0:
0x88: {  	s2 =	sld [smem:$0x3FD9]  }
0x89: {  	s3 =	sld [smem:$0x3FFE];
	_ =	sdelay $0x1  }
0x8a: {  	s1 =	srdreg.scid  }
0x8b: {  	s0 =	sand.u32 $0x1, s1  }
0x8c: {  	s16 =	sshll.u32 s0, $0xA;
	s2 =	sadd.s32 s3, s2  }
0x8d: {  	s2 =	sadd.s32 s2, s16  }
0x8e: {  	[smem:$0x3FC6] =	sst s2  }
0x8f: {  	_ = 	snop  }
0x90: {  	(tm) =	ssettm $0x1  }
0x91: {  	s17 =	sld [smem:$0x3FFB];
	_ =	sdelay $0x3  }
0x92: {  	_ =	strace s17  }
0x93: {  	s2 =	sld [smem:$0x3FFC];
	_ =	sdelay $0x3  }
0x94: {  	_ =	strace s2  }
0x95: {  	s2 =	sld [smem:$0x3FFD];
	_ =	sdelay $0x3  }
0x96: {  	_ =	strace s2  }
0x97: {  	_ =	strace $0x8FFFFFFF  }
0x98: {  	s18 =	sld [smem:$0x3FDB];
	_ =	sdelay $0x1  }
0x99: {  	s19 =	simm.s32 $_scs_section_size  }
0x9a: {  	s4 =	simm.s32 $_size__tile_overlayer_lowered;
	s5 =	simm.s32 $_tile_overlayer_lowered  }
0x9b: {  	s22 =	simm.s32 $0x1BFF;
	s21 =	sshll.u32 s5, $0x1;
	s2 =	sadd.s32 s19, s18  }
0x9c: {  	s6 =	simm.s32 $0x0;
	s20 =	sshll.u32 s4, $0x1;
	s4 =	sadd.s32 s21, s2  }
0x9d: {  	[timem:s6], [sflag:s22] =	dma.local [hbm:s4], s20  }
0x9e: {  	_ =	swait.ge [sflag:s22], s20  }
0x9f: {  	s3 =	ssub.s32 $0x0, s20;
	[sflag:s22] =	ssyncset.done $0x0  }
0xa0: {  	[sflag:s22] =	ssyncadd.s32 s3;
	_ =	sdelay $0x1  }
0xa1: {  	s23 =	simm.s32 $0x1B8B  }
0xa2: {  	_ =	swait.ge [sflag:s23], $0x1  }
0xa3: {  	[sflag:s23] =	ssyncset.done $0x0  }
0xa4: {  	s25 =	simm.s32 $0x1B8E;
	s24 =	sld [smem:$0x3FFE];
	[sflag:s23] =	ssyncadd.s32 $0xFFFFFFFF  }
0xa5: {  	s26 =	simm.s32 $execute0_lowered;
	[smem:$0x3FD2] =	sst s25  }
0xa6: {  	s4 =	sshll.u32 s26, $0x1;
	_ =	strace $0x80000046;
	[dreg:$0x1] =	wrdreg $0xFFFFFFFF  }
0xa7: {  	s28 =	simm.s32 $_size_execute0_lowered;
	s2 =	sadd.s32 s2, s4;
	[dreg:$0x0] =	wrdreg $0x0  }
0xa8: {  	s4 =	sshll.u32 s28, $0x1;
	[dreg:$0x2] =	wrdreg s2  }
0xa9: {  	[dreg:$0x3] =	wrdreg s4  }
0xaa: {  	[dreg:$0x4] =	wrdreg $0xC0  }
0xab: {  	_ =	task [dreg:s6], $0x5FFFF  }
0xac: {  	[dreg:$0x1] =	wrdreg $0xFFFFFFFF  }
0xad: {  	[dreg:$0x0] =	wrdreg $0x60  }
0xae: {  	[dreg:$0x2] =	wrdreg s24  }
0xaf: {  	[dreg:$0x3] =	wrdreg $0x9  }
0xb0: {  	_ =	task.clear_ibuf [dreg:s6], $0x4FFFF;
	_ =	strace $0x90000046  }
0xb1: {  	s29 =	simm.s32 $0x9;
	_ =	strace $0x80000048  }
0xb2: {  	_ =	swait.ge [sflag:s29], $0x1  }
0xb3: {  	[sflag:s29] =	ssyncadd.s32 $0xFFFFFFFF  }
0xb4: {  	_ =	strace $0x90000048  }
0xb5: {  	_ =	sfence  }
0xb6: {  	s30 =	sld [smem:$0x0];
	_ =	sdelay $0x2  }
0xb7: {  	s31 =	sshll.u32 s1, $0xD;
	s1 =	sshrl.u32 s1, $0x2  }
0xb8: {  	s3 =	sand.u32 $0x4000, s31;
	s1 =	sadd.s32 s1, s30  }
0xb9: {  	s0 =	sor.u32 s3, s0;
	s1 =	sshll.u32 s1, $0x11  }
0xba: {  	s0 =	sor.u32 s1, s0  }
0xbb: {  	s0 =	sadd.s32 $0x8F2B, s0  }
0xbc: {  	[sflag:s0] =	ssyncadd.remote.s32 $0x1  }
0xbd: {  	_ =	sfence.sel $0xFFFF  }
0xbe: {  	[dreg:$0x0] =	wrdreg $0xFFFFFFFF;
	(pc) =	sbr.abs _section_cstart, $3  }
0xbf: {  	[dreg:$0x1] =	wrdreg $0xFFFFFFFF  }
0xc0: {  	_ =	task.clear_ibuf [dreg:s6], $0x2FFFF;
	_ =	strace $0x9FFFFFFF  }
0xc1: {  	(tm) =	ssettm $0x7FFFFFFF  }
tec
execute0_lowered:
.L_overlay_start_1:
0x0: {  	(tag) =	ssettag $0x1  }
0x1: {  	s4 =	rddreg [dreg:$0x0]  }
0x2: {  	s0 =	rddreg [dreg:$0x1]  }
0x3: {  	s1 =	simm.s32 $0x0;
	s2 =	srdreg.scid;
	s9 =	simm.s32 $0x4480  }
0x4: {  	s10 =	simm.s32 $0x4600;
	s11 =	simm.s32 $0x0;
	[smem:$0x7FF] =	sst s1  }
.Ltmp0:
0x5: {  	s5 =	sand.u32 $0x1, s2;
	s3 =	sadd.s32 $0x1E00, s4;
	(pc) =	sbr.rel .LBB2_1-.Ltmp0, $4  }
0x6: {  	s2 =	stileid.u32;
	s4 =	sadd.s32 $0x21E00, s4;
	s6 =	ssub.s32 $0x2, s5  }
0x7: {  	s8 =	sshll.u32 s2, $0x6;
	s5 =	sshll.u32 s5, $0x5;
	s7 =	sshrl.u32 s6, $0x1  }
0x8: {  	v0 =	vlaneseq.u32;
	vm0 =	vmmov $0x1;
	_ =	strace $0x80000047;
	s5 =	sor.u32 s5, s8;
	s6 =	ssub.s32 s6, s7  }
0x9: {  	v1 =	vor.u32 $0x10, v0;
	v2 =	vor.u32 $0x20, v0;
	v3 =	vor.u32 $0x30, v0;
	s8 =	simm.s32 $0x4000;
	s7 =	simm.s32 $0x1;
	s6 =	smax.u32 s6, $0x1  }
.LBB2_12:
0xa: {  	s11 =	sadd.s32 $0x1, s11  }
0xb: {  	p0 =	sne.s32 s11, s6  }
.Ltmp1:
0xc: {  	_ = 	snop;
	(pc) =	sbr.rel @!p0 .LBB2_13-.Ltmp1, $1  }
0xd: {  	_ =	sdelay $0x3  }
.LBB2_1:
.Ltmp2:
0xe: {  	(pc) =	sbr.rel .LBB2_2-.Ltmp2, $2  }
0xf: {  	_ =	sdelay $0x2  }
0x10: {  	p1 =	por $0x1, $0x1;
	s12 =	simm.s32 $0x0  }
.LBB2_11:
0x11: {  	s12 =	sshll.u32 s12, $0x4  }
.Ltmp3:
0x12: {  	s12 =	sadd.s32 s4, s12;
	(pc) =	sbr.rel @!p0 .LBB2_12-.Ltmp3, $4  }
0x13: {  	[hbm4b:s12+s1] =	stream.linear.scatter [tilespmem:s10], [sflag:$0x1], $0x800, $0x38;
	[tilespmem:$0x4E00] =	vst v63  }
0x14: {  	_ =	swait.ge [sflag:s7], $0x800  }
0x15: {  	[sflag:s7] =	ssyncset.done $0x0  }
0x16: {  	p1 =	por $0x0, $0x0;
	s12 =	simm.s32 $0x10;
	[sflag:s7] =	ssyncadd.s32 $0xFFFFF800  }
.LBB2_2:
0x17: {  	s12 =	sor.u32 s5, s12  }
0x18: {  	s13 =	sshll.u32 s12, $0x7  }
.Ltmp4:
0x19: {  	s14 =	sadd.s32 s3, s13;
	s13 =	simm.s32 $0x0;
	(pc) =	sbr.rel .LBB2_3-.Ltmp4, $4  }
0x1a: {  	[tilespmem:s13], [sflag:$0x1] =	stream.linear.gather [hbm4b:s14+s13], $0x4000, $0x38;
	[tilespmem:$0x4E00] =	vst v63  }
0x1b: {  	_ =	swait.ge [sflag:s7], $0x4000  }
0x1c: {  	[sflag:s7] =	ssyncset.done $0x0  }
0x1d: {  	p0 =	por p1, p1;
	s14 =	simm.s32 $0x0;
	[sflag:s7] =	ssyncadd.s32 $0xFFFFC000  }
.LBB2_6:
0x1e: {  	s15 =	simm.s32 $0x0;
	v5 =	vld [tilespmem:$0x4480];
	s16 =	simm.s32 $0x0  }
.LBB2_10:
0x1f: {  	v6 =	vor.u32 v0, v4;
	_ =	sdelay $0x1  }
0x20: {  	v7 =	vmov s15  }
0x21: {  	vm1 =	vgt.s32 v7, v0  }
0x22: {  	v5 =	vnsel vm1, s16, v5  }
0x23: {  	[tilespmem:v6+s10+$0x0] =	vst.idx.msk $0xffff, v5  }
0x24: {  	v5 =	vld [tilespmem:$0x4490]  }
0x25: {  	v62 =	vor.u32 v1, v4;
	_ =	sdelay $0x2  }
0x26: {  	vm1 =	vgt.s32 v7, v1  }
0x27: {  	v5 =	vnsel vm1, s16, v5  }
0x28: {  	[tilespmem:v62+s10+$0x0] =	vst.idx.msk $0xffff, v5  }
0x29: {  	v5 =	vld [tilespmem:$0x44A0]  }
0x2a: {  	v63 =	vor.u32 v2, v4;
	_ =	sdelay $0x2  }
0x2b: {  	vm1 =	vgt.s32 v7, v2  }
0x2c: {  	v5 =	vnsel vm1, s16, v5  }
0x2d: {  	[tilespmem:v63+s10+$0x0] =	vst.idx.msk $0xffff, v5  }
0x2e: {  	s14 =	sadd.s32 $0x1, s14;
	v5 =	vld [tilespmem:$0x44B0]  }
0x2f: {  	v4 =	vor.u32 v3, v4;
	p1 =	sne.s32 s14, $0x10  }
.Ltmp5:
0x30: {  	_ = 	snop;
	(pc) =	sbr.rel @!p1 .LBB2_11-.Ltmp5, $4  }
0x31: {  	_ = 	snop  }
0x32: {  	vm1 =	vgt.s32 v7, v3  }
0x33: {  	v5 =	vnsel vm1, s16, v5  }
0x34: {  	[tilespmem:v4+s10+$0x0] =	vst.idx.msk $0xffff, v5  }
.LBB2_3:
0x35: {  	v4 =	vmov s14  }
0x36: {  	v6 =	vmov s13;
	v7 =	vor.u32 s13, v0;
	v5 =	vshll.u32 v4, $0xA  }
0x37: {  	v4 =	vshll.u32 v4, $0x7;
	v6 =	vshll.u32 v6, $0x3;
	v9 =	vand.u32 $0x7F, v7  }
0x38: {  	v5 =	vand.u32 $0x2000, v5;
	v8 =	vand.u32 $0x380, v4;
	v6 =	vand.u32 $0x1C00, v6  }
0x39: {  	v5 =	vor.u32 v5, v8;
	v6 =	vor.u32 v9, v6  }
0x3a: {  	v6 =	vor.u32 v5, v6;
	_ =	sdelay $0x4  }
0x3b: {  	s15 =	simm.s32 $0x10;
	v9 =	vld.idx.msk [tilespmem:v6+s1+$0x0], $0xffff  }
0x3c: {  	v8 =	vmov s15  }
0x3d: {  	v8 =	vshll.u32 v8, $0x3;
	v6 =	vor.u32 s15, v0  }
0x3e: {  	v8 =	vand.u32 $0x1C00, v8;
	v10 =	vand.u32 $0x7F, v6  }
0x3f: {  	v8 =	vor.u32 v10, v8  }
0x40: {  	v8 =	vor.u32 v5, v8;
	vm1 =	vne.s32 v9, $0x0  }
0x41: {  	v9 =	vmpcnt.ones.xlane vm1;
	_ =	sdelay $0x1  }
0x42: {  	[tilespmem:s13+$0x4000] =	vst.msk vm1, v7;
	v7 =	vxor.u32 $0x80000000, v9  }
0x43: {  	(xrf0) =	vmax.scan.msk.u32 $0xffff, v7  }
0x44: {  	v8 =	vld.idx.msk [tilespmem:v8+s1+$0x0], $0xffff;
	_ =	sdelay $0x4  }
0x45: {  	vm1 =	vne.s32 v8, $0x0;
	v8, _, _ =	vpop (xrf0)  }
0x46: {  	(v2sf) =	vpush v8, $0xF;
	_ =	sdelay $0x7  }
0x47: {  	v7 =	vmpcnt.ones.xlane vm1  }
0x48: {  	s16 =	simm.s32 $0x20  }
0x49: {  	s17 =	simm.s32 $0x30;
	s15 =	simm.s32 $0x0;
	v8 =	vmov s16;
	v7 =	vxor.u32 $0x80000000, v7  }
.LBB2_4:
0x4a: {  	p1 =	sne.s32 s17, $0x3F0;
	v9 =	vor.u32 s16, v0;
	v8 =	vshll.u32 v8, $0x3;
	(xrf0) =	vmax.scan.msk.u32 $0xffff, v7;
	s16 =	smov.u32 s17  }
0x4b: {  	v7 =	vand.u32 $0x7F, v9;
	v8 =	vand.u32 $0x1C00, v8  }
0x4c: {  	v7 =	vor.u32 v7, v8  }
0x4d: {  	v7 =	vor.u32 v5, v7  }
0x4e: {  	s18 =	spop (v2sf)  }
0x4f: {  	s15 =	sadd.s32 s18, s15  }
0x50: {  	v8, _, _ =	vpop (xrf0);
	s15 =	sadd.s32 $0x80000000, s15  }
0x51: {  	[tilespmem:s15+$0x4000] =	vst.msk vm1, v6;
	(v2sf) =	vpush v8, $0xF;
	v6 =	vmov v9  }
0x52: {  	v7 =	vld.idx.msk [tilespmem:v7+s1+$0x0], $0xffff;
	_ =	sdelay $0x4  }
.Ltmp6:
0x53: {  	(pc) =	sbr.rel @p1 .LBB2_4-.Ltmp6, $3  }
0x54: {  	vm1 =	vne.s32 v7, $0x0  }
0x55: {  	v7 =	vmpcnt.ones.xlane vm1;
	_ =	sdelay $0x1  }
0x56: {  	s17 =	sadd.s32 $0x10, s17;
	v8 =	vmov s16;
	v7 =	vxor.u32 $0x80000000, v7  }
0x57: {  	v9 =	vor.u32 s16, v0;
	v8 =	vshll.u32 v8, $0x3  }
0x58: {  	v10 =	vand.u32 $0x7F, v9;
	v8 =	vand.u32 $0x1C00, v8  }
0x59: {  	v8 =	vor.u32 v10, v8  }
0x5a: {  	v8 =	vor.u32 v5, v8  }
0x5b: {  	s29 =	spop (v2sf)  }
0x5c: {  	s15 =	sadd.s32 s29, s15  }
0x5d: {  	s15 =	sadd.s32 $0x80000000, s15  }
0x5e: {  	[tilespmem:s15+$0x4000] =	vst.msk vm1, v6  }
0x5f: {  	v6 =	vld.idx.msk [tilespmem:v8+s1+$0x0], $0xffff;
	_ =	sdelay $0x4  }
0x60: {  	vm1 =	vne.s32 v6, $0x0  }
0x61: {  	v6 =	vmpcnt.ones.xlane vm1  }
0x62: {  	(xrf0) =	vmax.scan.msk.u32 $0xffff, v7  }
0x63: {  	v6 =	vxor.u32 $0x80000000, v6  }
0x64: {  	(xrf0) =	vmax.scan.msk.u32 $0xffff, v6;
	_ =	sdelay $0x3  }
0x65: {  	v6, _, _ =	vpop (xrf0)  }
0x66: {  	(v2sf) =	vpush v6, $0xF  }
0x67: {  	v6, _, _ =	vpop (xrf0)  }
0x68: {  	(v2sf) =	vpush v6, $0xF;
	_ =	sdelay $0xc  }
0x69: {  	s30 =	spop (v2sf)  }
0x6a: {  	s15 =	sadd.s32 s30, s15  }
0x6b: {  	s15 =	sadd.s32 $0x80000000, s15;
	s31 =	spop (v2sf)  }
0x6c: {  	s16 =	sadd.s32 s31, s15  }
0x6d: {  	s16 =	sadd.s32 $0x80000000, s16  }
0x6e: {  	p1 =	sgt.s32 s16, $0x0  }
.Ltmp7:
0x6f: {  	_ = 	snop;
	(pc) =	sbr.rel @!p1 .LBB2_6-.Ltmp7, $2  }
0x70: {  	_ =	sdelay $0x2  }
0x71: {  	[tilespmem:s15+$0x4000] =	vst.msk vm1, v9  }
0x72: {  	p1 =	slt.s32 s16, $0x60  }
0x73: {  	s16 =	simm.s32 @!p1 $0x60  }
0x74: {  	s15 =	simm.s32 $0x0;
	s17 =	simm.s32 $0x0;
	v6 =	vmov s16  }
.LBB2_8:
0x75: {  	v7 =	vor.u32 s17, v0;
	_ =	sdelay $0x4  }
0x76: {  	v8 =	vld.idx.msk [tilespmem:v7+s8+$0x0], $0xffff;
	_ =	sdelay $0x3  }
0x77: {  	vm1 =	vlt.s32 v7, v6  }
0x78: {  	v7 =	vnsel vm1, $0x0, v8  }
0x79: {  	v8 =	vshll.u32 v7, $0x3  }
0x7a: {  	v8 =	vand.u32 $0xFFFFFC00, v8  }
0x7b: {  	v9 =	vand.u32 $0x7F, v7;
	v8 =	vadd.s32 v5, v8  }
0x7c: {  	v8 =	vor.u32 v9, v8;
	_ =	sdelay $0x4  }
0x7d: {  	v8 =	vld.idx.msk [tilespmem:v8+s1+$0x0], $0xffff;
	_ =	sdelay $0x4  }
0x7e: {  	v8 =	vnsel vm1, $0x0, v8  }
0x7f: {  	v43 =	vshra.s32 v8, $0x1  }
0x80: {  	v10 =	vand.u32 $0x5555, v43  }
0x81: {  	v10 =	vsub.s32 v8, v10  }
0x82: {  	v11 =	vshrl.u32 v10, $0x2  }
0x83: {  	v10 =	vand.u32 $0x3333, v10;
	v11 =	vand.u32 $0x3333, v11  }
0x84: {  	v10 =	vadd.s32 v10, v11  }
0x85: {  	v11 =	vshrl.u32 v10, $0x4  }
0x86: {  	v10 =	vadd.s32 v10, v11  }
0x87: {  	v10 =	vand.u32 $0xF0F, v10  }
0x88: {  	v44 =	vshrl.u32 v10, $0x8  }
0x89: {  	v10 =	vadd.s32 v10, v44  }
0x8a: {  	v10 =	vand.u32 $0x1F, v10  }
0x8b: {  	(xrf0) =	vadd.scan.msk.s32 $0xffff, v10;
	_ =	sdelay $0x5  }
0x8c: {  	v45, _, _ =	vpop (xrf0)  }
0x8d: {  	v11 =	vxor.u32 $0x80000000, v45  }
0x8e: {  	(xrf0) =	vmax.scan.msk.u32 $0xffff, v11  }
0x8f: {  	v7 =	vshll.u32 v7, $0x4  }
0x90: {  	v13 =	vor.u32 $0x1, v7;
	v47 =	vor.u32 $0x2, v7;
	v16 =	vor.u32 $0x3, v7  }
0x91: {  	v18 =	vor.u32 $0x4, v7;
	v20 =	vor.u32 $0x5, v7;
	v49 =	vor.u32 $0x6, v7  }
0x92: {  	v24 =	vor.u32 $0x7, v7;
	v50 =	vor.u32 $0x8, v7;
	v54 =	vor.u32 $0x9, v7  }
0x93: {  	v12 =	vand.u32 $0x1, v8;
	v14 =	vshrl.u32 v8, $0x2;
	v15 =	vshrl.u32 v8, $0x3  }
0x94: {  	v17 =	vshrl.u32 v8, $0x4;
	v19 =	vshrl.u32 v8, $0x5;
	v22 =	vshrl.u32 v8, $0x6;
	v21, _, _ =	vpop (xrf0)  }
0x95: {  	v23 =	vshrl.u32 v8, $0x7;
	v25 =	vshrl.u32 v8, $0x8;
	(v2sf) =	vpush v21, $0xF  }
0x96: {  	v26 =	vshrl.u32 v8, $0x9;
	v53 =	vshrl.u32 v8, $0xA;
	v57 =	vshrl.u32 v8, $0xB  }
0x97: {  	v58 =	vshrl.u32 v8, $0xC;
	v59 =	vshrl.u32 v8, $0xD;
	v60 =	vshrl.u32 v8, $0xE  }
0x98: {  	vm1 =	veq.s32 v12, $0x1;
	v9 =	vand.u32 $0x1, v43;
	v10 =	vsub.s32 s15, v10  }
0x99: {  	v46 =	vand.u32 $0x1, v14;
	vm2 =	veq.s32 v9, $0x1;
	v10 =	vadd.s32 v45, v10  }
0x9a: {  	v15 =	vand.u32 $0x1, v15;
	vm3 =	veq.s32 v46, $0x1;
	v12 =	vadd.s32 v12, v10  }
0x9b: {  	v17 =	vand.u32 $0x1, v17;
	vm4 =	veq.s32 v15, $0x1;
	v9 =	vadd.s32 v9, v12  }
0x9c: {  	v19 =	vand.u32 $0x1, v19;
	vm5 =	veq.s32 v17, $0x1;
	v11 =	vadd.s32 v46, v9  }
0x9d: {  	v48 =	vand.u32 $0x1, v22;
	vm6 =	veq.s32 v19, $0x1;
	v15 =	vadd.s32 v15, v11  }
0x9e: {  	v23 =	vand.u32 $0x1, v23;
	vm7 =	veq.s32 v48, $0x1;
	v17 =	vadd.s32 v17, v15;
	[tilespmem:v10+s9+$0x0] =	vst.idx.msk vm1, v7  }
0x9f: {  	v25 =	vand.u32 $0x1, v25;
	vm8 =	veq.s32 v23, $0x1;
	v19 =	vadd.s32 v19, v17;
	[tilespmem:v12+s9+$0x0] =	vst.idx.msk vm2, v13  }
0xa0: {  	v52 =	vand.u32 $0x1, v26;
	vm1 =	veq.s32 v25, $0x1;
	[tilespmem:v9+s9+$0x0] =	vst.idx.msk vm3, v47;
	v21 =	vadd.s32 v48, v19  }
0xa1: {  	v55 =	vand.u32 $0x1, v53;
	vm2 =	veq.s32 v52, $0x1;
	[tilespmem:v11+s9+$0x0] =	vst.idx.msk vm4, v16;
	v23 =	vadd.s32 v23, v21  }
0xa2: {  	v13 =	vand.u32 $0x1, v57;
	vm3 =	veq.s32 v55, $0x1;
	[tilespmem:v15+s9+$0x0] =	vst.idx.msk vm5, v18;
	v51 =	vadd.s32 v25, v23  }
0xa3: {  	vm13 =	veq.s32 v13, $0x1;
	v15 =	vand.u32 $0x1, v58;
	[tilespmem:v17+s9+$0x0] =	vst.idx.msk vm6, v20;
	v56 =	vadd.s32 v52, v51  }
0xa4: {  	v16 =	vand.u32 $0x1, v59;
	vm14 =	veq.s32 v15, $0x1;
	[tilespmem:v19+s9+$0x0] =	vst.idx.msk vm7, v49;
	v14 =	vadd.s32 v55, v56;
	s18 =	spop (v2sf)  }
0xa5: {  	s17 =	sadd.s32 $0x10, s17;
	vm15 =	veq.s32 v16, $0x1;
	v17 =	vand.u32 $0x1, v60;
	[tilespmem:v21+s9+$0x0] =	vst.idx.msk vm8, v24;
	v13 =	vadd.s32 v13, v14;
	s31 =	sadd.s32 s18, s15  }
0xa6: {  	p1 =	sge.s32 s17, s16;
	v8 =	vand.u32 $0x8000, v8;
	[tilespmem:v23+s9+$0x0] =	vst.idx.msk vm1, v50;
	v61 =	vadd.s32 v15, v13;
	vm1 =	veq.s32 v17, $0x1;
	s15 =	sadd.s32 $0x80000000, s31  }
0xa7: {  	[tilespmem:v51+s9+$0x0] =	vst.idx.msk vm2, v54;
	vm2 =	vne.s32 v8, $0x0;
	v8 =	vor.u32 $0xA, v7;
	v62 =	vadd.s32 v16, v61;
	p2 =	slt.s32 @!p1 s15, $0x40  }
0xa8: {  	[tilespmem:v56+s9+$0x0] =	vst.idx.msk vm3, v8;
	v8 =	vor.u32 $0xB, v7;
	v63 =	vadd.s32 v17, v62;
	p1 =	por p1, !p2  }
.Ltmp8:
0xa9: {  	[tilespmem:v14+s9+$0x0] =	vst.idx.msk vm13, v8;
	v8 =	vor.u32 $0xC, v7;
	(pc) =	sbr.rel @!p1 .LBB2_8-.Ltmp8, $4  }
0xaa: {  	[tilespmem:v13+s9+$0x0] =	vst.idx.msk vm14, v8;
	v8 =	vor.u32 $0xD, v7  }
0xab: {  	[tilespmem:v61+s9+$0x0] =	vst.idx.msk vm15, v8;
	v8 =	vor.u32 $0xE, v7  }
0xac: {  	v7 =	vor.u32 $0xF, v7;
	[tilespmem:v62+s9+$0x0] =	vst.idx.msk vm1, v8  }
0xad: {  	[tilespmem:v63+s9+$0x0] =	vst.idx.msk vm2, v7  }
0xae: {  	v5 =	vld [tilespmem:$0x4480];
	_ =	sdelay $0x4  }
0xaf: {  	v6 =	vnsel vm0, $0x0, v5  }
0xb0: {  	(xrf0) =	vadd.scan.msk.s32 $0xffff, v6;
	_ =	sdelay $0x5  }
0xb1: {  	v6, _, _ =	vpop (xrf0)  }
0xb2: {  	(v2sf) =	vpush v6, $0xF;
	_ =	sdelay $0xb  }
.Ltmp9:
0xb3: {  	_ = 	snop;
	(pc) =	sbr.rel .LBB2_10-.Ltmp9, $3  }
0xb4: {  	_ =	sdelay $0x1  }
0xb5: {  	p1 =	sgt.s32 s15, $0x0;
	s16 =	spop (v2sf)  }
0xb6: {  	s16 =	simm.s32 @!p1 $0x0  }
.LBB2_13:
0xb7: {  	_ =	sfence.sel $0x180000  }
0xb8: {  	[bflag:$0x0] =	sbarrier.arrive $0xFFFF  }
0xb9: {  	p0 =	sne.s32 s2, $0x0;
	_ =	strace $0x90000047  }
0xba: {  	s0 =	sadd.s32 @!p0 $0x100000, s0;
	[bflag:$0x2] =	sbarrier.arrive $0xFFFF  }
0xbb: {  	[sflag:s0] =	ssyncadd.tile.s32 @!p0 $0x1;
	_ =	shalt  }
.Lfunc_end2:
_tile_overlayer_lowered:
.L_overlay_start_2:
0xbc: {  	(tag) =	ssettag $0x2  }
0xbd: {  	s0 =	rddreg [dreg:$0x0];
	s2 =	stileid.u32  }
0xbe: {  	s1 =	rddreg [dreg:$0x1];
	p0 =	sne.s32 s2, $0x0  }
0xbf: {  	s3 =	rddreg [dreg:$0x2];
	[bflag:$0x3] =	sbarrier.arrive $0xFFFF;
	s2 =	simm.s32 @!p0 $0x1C01  }
0xc0: {  	[timem:s3], [sflag:s2] =	dma.local @!p0 [hbm:s0], s1  }
0xc1: {  	s0 =	simm.s32 @!p0 $0x1  }
0xc2: {  	_ =	swait.ge @!p0 [sflag:s0], s1  }
0xc3: {  	s1 =	ssub.s32 @!p0 $0x0, s1;
	[sflag:s0] =	ssyncset.done @!p0 $0x0  }
0xc4: {  	[sflag:s0] =	ssyncadd.s32 @!p0 s1  }
0xc5: {  	[bflag:$0x3] =	sbarrier.arrive $0xFFFF  }
0xc6: {  	_ =	shalt  }

// kernel: kernel.13.cloned.1.call-start
scs
__scs_entry_jumppad:
0x0: {  	(pc) =	sbr.rel $0x88, $3  }
0x1: {  	(tag) =	ssettag $0x0;
	lr =	simm.s32 $0x1  }
0x2: {  	[smem:$0x3F9F] =	sst lr;
	_ =	strace $0xD0000000  }
0x3: {  	_ = 	snop  }
0x4: {  	_ = 	snop  }
0x5: {  	_ = 	snop  }
0x6: {  	_ = 	snop  }
0x7: {  	_ = 	snop  }
__scs_overlays_trampoline_lowered:
0x8: {  	[smem:$0x3FAE] =	sst s0  }
0x9: {  	[smem:$0x3FAF] =	sst s1  }
0xa: {  	[smem:$0x3FB0] =	sst s2  }
0xb: {  	[smem:$0x3FB1] =	sst s3  }
0xc: {  	[smem:$0x3FB2] =	sst s4  }
0xd: {  	[smem:$0x3FB3] =	sst s5  }
0xe: {  	[smem:$0x3FB4] =	sst s6  }
0xf: {  	[smem:$0x3FB5] =	sst s7  }
0x10: {  	[smem:$0x3FB6] =	sst s8  }
0x11: {  	[smem:$0x3FB7] =	sst s9;
	s0 =	simm.s32 @!p0 $0x0  }
0x12: {  	s1 =	sld [smem:$0x3F9D];
	s0 =	simm.s32 @p0 $0x1  }
0x13: {  	[smem:$0x3FB8] =	sst s0;
	s0 =	simm.s32 @!p1 $0x0  }
0x14: {  	s2 =	sld [smem:$0x3F9C];
	s0 =	simm.s32 @p1 $0x1  }
0x15: {  	[smem:$0x3FB9] =	sst s0;
	s0 =	simm.s32 @!p2 $0x0  }
0x16: {  	s3 =	sld [smem:$0x3FDB];
	s0 =	simm.s32 @p2 $0x1  }
0x17: {  	s4 =	simm.s32 $0x1BF5;
	[smem:$0x3FBB] =	sst s0  }
0x18: {  	s0 =	sld [smem:$0x3F9E];
	_ =	swait.ge [sflag:s4], $0x0  }
0x19: {  	s7 =	sld [smem:$0x3F9F]  }
0x1a: {  	s8 =	sadd.s32 $0xFFFFE003, lr  }
0x1b: {  	s9 =	sadd.s32 $0xFFFFFEF7, lr;
	s5 =	simm.s32 $0xFFFFFFFF;
	p2 =	slt.u32 s8, $0xFFFFF086  }
0x1c: {  	p1 =	slt.u32 s9, $0xF7A;
	s5 =	simm.s32 @!p2 $0x0  }
0x1d: {  	s5 =	simm.s32 @p1 $0x1;
	p0 =	seq.s32 s7, s2  }
0x1e: {  	s7 =	smul.u32 @!p0 $0xF7A, s2;
	p2 =	seq.s32 @!p0 s5, $0x0  }
0x1f: {  	s9 =	smul.u32 $0xF7A, s1;
	s8 =	simm.s32 @!p0 $0x1BF5;
	p2 =	por !p2, p0  }
0x20: {  	[sflag:s8] =	ssyncset.s32 @!p0 $0xFFFFF086;
	s6 =	sadd.s32 @!p0 s3, s7;
	s7 =	simm.s32 @!p0 $0x108  }
0x21: {  	s3 =	sadd.s32 s3, s9;
	s6 =	sadd.s32 @!p0 $0x88, s6;
	s7 =	simm.s32 @p2 $0x1082  }
0x22: {  	[simem:s7], [sflag:s8] =	dma.local @!p0 [hbm:s6], $0xF7A  }
0x23: {  	s9 =	sor.u32 $0xD0000000, s2;
	s6 =	simm.s32 $0x108;
	_ =	swait.ge @!p0 [sflag:s8], $0x0  }
0x24: {  	s3 =	sadd.s32 $0x88, s3;
	s6 =	simm.s32 @!p1 $0x1082;
	[sflag:s4] =	ssyncset.s32 $0xFFFFF086  }
0x25: {  	[simem:s6], [sflag:s4] =	dma.local [hbm:s3], $0xF7A  }
0x26: {  	[smem:$0x3F9F] =	sst s1;
	(tag) =	ssettag s2;
	_ =	strace s9  }
0x27: {  	s1 =	sld [smem:$0x3FAF]  }
0x28: {  	s2 =	sld [smem:$0x3FB0]  }
0x29: {  	s4 =	sld [smem:$0x3FB2]  }
0x2a: {  	p0 =	seq.s32 s5, $0x0;
	s5 =	sld [smem:$0x3FB3]  }
0x2b: {  	s6 =	sld [smem:$0x3FB4]  }
0x2c: {  	s7 =	sld [smem:$0x3FB5]  }
0x2d: {  	s3 =	simm.s32 $0x108;
	s8 =	sld [smem:$0x3FB6]  }
0x2e: {  	s3 =	simm.s32 @!p0 $0x1082;
	s9 =	sld [smem:$0x3FB7]  }
0x2f: {  	lr =	sadd.s32 s0, s3;
	s0 =	sld [smem:$0x3FAE]  }
0x30: {  	s3 =	sld [smem:$0x3FB1]  }
0x31: {  	[smem:$0x3FBA] =	sst s10  }
0x32: {  	s10 =	sld [smem:$0x3FB8];
	_ =	sdelay $0x3  }
0x33: {  	p0 =	seq.s32 s10, $0x1;
	s10 =	sld [smem:$0x3FBA];
	_ =	sdelay $0x3  }
0x34: {  	[smem:$0x3FBA] =	sst s10  }
0x35: {  	s10 =	sld [smem:$0x3FB9];
	_ =	sdelay $0x3  }
0x36: {  	p1 =	seq.s32 s10, $0x1;
	s10 =	sld [smem:$0x3FBA];
	_ =	sdelay $0x3  }
0x37: {  	[smem:$0x3FBA] =	sst s10  }
0x38: {  	s10 =	sld [smem:$0x3FBB]  }
0x39: {  	_ = 	snop;
	(pc) =	sbr.ind lr, $3  }
0x3a: {  	_ = 	snop  }
0x3b: {  	_ = 	snop  }
0x3c: {  	p2 =	seq.s32 s10, $0x1;
	s10 =	sld [smem:$0x3FBA]  }
0x3d: {  	_ =	shalt  }
0x3e: {  	_ =	shalt  }
0x3f: {  	_ =	shalt  }
0x40: {  	_ =	shalt  }
0x41: {  	_ =	shalt  }
0x42: {  	_ =	shalt  }
0x43: {  	_ =	shalt  }
0x44: {  	_ =	shalt  }
0x45: {  	_ =	shalt  }
0x46: {  	_ =	shalt  }
0x47: {  	_ =	shalt  }
0x48: {  	_ =	shalt  }
0x49: {  	_ =	shalt  }
0x4a: {  	_ =	shalt  }
0x4b: {  	_ =	shalt  }
0x4c: {  	_ =	shalt  }
0x4d: {  	_ =	shalt  }
0x4e: {  	_ =	shalt  }
0x4f: {  	_ =	shalt  }
0x50: {  	_ =	shalt  }
0x51: {  	_ =	shalt  }
0x52: {  	_ =	shalt  }
0x53: {  	_ =	shalt  }
0x54: {  	_ =	shalt  }
0x55: {  	_ =	shalt  }
0x56: {  	_ =	shalt  }
0x57: {  	_ =	shalt  }
0x58: {  	_ =	shalt  }
0x59: {  	_ =	shalt  }
0x5a: {  	_ =	shalt  }
0x5b: {  	_ =	shalt  }
0x5c: {  	_ =	shalt  }
0x5d: {  	_ =	shalt  }
0x5e: {  	_ =	shalt  }
0x5f: {  	_ =	shalt  }
0x60: {  	_ =	shalt  }
0x61: {  	_ =	shalt  }
0x62: {  	_ =	shalt  }
0x63: {  	_ =	shalt  }
0x64: {  	_ =	shalt  }
0x65: {  	_ =	shalt  }
0x66: {  	_ =	shalt  }
0x67: {  	_ =	shalt  }
0x68: {  	_ =	shalt  }
0x69: {  	_ =	shalt  }
0x6a: {  	_ =	shalt  }
0x6b: {  	_ =	shalt  }
0x6c: {  	_ =	shalt  }
0x6d: {  	_ =	shalt  }
0x6e: {  	_ =	shalt  }
0x6f: {  	_ =	shalt  }
0x70: {  	_ =	shalt  }
0x71: {  	_ =	shalt  }
0x72: {  	_ =	shalt  }
0x73: {  	_ =	shalt  }
0x74: {  	_ =	shalt  }
0x75: {  	_ =	shalt  }
0x76: {  	_ =	shalt  }
0x77: {  	_ =	shalt  }
0x78: {  	_ =	shalt  }
0x79: {  	_ =	shalt  }
0x7a: {  	_ =	shalt  }
0x7b: {  	_ =	shalt  }
0x7c: {  	_ =	shalt  }
0x7d: {  	_ =	shalt  }
0x7e: {  	_ =	shalt  }
0x7f: {  	_ =	shalt  }
0x80: {  	_ =	shalt  }
0x81: {  	_ =	shalt  }
0x82: {  	_ =	shalt  }
0x83: {  	_ =	shalt  }
0x84: {  	_ =	shalt  }
0x85: {  	_ =	shalt  }
0x86: {  	_ =	shalt  }
0x87: {  	_ =	shalt  }
.Lfunc_end0:
.L_simem_size_0:
called_computation.1_lowered:
.L_overlay_start_0:
0x88: {  	s2 =	sld [smem:$0x3FD9]  }
0x89: {  	s3 =	sld [smem:$0x3FFE];
	_ =	sdelay $0x1  }
0x8a: {  	s1 =	srdreg.scid  }
0x8b: {  	s0 =	sand.u32 $0x1, s1  }
0x8c: {  	s17 =	sshll.u32 s0, $0xA;
	s2 =	sadd.s32 s3, s2  }
0x8d: {  	s2 =	sadd.s32 s2, s17  }
0x8e: {  	[smem:$0x3FC6] =	sst s2  }
0x8f: {  	_ = 	snop  }
0x90: {  	(tm) =	ssettm $0x1  }
0x91: {  	s18 =	sld [smem:$0x3FFB];
	_ =	sdelay $0x3  }
0x92: {  	_ =	strace s18  }
0x93: {  	s2 =	sld [smem:$0x3FFC];
	_ =	sdelay $0x3  }
0x94: {  	_ =	strace s2  }
0x95: {  	s2 =	sld [smem:$0x3FFD];
	_ =	sdelay $0x3  }
0x96: {  	_ =	strace s2  }
0x97: {  	_ =	strace $0x8FFFFFFF  }
0x98: {  	s19 =	sld [smem:$0x3FDB];
	_ =	sdelay $0x1  }
0x99: {  	s20 =	simm.s32 $_scs_section_size  }
0x9a: {  	s4 =	simm.s32 $_size__tile_overlayer_lowered;
	s5 =	simm.s32 $_tile_overlayer_lowered  }
0x9b: {  	s6 =	simm.s32 $0x1BFF;
	s21 =	sshll.u32 s5, $0x1;
	s3 =	sadd.s32 s20, s19  }
0x9c: {  	s22 =	simm.s32 $0x0;
	s4 =	sshll.u32 s4, $0x1;
	s5 =	sadd.s32 s21, s3  }
0x9d: {  	[timem:s22], [sflag:s6] =	dma.local [hbm:s5], s4  }
0x9e: {  	_ =	swait.ge [sflag:s6], s4  }
0x9f: {  	s4 =	ssub.s32 $0x0, s4;
	[sflag:s6] =	ssyncset.done $0x0  }
0xa0: {  	[sflag:s6] =	ssyncadd.s32 s4;
	_ =	sdelay $0x1  }
0xa1: {  	s23 =	simm.s32 $0x1B8B  }
0xa2: {  	_ =	swait.ge [sflag:s23], $0x1  }
0xa3: {  	[sflag:s23] =	ssyncset.done $0x0  }
0xa4: {  	[sflag:s23] =	ssyncadd.s32 $0xFFFFFFFF  }
0xa5: {  	s4 =	sld [smem:$0x0]  }
0xa6: {  	s5 =	sand.u32 $0xFFFFFFFE, s1  }
0xa7: {  	p0 =	sne.s32 s1, s5  }
0xa8: {  	s5 =	sshll.u32 @p0 s5, $0xE  }
0xa9: {  	s5 =	sadd.s32 @p0 $0x11B8D, s5;
	s6 =	sshll.u32 @p0 s4, $0x11  }
0xaa: {  	s5 =	sor.u32 @p0 s6, s5  }
0xab: {  	[sflag:s5] =	ssyncadd.remote.s32 @p0 $0x1;
	_ =	sdelay $0x1  }
0xac: {  	s5 =	simm.s32 @p0 $0x1B8D  }
0xad: {  	_ =	swait.eq @p0 [sflag:s5], $0x1  }
0xae: {  	[sflag:s5] =	ssyncadd.s32 @p0 $0xFFFFFFFF  }
0xaf: {  	s6 =	sshll.u32 @!p0 s1, $0xE  }
0xb0: {  	s6 =	sor.u32 @!p0 $0x4000, s6;
	s5 =	simm.s32 @!p0 $0x1B8D  }
0xb1: {  	s4 =	sshll.u32 @!p0 s4, $0x11;
	s6 =	sadd.s32 @!p0 $0x11B8D, s6;
	_ =	swait.eq @!p0 [sflag:s5], $0x1  }
0xb2: {  	s4 =	sor.u32 @!p0 s4, s6;
	[sflag:s5] =	ssyncadd.s32 @!p0 $0xFFFFFFFF  }
0xb3: {  	s25 =	simm.s32 $0x1B8E;
	s24 =	sld [smem:$0x3FFE];
	[sflag:s4] =	ssyncadd.remote.s32 @!p0 $0x1  }
0xb4: {  	s26 =	simm.s32 $execute0_lowered;
	[smem:$0x3FD2] =	sst s25  }
0xb5: {  	s5 =	sshll.u32 s26, $0x1;
	_ =	strace $0x80000049;
	[dreg:$0x1] =	wrdreg $0xFFFFFFFF  }
0xb6: {  	s28 =	simm.s32 $_size_execute0_lowered;
	s3 =	sadd.s32 s3, s5;
	[dreg:$0x0] =	wrdreg $0x0  }
0xb7: {  	s5 =	sshll.u32 s28, $0x1;
	[dreg:$0x2] =	wrdreg s3  }
0xb8: {  	[dreg:$0x3] =	wrdreg s5  }
0xb9: {  	[dreg:$0x4] =	wrdreg $0xC0  }
0xba: {  	_ =	task [dreg:s22], $0x5FFFF  }
0xbb: {  	[dreg:$0x1] =	wrdreg $0xFFFFFFFF  }
0xbc: {  	[dreg:$0x0] =	wrdreg $0x60  }
0xbd: {  	[dreg:$0x2] =	wrdreg s24  }
0xbe: {  	[dreg:$0x3] =	wrdreg $0xA  }
0xbf: {  	_ =	task.clear_ibuf [dreg:s22], $0x4FFFF;
	_ =	strace $0x90000049  }
0xc0: {  	s29 =	simm.s32 $0xA;
	_ =	strace $0x8000004B  }
0xc1: {  	_ =	swait.ge [sflag:s29], $0x1  }
0xc2: {  	[sflag:s29] =	ssyncadd.s32 $0xFFFFFFFF  }
0xc3: {  	_ =	strace $0x9000004B  }
0xc4: {  	_ =	sfence  }
0xc5: {  	s30 =	sld [smem:$0x0];
	_ =	sdelay $0x2  }
0xc6: {  	s31 =	sshll.u32 s1, $0xD;
	s1 =	sshrl.u32 s1, $0x2  }
0xc7: {  	s4 =	sand.u32 $0x4000, s31;
	s1 =	sadd.s32 s1, s30  }
0xc8: {  	s0 =	sor.u32 s4, s0;
	s1 =	sshll.u32 s1, $0x11  }
0xc9: {  	s0 =	sor.u32 s1, s0  }
0xca: {  	s0 =	sadd.s32 $0x8F2B, s0  }
0xcb: {  	[sflag:s0] =	ssyncadd.remote.s32 $0x1  }
0xcc: {  	_ =	sfence.sel $0xFFFF  }
0xcd: {  	[dreg:$0x0] =	wrdreg $0xFFFFFFFF;
	(pc) =	sbr.abs _section_cstart, $3  }
0xce: {  	[dreg:$0x1] =	wrdreg $0xFFFFFFFF  }
0xcf: {  	_ =	task.clear_ibuf [dreg:s22], $0x2FFFF;
	_ =	strace $0x9FFFFFFF  }
0xd0: {  	(tm) =	ssettm $0x7FFFFFFF  }
0xd1: {  	_ =	shalt  }
tec
execute0_lowered:
.L_overlay_start_1:
0x0: {  	(tag) =	ssettag $0x1  }
0x1: {  	s4 =	rddreg [dreg:$0x0]  }
0x2: {  	s0 =	rddreg [dreg:$0x1]  }
0x3: {  	s1 =	simm.s32 $0x0;
	s2 =	srdreg.scid;
	s9 =	simm.s32 $0x4480  }
0x4: {  	s10 =	simm.s32 $0x4600;
	s11 =	simm.s32 $0x0;
	[smem:$0x7FF] =	sst s1  }
.Ltmp0:
0x5: {  	s5 =	sand.u32 $0x1, s2;
	s3 =	sadd.s32 $0x25E00, s4;
	(pc) =	sbr.rel .LBB2_1-.Ltmp0, $4  }
0x6: {  	s2 =	stileid.u32;
	s4 =	sadd.s32 $0x45E00, s4;
	s6 =	ssub.s32 $0x2, s5  }
0x7: {  	s8 =	sshll.u32 s2, $0x6;
	s5 =	sshll.u32 s5, $0x5;
	s7 =	sshrl.u32 s6, $0x1  }
0x8: {  	v0 =	vlaneseq.u32;
	vm0 =	vmmov $0x1;
	_ =	strace $0x8000004A;
	s5 =	sor.u32 s5, s8;
	s6 =	ssub.s32 s6, s7  }
0x9: {  	v1 =	vor.u32 $0x10, v0;
	v2 =	vor.u32 $0x20, v0;
	v3 =	vor.u32 $0x30, v0;
	s8 =	simm.s32 $0x4000;
	s7 =	simm.s32 $0x1;
	s6 =	smax.u32 s6, $0x1  }
.LBB2_12:
0xa: {  	s11 =	sadd.s32 $0x1, s11  }
0xb: {  	p0 =	sne.s32 s11, s6  }
.Ltmp1:
0xc: {  	_ = 	snop;
	(pc) =	sbr.rel @!p0 .LBB2_13-.Ltmp1, $1  }
0xd: {  	_ =	sdelay $0x3  }
.LBB2_1:
.Ltmp2:
0xe: {  	(pc) =	sbr.rel .LBB2_2-.Ltmp2, $2  }
0xf: {  	_ =	sdelay $0x2  }
0x10: {  	p1 =	por $0x1, $0x1;
	s12 =	simm.s32 $0x0  }
.LBB2_11:
0x11: {  	s12 =	sshll.u32 s12, $0x4  }
.Ltmp3:
0x12: {  	s12 =	sadd.s32 s4, s12;
	(pc) =	sbr.rel @!p0 .LBB2_12-.Ltmp3, $4  }
0x13: {  	[hbm4b:s12+s1] =	stream.linear.scatter [tilespmem:s10], [sflag:$0x1], $0x800, $0x38;
	[tilespmem:$0x4E00] =	vst v63  }
0x14: {  	_ =	swait.ge [sflag:s7], $0x800  }
0x15: {  	[sflag:s7] =	ssyncset.done $0x0  }
0x16: {  	p1 =	por $0x0, $0x0;
	s12 =	simm.s32 $0x10;
	[sflag:s7] =	ssyncadd.s32 $0xFFFFF800  }
.LBB2_2:
0x17: {  	s12 =	sor.u32 s5, s12  }
0x18: {  	s13 =	sshll.u32 s12, $0x7  }
.Ltmp4:
0x19: {  	s14 =	sadd.s32 s3, s13;
	s13 =	simm.s32 $0x0;
	(pc) =	sbr.rel .LBB2_3-.Ltmp4, $4  }
0x1a: {  	[tilespmem:s13], [sflag:$0x1] =	stream.linear.gather [hbm4b:s14+s13], $0x4000, $0x38;
	[tilespmem:$0x4E00] =	vst v63  }
0x1b: {  	_ =	swait.ge [sflag:s7], $0x4000  }
0x1c: {  	[sflag:s7] =	ssyncset.done $0x0  }
0x1d: {  	p0 =	por p1, p1;
	s14 =	simm.s32 $0x0;
	[sflag:s7] =	ssyncadd.s32 $0xFFFFC000  }
.LBB2_6:
0x1e: {  	s15 =	simm.s32 $0x0;
	v5 =	vld [tilespmem:$0x4480];
	s16 =	simm.s32 $0x0  }
.LBB2_10:
0x1f: {  	v6 =	vor.u32 v0, v4;
	_ =	sdelay $0x1  }
0x20: {  	v7 =	vmov s15  }
0x21: {  	vm1 =	vgt.s32 v7, v0  }
0x22: {  	v5 =	vnsel vm1, s16, v5  }
0x23: {  	[tilespmem:v6+s10+$0x0] =	vst.idx.msk $0xffff, v5  }
0x24: {  	v5 =	vld [tilespmem:$0x4490]  }
0x25: {  	v62 =	vor.u32 v1, v4;
	_ =	sdelay $0x2  }
0x26: {  	vm1 =	vgt.s32 v7, v1  }
0x27: {  	v5 =	vnsel vm1, s16, v5  }
0x28: {  	[tilespmem:v62+s10+$0x0] =	vst.idx.msk $0xffff, v5  }
0x29: {  	v5 =	vld [tilespmem:$0x44A0]  }
0x2a: {  	v63 =	vor.u32 v2, v4;
	_ =	sdelay $0x2  }
0x2b: {  	vm1 =	vgt.s32 v7, v2  }
0x2c: {  	v5 =	vnsel vm1, s16, v5  }
0x2d: {  	[tilespmem:v63+s10+$0x0] =	vst.idx.msk $0xffff, v5  }
0x2e: {  	s14 =	sadd.s32 $0x1, s14;
	v5 =	vld [tilespmem:$0x44B0]  }
0x2f: {  	v4 =	vor.u32 v3, v4;
	p1 =	sne.s32 s14, $0x10  }
.Ltmp5:
0x30: {  	_ = 	snop;
	(pc) =	sbr.rel @!p1 .LBB2_11-.Ltmp5, $4  }
0x31: {  	_ = 	snop  }
0x32: {  	vm1 =	vgt.s32 v7, v3  }
0x33: {  	v5 =	vnsel vm1, s16, v5  }
0x34: {  	[tilespmem:v4+s10+$0x0] =	vst.idx.msk $0xffff, v5  }
.LBB2_3:
0x35: {  	v4 =	vmov s14  }
0x36: {  	v6 =	vmov s13;
	v7 =	vor.u32 s13, v0;
	v5 =	vshll.u32 v4, $0xA  }
0x37: {  	v4 =	vshll.u32 v4, $0x7;
	v6 =	vshll.u32 v6, $0x3;
	v9 =	vand.u32 $0x7F, v7  }
0x38: {  	v5 =	vand.u32 $0x2000, v5;
	v8 =	vand.u32 $0x380, v4;
	v6 =	vand.u32 $0x1C00, v6  }
0x39: {  	v5 =	vor.u32 v5, v8;
	v6 =	vor.u32 v9, v6  }
0x3a: {  	v6 =	vor.u32 v5, v6;
	_ =	sdelay $0x4  }
0x3b: {  	s15 =	simm.s32 $0x10;
	v9 =	vld.idx.msk [tilespmem:v6+s1+$0x0], $0xffff  }
0x3c: {  	v8 =	vmov s15  }
0x3d: {  	v8 =	vshll.u32 v8, $0x3;
	v6 =	vor.u32 s15, v0  }
0x3e: {  	v8 =	vand.u32 $0x1C00, v8;
	v10 =	vand.u32 $0x7F, v6  }
0x3f: {  	v8 =	vor.u32 v10, v8  }
0x40: {  	v8 =	vor.u32 v5, v8;
	vm1 =	vne.s32 v9, $0x0  }
0x41: {  	v9 =	vmpcnt.ones.xlane vm1;
	_ =	sdelay $0x1  }
0x42: {  	[tilespmem:s13+$0x4000] =	vst.msk vm1, v7;
	v7 =	vxor.u32 $0x80000000, v9  }
0x43: {  	(xrf0) =	vmax.scan.msk.u32 $0xffff, v7  }
0x44: {  	v8 =	vld.idx.msk [tilespmem:v8+s1+$0x0], $0xffff;
	_ =	sdelay $0x4  }
0x45: {  	vm1 =	vne.s32 v8, $0x0;
	v8, _, _ =	vpop (xrf0)  }
0x46: {  	(v2sf) =	vpush v8, $0xF;
	_ =	sdelay $0x7  }
0x47: {  	v7 =	vmpcnt.ones.xlane vm1  }
0x48: {  	s16 =	simm.s32 $0x20  }
0x49: {  	s17 =	simm.s32 $0x30;
	s15 =	simm.s32 $0x0;
	v8 =	vmov s16;
	v7 =	vxor.u32 $0x80000000, v7  }
.LBB2_4:
0x4a: {  	p1 =	sne.s32 s17, $0x3F0;
	v9 =	vor.u32 s16, v0;
	v8 =	vshll.u32 v8, $0x3;
	(xrf0) =	vmax.scan.msk.u32 $0xffff, v7;
	s16 =	smov.u32 s17  }
0x4b: {  	v7 =	vand.u32 $0x7F, v9;
	v8 =	vand.u32 $0x1C00, v8  }
0x4c: {  	v7 =	vor.u32 v7, v8  }
0x4d: {  	v7 =	vor.u32 v5, v7  }
0x4e: {  	s18 =	spop (v2sf)  }
0x4f: {  	s15 =	sadd.s32 s18, s15  }
0x50: {  	v8, _, _ =	vpop (xrf0);
	s15 =	sadd.s32 $0x80000000, s15  }
0x51: {  	[tilespmem:s15+$0x4000] =	vst.msk vm1, v6;
	(v2sf) =	vpush v8, $0xF;
	v6 =	vmov v9  }
0x52: {  	v7 =	vld.idx.msk [tilespmem:v7+s1+$0x0], $0xffff;
	_ =	sdelay $0x4  }
.Ltmp6:
0x53: {  	(pc) =	sbr.rel @p1 .LBB2_4-.Ltmp6, $3  }
0x54: {  	vm1 =	vne.s32 v7, $0x0  }
0x55: {  	v7 =	vmpcnt.ones.xlane vm1;
	_ =	sdelay $0x1  }
0x56: {  	s17 =	sadd.s32 $0x10, s17;
	v8 =	vmov s16;
	v7 =	vxor.u32 $0x80000000, v7  }
0x57: {  	v9 =	vor.u32 s16, v0;
	v8 =	vshll.u32 v8, $0x3  }
0x58: {  	v10 =	vand.u32 $0x7F, v9;
	v8 =	vand.u32 $0x1C00, v8  }
0x59: {  	v8 =	vor.u32 v10, v8  }
0x5a: {  	v8 =	vor.u32 v5, v8  }
0x5b: {  	s29 =	spop (v2sf)  }
0x5c: {  	s15 =	sadd.s32 s29, s15  }
0x5d: {  	s15 =	sadd.s32 $0x80000000, s15  }
0x5e: {  	[tilespmem:s15+$0x4000] =	vst.msk vm1, v6  }
0x5f: {  	v6 =	vld.idx.msk [tilespmem:v8+s1+$0x0], $0xffff;
	_ =	sdelay $0x4  }
0x60: {  	vm1 =	vne.s32 v6, $0x0  }
0x61: {  	v6 =	vmpcnt.ones.xlane vm1  }
0x62: {  	(xrf0) =	vmax.scan.msk.u32 $0xffff, v7  }
0x63: {  	v6 =	vxor.u32 $0x80000000, v6  }
0x64: {  	(xrf0) =	vmax.scan.msk.u32 $0xffff, v6;
	_ =	sdelay $0x3  }
0x65: {  	v6, _, _ =	vpop (xrf0)  }
0x66: {  	(v2sf) =	vpush v6, $0xF  }
0x67: {  	v6, _, _ =	vpop (xrf0)  }
0x68: {  	(v2sf) =	vpush v6, $0xF;
	_ =	sdelay $0xc  }
0x69: {  	s30 =	spop (v2sf)  }
0x6a: {  	s15 =	sadd.s32 s30, s15  }
0x6b: {  	s15 =	sadd.s32 $0x80000000, s15;
	s31 =	spop (v2sf)  }
0x6c: {  	s16 =	sadd.s32 s31, s15  }
0x6d: {  	s16 =	sadd.s32 $0x80000000, s16  }
0x6e: {  	p1 =	sgt.s32 s16, $0x0  }
.Ltmp7:
0x6f: {  	_ = 	snop;
	(pc) =	sbr.rel @!p1 .LBB2_6-.Ltmp7, $2  }
0x70: {  	_ =	sdelay $0x2  }
0x71: {  	[tilespmem:s15+$0x4000] =	vst.msk vm1, v9  }
0x72: {  	p1 =	slt.s32 s16, $0x60  }
0x73: {  	s16 =	simm.s32 @!p1 $0x60  }
0x74: {  	s15 =	simm.s32 $0x0;
	s17 =	simm.s32 $0x0;
	v6 =	vmov s16  }
.LBB2_8:
0x75: {  	v7 =	vor.u32 s17, v0;
	_ =	sdelay $0x4  }
0x76: {  	v8 =	vld.idx.msk [tilespmem:v7+s8+$0x0], $0xffff;
	_ =	sdelay $0x3  }
0x77: {  	vm1 =	vlt.s32 v7, v6  }
0x78: {  	v7 =	vnsel vm1, $0x0, v8  }
0x79: {  	v8 =	vshll.u32 v7, $0x3  }
0x7a: {  	v8 =	vand.u32 $0xFFFFFC00, v8  }
0x7b: {  	v9 =	vand.u32 $0x7F, v7;
	v8 =	vadd.s32 v5, v8  }
0x7c: {  	v8 =	vor.u32 v9, v8;
	_ =	sdelay $0x4  }
0x7d: {  	v8 =	vld.idx.msk [tilespmem:v8+s1+$0x0], $0xffff;
	_ =	sdelay $0x4  }
0x7e: {  	v8 =	vnsel vm1, $0x0, v8  }
0x7f: {  	v43 =	vshra.s32 v8, $0x1  }
0x80: {  	v10 =	vand.u32 $0x5555, v43  }
0x81: {  	v10 =	vsub.s32 v8, v10  }
0x82: {  	v11 =	vshrl.u32 v10, $0x2  }
0x83: {  	v10 =	vand.u32 $0x3333, v10;
	v11 =	vand.u32 $0x3333, v11  }
0x84: {  	v10 =	vadd.s32 v10, v11  }
0x85: {  	v11 =	vshrl.u32 v10, $0x4  }
0x86: {  	v10 =	vadd.s32 v10, v11  }
0x87: {  	v10 =	vand.u32 $0xF0F, v10  }
0x88: {  	v44 =	vshrl.u32 v10, $0x8  }
0x89: {  	v10 =	vadd.s32 v10, v44  }
0x8a: {  	v10 =	vand.u32 $0x1F, v10  }
0x8b: {  	(xrf0) =	vadd.scan.msk.s32 $0xffff, v10;
	_ =	sdelay $0x5  }
0x8c: {  	v45, _, _ =	vpop (xrf0)  }
0x8d: {  	v11 =	vxor.u32 $0x80000000, v45  }
0x8e: {  	(xrf0) =	vmax.scan.msk.u32 $0xffff, v11  }
0x8f: {  	v7 =	vshll.u32 v7, $0x4  }
0x90: {  	v13 =	vor.u32 $0x1, v7;
	v47 =	vor.u32 $0x2, v7;
	v16 =	vor.u32 $0x3, v7  }
0x91: {  	v18 =	vor.u32 $0x4, v7;
	v20 =	vor.u32 $0x5, v7;
	v49 =	vor.u32 $0x6, v7  }
0x92: {  	v24 =	vor.u32 $0x7, v7;
	v50 =	vor.u32 $0x8, v7;
	v54 =	vor.u32 $0x9, v7  }
0x93: {  	v12 =	vand.u32 $0x1, v8;
	v14 =	vshrl.u32 v8, $0x2;
	v15 =	vshrl.u32 v8, $0x3  }
0x94: {  	v17 =	vshrl.u32 v8, $0x4;
	v19 =	vshrl.u32 v8, $0x5;
	v22 =	vshrl.u32 v8, $0x6;
	v21, _, _ =	vpop (xrf0)  }
0x95: {  	v23 =	vshrl.u32 v8, $0x7;
	v25 =	vshrl.u32 v8, $0x8;
	(v2sf) =	vpush v21, $0xF  }
0x96: {  	v26 =	vshrl.u32 v8, $0x9;
	v53 =	vshrl.u32 v8, $0xA;
	v57 =	vshrl.u32 v8, $0xB  }
0x97: {  	v58 =	vshrl.u32 v8, $0xC;
	v59 =	vshrl.u32 v8, $0xD;
	v60 =	vshrl.u32 v8, $0xE  }
0x98: {  	vm1 =	veq.s32 v12, $0x1;
	v9 =	vand.u32 $0x1, v43;
	v10 =	vsub.s32 s15, v10  }
0x99: {  	v46 =	vand.u32 $0x1, v14;
	vm2 =	veq.s32 v9, $0x1;
	v10 =	vadd.s32 v45, v10  }
0x9a: {  	v15 =	vand.u32 $0x1, v15;
	vm3 =	veq.s32 v46, $0x1;
	v12 =	vadd.s32 v12, v10  }
0x9b: {  	v17 =	vand.u32 $0x1, v17;
	vm4 =	veq.s32 v15, $0x1;
	v9 =	vadd.s32 v9, v12  }
0x9c: {  	v19 =	vand.u32 $0x1, v19;
	vm5 =	veq.s32 v17, $0x1;
	v11 =	vadd.s32 v46, v9  }
0x9d: {  	v48 =	vand.u32 $0x1, v22;
	vm6 =	veq.s32 v19, $0x1;
	v15 =	vadd.s32 v15, v11  }
0x9e: {  	v23 =	vand.u32 $0x1, v23;
	vm7 =	veq.s32 v48, $0x1;
	v17 =	vadd.s32 v17, v15;
	[tilespmem:v10+s9+$0x0] =	vst.idx.msk vm1, v7  }
0x9f: {  	v25 =	vand.u32 $0x1, v25;
	vm8 =	veq.s32 v23, $0x1;
	v19 =	vadd.s32 v19, v17;
	[tilespmem:v12+s9+$0x0] =	vst.idx.msk vm2, v13  }
0xa0: {  	v52 =	vand.u32 $0x1, v26;
	vm1 =	veq.s32 v25, $0x1;
	[tilespmem:v9+s9+$0x0] =	vst.idx.msk vm3, v47;
	v21 =	vadd.s32 v48, v19  }
0xa1: {  	v55 =	vand.u32 $0x1, v53;
	vm2 =	veq.s32 v52, $0x1;
	[tilespmem:v11+s9+$0x0] =	vst.idx.msk vm4, v16;
	v23 =	vadd.s32 v23, v21  }
0xa2: {  	v13 =	vand.u32 $0x1, v57;
	vm3 =	veq.s32 v55, $0x1;
	[tilespmem:v15+s9+$0x0] =	vst.idx.msk vm5, v18;
	v51 =	vadd.s32 v25, v23  }
0xa3: {  	vm13 =	veq.s32 v13, $0x1;
	v15 =	vand.u32 $0x1, v58;
	[tilespmem:v17+s9+$0x0] =	vst.idx.msk vm6, v20;
	v56 =	vadd.s32 v52, v51  }
0xa4: {  	v16 =	vand.u32 $0x1, v59;
	vm14 =	veq.s32 v15, $0x1;
	[tilespmem:v19+s9+$0x0] =	vst.idx.msk vm7, v49;
	v14 =	vadd.s32 v55, v56;
	s18 =	spop (v2sf)  }
0xa5: {  	s17 =	sadd.s32 $0x10, s17;
	vm15 =	veq.s32 v16, $0x1;
	v17 =	vand.u32 $0x1, v60;
	[tilespmem:v21+s9+$0x0] =	vst.idx.msk vm8, v24;
	v13 =	vadd.s32 v13, v14;
	s31 =	sadd.s32 s18, s15  }
0xa6: {  	p1 =	sge.s32 s17, s16;
	v8 =	vand.u32 $0x8000, v8;
	[tilespmem:v23+s9+$0x0] =	vst.idx.msk vm1, v50;
	v61 =	vadd.s32 v15, v13;
	vm1 =	veq.s32 v17, $0x1;
	s15 =	sadd.s32 $0x80000000, s31  }
0xa7: {  	[tilespmem:v51+s9+$0x0] =	vst.idx.msk vm2, v54;
	vm2 =	vne.s32 v8, $0x0;
	v8 =	vor.u32 $0xA, v7;
	v62 =	vadd.s32 v16, v61;
	p2 =	slt.s32 @!p1 s15, $0x40  }
0xa8: {  	[tilespmem:v56+s9+$0x0] =	vst.idx.msk vm3, v8;
	v8 =	vor.u32 $0xB, v7;
	v63 =	vadd.s32 v17, v62;
	p1 =	por p1, !p2  }
.Ltmp8:
0xa9: {  	[tilespmem:v14+s9+$0x0] =	vst.idx.msk vm13, v8;
	v8 =	vor.u32 $0xC, v7;
	(pc) =	sbr.rel @!p1 .LBB2_8-.Ltmp8, $4  }
0xaa: {  	[tilespmem:v13+s9+$0x0] =	vst.idx.msk vm14, v8;
	v8 =	vor.u32 $0xD, v7  }
0xab: {  	[tilespmem:v61+s9+$0x0] =	vst.idx.msk vm15, v8;
	v8 =	vor.u32 $0xE, v7  }
0xac: {  	v7 =	vor.u32 $0xF, v7;
	[tilespmem:v62+s9+$0x0] =	vst.idx.msk vm1, v8  }
0xad: {  	[tilespmem:v63+s9+$0x0] =	vst.idx.msk vm2, v7  }
0xae: {  	v5 =	vld [tilespmem:$0x4480];
	_ =	sdelay $0x4  }
0xaf: {  	v6 =	vnsel vm0, $0x0, v5  }
0xb0: {  	(xrf0) =	vadd.scan.msk.s32 $0xffff, v6;
	_ =	sdelay $0x5  }
0xb1: {  	v6, _, _ =	vpop (xrf0)  }
0xb2: {  	(v2sf) =	vpush v6, $0xF;
	_ =	sdelay $0xb  }
.Ltmp9:
0xb3: {  	_ = 	snop;
	(pc) =	sbr.rel .LBB2_10-.Ltmp9, $3  }
0xb4: {  	_ =	sdelay $0x1  }
0xb5: {  	p1 =	sgt.s32 s15, $0x0;
	s16 =	spop (v2sf)  }
0xb6: {  	s16 =	simm.s32 @!p1 $0x0  }
.LBB2_13:
0xb7: {  	_ =	sfence.sel $0x180000  }
0xb8: {  	[bflag:$0x0] =	sbarrier.arrive $0xFFFF  }
0xb9: {  	p0 =	sne.s32 s2, $0x0;
	_ =	strace $0x9000004A  }
0xba: {  	s0 =	sadd.s32 @!p0 $0x100000, s0;
	[bflag:$0x2] =	sbarrier.arrive $0xFFFF  }
0xbb: {  	[sflag:s0] =	ssyncadd.tile.s32 @!p0 $0x1;
	_ =	shalt  }
.Lfunc_end2:
_tile_overlayer_lowered:
.L_overlay_start_2:
0xbc: {  	(tag) =	ssettag $0x2  }
0xbd: {  	s0 =	rddreg [dreg:$0x0];
	s2 =	stileid.u32  }
0xbe: {  	s1 =	rddreg [dreg:$0x1];
	p0 =	sne.s32 s2, $0x0  }
0xbf: {  	s3 =	rddreg [dreg:$0x2];
	[bflag:$0x3] =	sbarrier.arrive $0xFFFF;
	s2 =	simm.s32 @!p0 $0x1C01  }
0xc0: {  	[timem:s3], [sflag:s2] =	dma.local @!p0 [hbm:s0], s1  }
0xc1: {  	s0 =	simm.s32 @!p0 $0x1  }
0xc2: {  	_ =	swait.ge @!p0 [sflag:s0], s1  }
0xc3: {  	s1 =	ssub.s32 @!p0 $0x0, s1;
	[sflag:s0] =	ssyncset.done @!p0 $0x0  }
0xc4: {  	[sflag:s0] =	ssyncadd.s32 @!p0 s1  }
0xc5: {  	[bflag:$0x3] =	sbarrier.arrive $0xFFFF  }
0xc6: {  	_ =	shalt  }

// kernel: kernel.16.cloned.1.call-start
scs
__scs_entry_jumppad:
0x0: {  	(pc) =	sbr.rel $0x88, $3  }
0x1: {  	(tag) =	ssettag $0x0;
	lr =	simm.s32 $0x1  }
0x2: {  	[smem:$0x3F9F] =	sst lr;
	_ =	strace $0xD0000000  }
0x3: {  	_ = 	snop  }
0x4: {  	_ = 	snop  }
0x5: {  	_ = 	snop  }
0x6: {  	_ = 	snop  }
0x7: {  	_ = 	snop  }
__scs_overlays_trampoline_lowered:
0x8: {  	[smem:$0x3FAE] =	sst s0  }
0x9: {  	[smem:$0x3FAF] =	sst s1  }
0xa: {  	[smem:$0x3FB0] =	sst s2  }
0xb: {  	[smem:$0x3FB1] =	sst s3  }
0xc: {  	[smem:$0x3FB2] =	sst s4  }
0xd: {  	[smem:$0x3FB3] =	sst s5  }
0xe: {  	[smem:$0x3FB4] =	sst s6  }
0xf: {  	[smem:$0x3FB5] =	sst s7  }
0x10: {  	[smem:$0x3FB6] =	sst s8  }
0x11: {  	[smem:$0x3FB7] =	sst s9;
	s0 =	simm.s32 @!p0 $0x0  }
0x12: {  	s1 =	sld [smem:$0x3F9D];
	s0 =	simm.s32 @p0 $0x1  }
0x13: {  	[smem:$0x3FB8] =	sst s0;
	s0 =	simm.s32 @!p1 $0x0  }
0x14: {  	s2 =	sld [smem:$0x3F9C];
	s0 =	simm.s32 @p1 $0x1  }
0x15: {  	[smem:$0x3FB9] =	sst s0;
	s0 =	simm.s32 @!p2 $0x0  }
0x16: {  	s3 =	sld [smem:$0x3FDB];
	s0 =	simm.s32 @p2 $0x1  }
0x17: {  	s4 =	simm.s32 $0x1BF5;
	[smem:$0x3FBB] =	sst s0  }
0x18: {  	s0 =	sld [smem:$0x3F9E];
	_ =	swait.ge [sflag:s4], $0x0  }
0x19: {  	s7 =	sld [smem:$0x3F9F]  }
0x1a: {  	s8 =	sadd.s32 $0xFFFFE003, lr  }
0x1b: {  	s9 =	sadd.s32 $0xFFFFFEF7, lr;
	s5 =	simm.s32 $0xFFFFFFFF;
	p2 =	slt.u32 s8, $0xFFFFF086  }
0x1c: {  	p1 =	slt.u32 s9, $0xF7A;
	s5 =	simm.s32 @!p2 $0x0  }
0x1d: {  	s5 =	simm.s32 @p1 $0x1;
	p0 =	seq.s32 s7, s2  }
0x1e: {  	s7 =	smul.u32 @!p0 $0xF7A, s2;
	p2 =	seq.s32 @!p0 s5, $0x0  }
0x1f: {  	s9 =	smul.u32 $0xF7A, s1;
	s8 =	simm.s32 @!p0 $0x1BF5;
	p2 =	por !p2, p0  }
0x20: {  	[sflag:s8] =	ssyncset.s32 @!p0 $0xFFFFF086;
	s6 =	sadd.s32 @!p0 s3, s7;
	s7 =	simm.s32 @!p0 $0x108  }
0x21: {  	s3 =	sadd.s32 s3, s9;
	s6 =	sadd.s32 @!p0 $0x88, s6;
	s7 =	simm.s32 @p2 $0x1082  }
0x22: {  	[simem:s7], [sflag:s8] =	dma.local @!p0 [hbm:s6], $0xF7A  }
0x23: {  	s9 =	sor.u32 $0xD0000000, s2;
	s6 =	simm.s32 $0x108;
	_ =	swait.ge @!p0 [sflag:s8], $0x0  }
0x24: {  	s3 =	sadd.s32 $0x88, s3;
	s6 =	simm.s32 @!p1 $0x1082;
	[sflag:s4] =	ssyncset.s32 $0xFFFFF086  }
0x25: {  	[simem:s6], [sflag:s4] =	dma.local [hbm:s3], $0xF7A  }
0x26: {  	[smem:$0x3F9F] =	sst s1;
	(tag) =	ssettag s2;
	_ =	strace s9  }
0x27: {  	s1 =	sld [smem:$0x3FAF]  }
0x28: {  	s2 =	sld [smem:$0x3FB0]  }
0x29: {  	s4 =	sld [smem:$0x3FB2]  }
0x2a: {  	p0 =	seq.s32 s5, $0x0;
	s5 =	sld [smem:$0x3FB3]  }
0x2b: {  	s6 =	sld [smem:$0x3FB4]  }
0x2c: {  	s7 =	sld [smem:$0x3FB5]  }
0x2d: {  	s3 =	simm.s32 $0x108;
	s8 =	sld [smem:$0x3FB6]  }
0x2e: {  	s3 =	simm.s32 @!p0 $0x1082;
	s9 =	sld [smem:$0x3FB7]  }
0x2f: {  	lr =	sadd.s32 s0, s3;
	s0 =	sld [smem:$0x3FAE]  }
0x30: {  	s3 =	sld [smem:$0x3FB1]  }
0x31: {  	[smem:$0x3FBA] =	sst s10  }
0x32: {  	s10 =	sld [smem:$0x3FB8];
	_ =	sdelay $0x3  }
0x33: {  	p0 =	seq.s32 s10, $0x1;
	s10 =	sld [smem:$0x3FBA];
	_ =	sdelay $0x3  }
0x34: {  	[smem:$0x3FBA] =	sst s10  }
0x35: {  	s10 =	sld [smem:$0x3FB9];
	_ =	sdelay $0x3  }
0x36: {  	p1 =	seq.s32 s10, $0x1;
	s10 =	sld [smem:$0x3FBA];
	_ =	sdelay $0x3  }
0x37: {  	[smem:$0x3FBA] =	sst s10  }
0x38: {  	s10 =	sld [smem:$0x3FBB]  }
0x39: {  	_ = 	snop;
	(pc) =	sbr.ind lr, $3  }
0x3a: {  	_ = 	snop  }
0x3b: {  	_ = 	snop  }
0x3c: {  	p2 =	seq.s32 s10, $0x1;
	s10 =	sld [smem:$0x3FBA]  }
0x3d: {  	_ =	shalt  }
0x3e: {  	_ =	shalt  }
0x3f: {  	_ =	shalt  }
0x40: {  	_ =	shalt  }
0x41: {  	_ =	shalt  }
0x42: {  	_ =	shalt  }
0x43: {  	_ =	shalt  }
0x44: {  	_ =	shalt  }
0x45: {  	_ =	shalt  }
0x46: {  	_ =	shalt  }
0x47: {  	_ =	shalt  }
0x48: {  	_ =	shalt  }
0x49: {  	_ =	shalt  }
0x4a: {  	_ =	shalt  }
0x4b: {  	_ =	shalt  }
0x4c: {  	_ =	shalt  }
0x4d: {  	_ =	shalt  }
0x4e: {  	_ =	shalt  }
0x4f: {  	_ =	shalt  }
0x50: {  	_ =	shalt  }
0x51: {  	_ =	shalt  }
0x52: {  	_ =	shalt  }
0x53: {  	_ =	shalt  }
0x54: {  	_ =	shalt  }
0x55: {  	_ =	shalt  }
0x56: {  	_ =	shalt  }
0x57: {  	_ =	shalt  }
0x58: {  	_ =	shalt  }
0x59: {  	_ =	shalt  }
0x5a: {  	_ =	shalt  }
0x5b: {  	_ =	shalt  }
0x5c: {  	_ =	shalt  }
0x5d: {  	_ =	shalt  }
0x5e: {  	_ =	shalt  }
0x5f: {  	_ =	shalt  }
0x60: {  	_ =	shalt  }
0x61: {  	_ =	shalt  }
0x62: {  	_ =	shalt  }
0x63: {  	_ =	shalt  }
0x64: {  	_ =	shalt  }
0x65: {  	_ =	shalt  }
0x66: {  	_ =	shalt  }
0x67: {  	_ =	shalt  }
0x68: {  	_ =	shalt  }
0x69: {  	_ =	shalt  }
0x6a: {  	_ =	shalt  }
0x6b: {  	_ =	shalt  }
0x6c: {  	_ =	shalt  }
0x6d: {  	_ =	shalt  }
0x6e: {  	_ =	shalt  }
0x6f: {  	_ =	shalt  }
0x70: {  	_ =	shalt  }
0x71: {  	_ =	shalt  }
0x72: {  	_ =	shalt  }
0x73: {  	_ =	shalt  }
0x74: {  	_ =	shalt  }
0x75: {  	_ =	shalt  }
0x76: {  	_ =	shalt  }
0x77: {  	_ =	shalt  }
0x78: {  	_ =	shalt  }
0x79: {  	_ =	shalt  }
0x7a: {  	_ =	shalt  }
0x7b: {  	_ =	shalt  }
0x7c: {  	_ =	shalt  }
0x7d: {  	_ =	shalt  }
0x7e: {  	_ =	shalt  }
0x7f: {  	_ =	shalt  }
0x80: {  	_ =	shalt  }
0x81: {  	_ =	shalt  }
0x82: {  	_ =	shalt  }
0x83: {  	_ =	shalt  }
0x84: {  	_ =	shalt  }
0x85: {  	_ =	shalt  }
0x86: {  	_ =	shalt  }
0x87: {  	_ =	shalt  }
.Lfunc_end0:
.L_simem_size_0:
called_computation.2_lowered:
.L_overlay_start_0:
0x88: {  	s2 =	sld [smem:$0x3FD9]  }
0x89: {  	s3 =	sld [smem:$0x3FFE];
	_ =	sdelay $0x1  }
0x8a: {  	s1 =	srdreg.scid  }
0x8b: {  	s0 =	sand.u32 $0x1, s1  }
0x8c: {  	s17 =	sshll.u32 s0, $0xA;
	s2 =	sadd.s32 s3, s2  }
0x8d: {  	s2 =	sadd.s32 s2, s17  }
0x8e: {  	[smem:$0x3FC6] =	sst s2  }
0x8f: {  	_ = 	snop  }
0x90: {  	(tm) =	ssettm $0x1  }
0x91: {  	s18 =	sld [smem:$0x3FFB];
	_ =	sdelay $0x3  }
0x92: {  	_ =	strace s18  }
0x93: {  	s2 =	sld [smem:$0x3FFC];
	_ =	sdelay $0x3  }
0x94: {  	_ =	strace s2  }
0x95: {  	s2 =	sld [smem:$0x3FFD];
	_ =	sdelay $0x3  }
0x96: {  	_ =	strace s2  }
0x97: {  	_ =	strace $0x8FFFFFFF  }
0x98: {  	s19 =	sld [smem:$0x3FDB];
	_ =	sdelay $0x1  }
0x99: {  	s20 =	simm.s32 $_scs_section_size  }
0x9a: {  	s4 =	simm.s32 $_size__tile_overlayer_lowered;
	s5 =	simm.s32 $_tile_overlayer_lowered  }
0x9b: {  	s6 =	simm.s32 $0x1BFF;
	s21 =	sshll.u32 s5, $0x1;
	s3 =	sadd.s32 s20, s19  }
0x9c: {  	s22 =	simm.s32 $0x0;
	s4 =	sshll.u32 s4, $0x1;
	s5 =	sadd.s32 s21, s3  }
0x9d: {  	[timem:s22], [sflag:s6] =	dma.local [hbm:s5], s4  }
0x9e: {  	_ =	swait.ge [sflag:s6], s4  }
0x9f: {  	s4 =	ssub.s32 $0x0, s4;
	[sflag:s6] =	ssyncset.done $0x0  }
0xa0: {  	[sflag:s6] =	ssyncadd.s32 s4;
	_ =	sdelay $0x1  }
0xa1: {  	s23 =	simm.s32 $0x1B8B  }
0xa2: {  	_ =	swait.ge [sflag:s23], $0x1  }
0xa3: {  	[sflag:s23] =	ssyncset.done $0x0  }
0xa4: {  	[sflag:s23] =	ssyncadd.s32 $0xFFFFFFFF  }
0xa5: {  	s4 =	sld [smem:$0x0]  }
0xa6: {  	s5 =	sand.u32 $0xFFFFFFFE, s1  }
0xa7: {  	p0 =	sne.s32 s1, s5  }
0xa8: {  	s5 =	sshll.u32 @p0 s5, $0xE  }
0xa9: {  	s5 =	sadd.s32 @p0 $0x11B8D, s5;
	s6 =	sshll.u32 @p0 s4, $0x11  }
0xaa: {  	s5 =	sor.u32 @p0 s6, s5  }
0xab: {  	[sflag:s5] =	ssyncadd.remote.s32 @p0 $0x1;
	_ =	sdelay $0x1  }
0xac: {  	s5 =	simm.s32 @p0 $0x1B8D  }
0xad: {  	_ =	swait.eq @p0 [sflag:s5], $0x1  }
0xae: {  	[sflag:s5] =	ssyncadd.s32 @p0 $0xFFFFFFFF  }
0xaf: {  	s6 =	sshll.u32 @!p0 s1, $0xE  }
0xb0: {  	s6 =	sor.u32 @!p0 $0x4000, s6;
	s5 =	simm.s32 @!p0 $0x1B8D  }
0xb1: {  	s4 =	sshll.u32 @!p0 s4, $0x11;
	s6 =	sadd.s32 @!p0 $0x11B8D, s6;
	_ =	swait.eq @!p0 [sflag:s5], $0x1  }
0xb2: {  	s4 =	sor.u32 @!p0 s4, s6;
	[sflag:s5] =	ssyncadd.s32 @!p0 $0xFFFFFFFF  }
0xb3: {  	s25 =	simm.s32 $0x1B8E;
	s24 =	sld [smem:$0x3FFE];
	[sflag:s4] =	ssyncadd.remote.s32 @!p0 $0x1  }
0xb4: {  	s26 =	simm.s32 $execute0_lowered;
	[smem:$0x3FD2] =	sst s25  }
0xb5: {  	s5 =	sshll.u32 s26, $0x1;
	_ =	strace $0x8000004C;
	[dreg:$0x1] =	wrdreg $0xFFFFFFFF  }
0xb6: {  	s28 =	simm.s32 $_size_execute0_lowered;
	s3 =	sadd.s32 s3, s5;
	[dreg:$0x0] =	wrdreg $0x0  }
0xb7: {  	s5 =	sshll.u32 s28, $0x1;
	[dreg:$0x2] =	wrdreg s3  }
0xb8: {  	[dreg:$0x3] =	wrdreg s5  }
0xb9: {  	[dreg:$0x4] =	wrdreg $0xC0  }
0xba: {  	_ =	task [dreg:s22], $0x5FFFF  }
0xbb: {  	[dreg:$0x1] =	wrdreg $0xFFFFFFFF  }
0xbc: {  	[dreg:$0x0] =	wrdreg $0x60  }
0xbd: {  	[dreg:$0x2] =	wrdreg s24  }
0xbe: {  	[dreg:$0x3] =	wrdreg $0xB  }
0xbf: {  	_ =	task.clear_ibuf [dreg:s22], $0x4FFFF;
	_ =	strace $0x9000004C  }
0xc0: {  	s29 =	simm.s32 $0xB;
	_ =	strace $0x8000004E  }
0xc1: {  	_ =	swait.ge [sflag:s29], $0x1  }
0xc2: {  	[sflag:s29] =	ssyncadd.s32 $0xFFFFFFFF  }
0xc3: {  	_ =	strace $0x9000004E  }
0xc4: {  	_ =	sfence  }
0xc5: {  	s30 =	sld [smem:$0x0];
	_ =	sdelay $0x2  }
0xc6: {  	s31 =	sshll.u32 s1, $0xD;
	s1 =	sshrl.u32 s1, $0x2  }
0xc7: {  	s4 =	sand.u32 $0x4000, s31;
	s1 =	sadd.s32 s1, s30  }
0xc8: {  	s0 =	sor.u32 s4, s0;
	s1 =	sshll.u32 s1, $0x11  }
0xc9: {  	s0 =	sor.u32 s1, s0  }
0xca: {  	s0 =	sadd.s32 $0x8F2B, s0  }
0xcb: {  	[sflag:s0] =	ssyncadd.remote.s32 $0x1  }
0xcc: {  	_ =	sfence.sel $0xFFFF  }
0xcd: {  	[dreg:$0x0] =	wrdreg $0xFFFFFFFF;
	(pc) =	sbr.abs _section_cstart, $3  }
0xce: {  	[dreg:$0x1] =	wrdreg $0xFFFFFFFF  }
0xcf: {  	_ =	task.clear_ibuf [dreg:s22], $0x2FFFF;
	_ =	strace $0x9FFFFFFF  }
0xd0: {  	(tm) =	ssettm $0x7FFFFFFF  }
0xd1: {  	_ =	shalt  }
tec
execute0_lowered:
.L_overlay_start_1:
0x0: {  	(tag) =	ssettag $0x1  }
0x1: {  	s4 =	rddreg [dreg:$0x0]  }
0x2: {  	s0 =	rddreg [dreg:$0x1]  }
0x3: {  	s1 =	simm.s32 $0x0;
	s2 =	srdreg.scid;
	s9 =	simm.s32 $0x4480  }
0x4: {  	s10 =	simm.s32 $0x4600;
	s11 =	simm.s32 $0x0;
	[smem:$0x7FF] =	sst s1  }
.Ltmp0:
0x5: {  	s5 =	sand.u32 $0x1, s2;
	s3 =	sadd.s32 $0x49E00, s4;
	(pc) =	sbr.rel .LBB2_1-.Ltmp0, $4  }
0x6: {  	s2 =	stileid.u32;
	s4 =	sadd.s32 $0x69E00, s4;
	s6 =	ssub.s32 $0x2, s5  }
0x7: {  	s8 =	sshll.u32 s2, $0x6;
	s5 =	sshll.u32 s5, $0x5;
	s7 =	sshrl.u32 s6, $0x1  }
0x8: {  	v0 =	vlaneseq.u32;
	vm0 =	vmmov $0x1;
	_ =	strace $0x8000004D;
	s5 =	sor.u32 s5, s8;
	s6 =	ssub.s32 s6, s7  }
0x9: {  	v1 =	vor.u32 $0x10, v0;
	v2 =	vor.u32 $0x20, v0;
	v3 =	vor.u32 $0x30, v0;
	s8 =	simm.s32 $0x4000;
	s7 =	simm.s32 $0x1;
	s6 =	smax.u32 s6, $0x1  }
.LBB2_12:
0xa: {  	s11 =	sadd.s32 $0x1, s11  }
0xb: {  	p0 =	sne.s32 s11, s6  }
.Ltmp1:
0xc: {  	_ = 	snop;
	(pc) =	sbr.rel @!p0 .LBB2_13-.Ltmp1, $1  }
0xd: {  	_ =	sdelay $0x3  }
.LBB2_1:
.Ltmp2:
0xe: {  	(pc) =	sbr.rel .LBB2_2-.Ltmp2, $2  }
0xf: {  	_ =	sdelay $0x2  }
0x10: {  	p1 =	por $0x1, $0x1;
	s12 =	simm.s32 $0x0  }
.LBB2_11:
0x11: {  	s12 =	sshll.u32 s12, $0x4  }
.Ltmp3:
0x12: {  	s12 =	sadd.s32 s4, s12;
	(pc) =	sbr.rel @!p0 .LBB2_12-.Ltmp3, $4  }
0x13: {  	[hbm4b:s12+s1] =	stream.linear.scatter [tilespmem:s10], [sflag:$0x1], $0x800, $0x38;
	[tilespmem:$0x4E00] =	vst v63  }
0x14: {  	_ =	swait.ge [sflag:s7], $0x800  }
0x15: {  	[sflag:s7] =	ssyncset.done $0x0  }
0x16: {  	p1 =	por $0x0, $0x0;
	s12 =	simm.s32 $0x10;
	[sflag:s7] =	ssyncadd.s32 $0xFFFFF800  }
.LBB2_2:
0x17: {  	s12 =	sor.u32 s5, s12  }
0x18: {  	s13 =	sshll.u32 s12, $0x7  }
.Ltmp4:
0x19: {  	s14 =	sadd.s32 s3, s13;
	s13 =	simm.s32 $0x0;
	(pc) =	sbr.rel .LBB2_3-.Ltmp4, $4  }
0x1a: {  	[tilespmem:s13], [sflag:$0x1] =	stream.linear.gather [hbm4b:s14+s13], $0x4000, $0x38;
	[tilespmem:$0x4E00] =	vst v63  }
0x1b: {  	_ =	swait.ge [sflag:s7], $0x4000  }
0x1c: {  	[sflag:s7] =	ssyncset.done $0x0  }
0x1d: {  	p0 =	por p1, p1;
	s14 =	simm.s32 $0x0;
	[sflag:s7] =	ssyncadd.s32 $0xFFFFC000  }
.LBB2_6:
0x1e: {  	s15 =	simm.s32 $0x0;
	v5 =	vld [tilespmem:$0x4480];
	s16 =	simm.s32 $0x0  }
.LBB2_10:
0x1f: {  	v6 =	vor.u32 v0, v4;
	_ =	sdelay $0x1  }
0x20: {  	v7 =	vmov s15  }
0x21: {  	vm1 =	vgt.s32 v7, v0  }
0x22: {  	v5 =	vnsel vm1, s16, v5  }
0x23: {  	[tilespmem:v6+s10+$0x0] =	vst.idx.msk $0xffff, v5  }
0x24: {  	v5 =	vld [tilespmem:$0x4490]  }
0x25: {  	v62 =	vor.u32 v1, v4;
	_ =	sdelay $0x2  }
0x26: {  	vm1 =	vgt.s32 v7, v1  }
0x27: {  	v5 =	vnsel vm1, s16, v5  }
0x28: {  	[tilespmem:v62+s10+$0x0] =	vst.idx.msk $0xffff, v5  }
0x29: {  	v5 =	vld [tilespmem:$0x44A0]  }
0x2a: {  	v63 =	vor.u32 v2, v4;
	_ =	sdelay $0x2  }
0x2b: {  	vm1 =	vgt.s32 v7, v2  }
0x2c: {  	v5 =	vnsel vm1, s16, v5  }
0x2d: {  	[tilespmem:v63+s10+$0x0] =	vst.idx.msk $0xffff, v5  }
0x2e: {  	s14 =	sadd.s32 $0x1, s14;
	v5 =	vld [tilespmem:$0x44B0]  }
0x2f: {  	v4 =	vor.u32 v3, v4;
	p1 =	sne.s32 s14, $0x10  }
.Ltmp5:
0x30: {  	_ = 	snop;
	(pc) =	sbr.rel @!p1 .LBB2_11-.Ltmp5, $4  }
0x31: {  	_ = 	snop  }
0x32: {  	vm1 =	vgt.s32 v7, v3  }
0x33: {  	v5 =	vnsel vm1, s16, v5  }
0x34: {  	[tilespmem:v4+s10+$0x0] =	vst.idx.msk $0xffff, v5  }
.LBB2_3:
0x35: {  	v4 =	vmov s14  }
0x36: {  	v6 =	vmov s13;
	v7 =	vor.u32 s13, v0;
	v5 =	vshll.u32 v4, $0xA  }
0x37: {  	v4 =	vshll.u32 v4, $0x7;
	v6 =	vshll.u32 v6, $0x3;
	v9 =	vand.u32 $0x7F, v7  }
0x38: {  	v5 =	vand.u32 $0x2000, v5;
	v8 =	vand.u32 $0x380, v4;
	v6 =	vand.u32 $0x1C00, v6  }
0x39: {  	v5 =	vor.u32 v5, v8;
	v6 =	vor.u32 v9, v6  }
0x3a: {  	v6 =	vor.u32 v5, v6;
	_ =	sdelay $0x4  }
0x3b: {  	s15 =	simm.s32 $0x10;
	v9 =	vld.idx.msk [tilespmem:v6+s1+$0x0], $0xffff  }
0x3c: {  	v8 =	vmov s15  }
0x3d: {  	v8 =	vshll.u32 v8, $0x3;
	v6 =	vor.u32 s15, v0  }
0x3e: {  	v8 =	vand.u32 $0x1C00, v8;
	v10 =	vand.u32 $0x7F, v6  }
0x3f: {  	v8 =	vor.u32 v10, v8  }
0x40: {  	v8 =	vor.u32 v5, v8;
	vm1 =	vne.s32 v9, $0x0  }
0x41: {  	v9 =	vmpcnt.ones.xlane vm1;
	_ =	sdelay $0x1  }
0x42: {  	[tilespmem:s13+$0x4000] =	vst.msk vm1, v7;
	v7 =	vxor.u32 $0x80000000, v9  }
0x43: {  	(xrf0) =	vmax.scan.msk.u32 $0xffff, v7  }
0x44: {  	v8 =	vld.idx.msk [tilespmem:v8+s1+$0x0], $0xffff;
	_ =	sdelay $0x4  }
0x45: {  	vm1 =	vne.s32 v8, $0x0;
	v8, _, _ =	vpop (xrf0)  }
0x46: {  	(v2sf) =	vpush v8, $0xF;
	_ =	sdelay $0x7  }
0x47: {  	v7 =	vmpcnt.ones.xlane vm1  }
0x48: {  	s16 =	simm.s32 $0x20  }
0x49: {  	s17 =	simm.s32 $0x30;
	s15 =	simm.s32 $0x0;
	v8 =	vmov s16;
	v7 =	vxor.u32 $0x80000000, v7  }
.LBB2_4:
0x4a: {  	p1 =	sne.s32 s17, $0x3F0;
	v9 =	vor.u32 s16, v0;
	v8 =	vshll.u32 v8, $0x3;
	(xrf0) =	vmax.scan.msk.u32 $0xffff, v7;
	s16 =	smov.u32 s17  }
0x4b: {  	v7 =	vand.u32 $0x7F, v9;
	v8 =	vand.u32 $0x1C00, v8  }
0x4c: {  	v7 =	vor.u32 v7, v8  }
0x4d: {  	v7 =	vor.u32 v5, v7  }
0x4e: {  	s18 =	spop (v2sf)  }
0x4f: {  	s15 =	sadd.s32 s18, s15  }
0x50: {  	v8, _, _ =	vpop (xrf0);
	s15 =	sadd.s32 $0x80000000, s15  }
0x51: {  	[tilespmem:s15+$0x4000] =	vst.msk vm1, v6;
	(v2sf) =	vpush v8, $0xF;
	v6 =	vmov v9  }
0x52: {  	v7 =	vld.idx.msk [tilespmem:v7+s1+$0x0], $0xffff;
	_ =	sdelay $0x4  }
.Ltmp6:
0x53: {  	(pc) =	sbr.rel @p1 .LBB2_4-.Ltmp6, $3  }
0x54: {  	vm1 =	vne.s32 v7, $0x0  }
0x55: {  	v7 =	vmpcnt.ones.xlane vm1;
	_ =	sdelay $0x1  }
0x56: {  	s17 =	sadd.s32 $0x10, s17;
	v8 =	vmov s16;
	v7 =	vxor.u32 $0x80000000, v7  }
0x57: {  	v9 =	vor.u32 s16, v0;
	v8 =	vshll.u32 v8, $0x3  }
0x58: {  	v10 =	vand.u32 $0x7F, v9;
	v8 =	vand.u32 $0x1C00, v8  }
0x59: {  	v8 =	vor.u32 v10, v8  }
0x5a: {  	v8 =	vor.u32 v5, v8  }
0x5b: {  	s29 =	spop (v2sf)  }
0x5c: {  	s15 =	sadd.s32 s29, s15  }
0x5d: {  	s15 =	sadd.s32 $0x80000000, s15  }
0x5e: {  	[tilespmem:s15+$0x4000] =	vst.msk vm1, v6  }
0x5f: {  	v6 =	vld.idx.msk [tilespmem:v8+s1+$0x0], $0xffff;
	_ =	sdelay $0x4  }
0x60: {  	vm1 =	vne.s32 v6, $0x0  }
0x61: {  	v6 =	vmpcnt.ones.xlane vm1  }
0x62: {  	(xrf0) =	vmax.scan.msk.u32 $0xffff, v7  }
0x63: {  	v6 =	vxor.u32 $0x80000000, v6  }
0x64: {  	(xrf0) =	vmax.scan.msk.u32 $0xffff, v6;
	_ =	sdelay $0x3  }
0x65: {  	v6, _, _ =	vpop (xrf0)  }
0x66: {  	(v2sf) =	vpush v6, $0xF  }
0x67: {  	v6, _, _ =	vpop (xrf0)  }
0x68: {  	(v2sf) =	vpush v6, $0xF;
	_ =	sdelay $0xc  }
0x69: {  	s30 =	spop (v2sf)  }
0x6a: {  	s15 =	sadd.s32 s30, s15  }
0x6b: {  	s15 =	sadd.s32 $0x80000000, s15;
	s31 =	spop (v2sf)  }
0x6c: {  	s16 =	sadd.s32 s31, s15  }
0x6d: {  	s16 =	sadd.s32 $0x80000000, s16  }
0x6e: {  	p1 =	sgt.s32 s16, $0x0  }
.Ltmp7:
0x6f: {  	_ = 	snop;
	(pc) =	sbr.rel @!p1 .LBB2_6-.Ltmp7, $2  }
0x70: {  	_ =	sdelay $0x2  }
0x71: {  	[tilespmem:s15+$0x4000] =	vst.msk vm1, v9  }
0x72: {  	p1 =	slt.s32 s16, $0x60  }
0x73: {  	s16 =	simm.s32 @!p1 $0x60  }
0x74: {  	s15 =	simm.s32 $0x0;
	s17 =	simm.s32 $0x0;
	v6 =	vmov s16  }
.LBB2_8:
0x75: {  	v7 =	vor.u32 s17, v0;
	_ =	sdelay $0x4  }
0x76: {  	v8 =	vld.idx.msk [tilespmem:v7+s8+$0x0], $0xffff;
	_ =	sdelay $0x3  }
0x77: {  	vm1 =	vlt.s32 v7, v6  }
0x78: {  	v7 =	vnsel vm1, $0x0, v8  }
0x79: {  	v8 =	vshll.u32 v7, $0x3  }
0x7a: {  	v8 =	vand.u32 $0xFFFFFC00, v8  }
0x7b: {  	v9 =	vand.u32 $0x7F, v7;
	v8 =	vadd.s32 v5, v8  }
0x7c: {  	v8 =	vor.u32 v9, v8;
	_ =	sdelay $0x4  }
0x7d: {  	v8 =	vld.idx.msk [tilespmem:v8+s1+$0x0], $0xffff;
	_ =	sdelay $0x4  }
0x7e: {  	v8 =	vnsel vm1, $0x0, v8  }
0x7f: {  	v43 =	vshra.s32 v8, $0x1  }
0x80: {  	v10 =	vand.u32 $0x5555, v43  }
0x81: {  	v10 =	vsub.s32 v8, v10  }
0x82: {  	v11 =	vshrl.u32 v10, $0x2  }
0x83: {  	v10 =	vand.u32 $0x3333, v10;
	v11 =	vand.u32 $0x3333, v11  }
0x84: {  	v10 =	vadd.s32 v10, v11  }
0x85: {  	v11 =	vshrl.u32 v10, $0x4  }
0x86: {  	v10 =	vadd.s32 v10, v11  }
0x87: {  	v10 =	vand.u32 $0xF0F, v10  }
0x88: {  	v44 =	vshrl.u32 v10, $0x8  }
0x89: {  	v10 =	vadd.s32 v10, v44  }
0x8a: {  	v10 =	vand.u32 $0x1F, v10  }
0x8b: {  	(xrf0) =	vadd.scan.msk.s32 $0xffff, v10;
	_ =	sdelay $0x5  }
0x8c: {  	v45, _, _ =	vpop (xrf0)  }
0x8d: {  	v11 =	vxor.u32 $0x80000000, v45  }
0x8e: {  	(xrf0) =	vmax.scan.msk.u32 $0xffff, v11  }
0x8f: {  	v7 =	vshll.u32 v7, $0x4  }
0x90: {  	v13 =	vor.u32 $0x1, v7;
	v47 =	vor.u32 $0x2, v7;
	v16 =	vor.u32 $0x3, v7  }
0x91: {  	v18 =	vor.u32 $0x4, v7;
	v20 =	vor.u32 $0x5, v7;
	v49 =	vor.u32 $0x6, v7  }
0x92: {  	v24 =	vor.u32 $0x7, v7;
	v50 =	vor.u32 $0x8, v7;
	v54 =	vor.u32 $0x9, v7  }
0x93: {  	v12 =	vand.u32 $0x1, v8;
	v14 =	vshrl.u32 v8, $0x2;
	v15 =	vshrl.u32 v8, $0x3  }
0x94: {  	v17 =	vshrl.u32 v8, $0x4;
	v19 =	vshrl.u32 v8, $0x5;
	v22 =	vshrl.u32 v8, $0x6;
	v21, _, _ =	vpop (xrf0)  }
0x95: {  	v23 =	vshrl.u32 v8, $0x7;
	v25 =	vshrl.u32 v8, $0x8;
	(v2sf) =	vpush v21, $0xF  }
0x96: {  	v26 =	vshrl.u32 v8, $0x9;
	v53 =	vshrl.u32 v8, $0xA;
	v57 =	vshrl.u32 v8, $0xB  }
0x97: {  	v58 =	vshrl.u32 v8, $0xC;
	v59 =	vshrl.u32 v8, $0xD;
	v60 =	vshrl.u32 v8, $0xE  }
0x98: {  	vm1 =	veq.s32 v12, $0x1;
	v9 =	vand.u32 $0x1, v43;
	v10 =	vsub.s32 s15, v10  }
0x99: {  	v46 =	vand.u32 $0x1, v14;
	vm2 =	veq.s32 v9, $0x1;
	v10 =	vadd.s32 v45, v10  }
0x9a: {  	v15 =	vand.u32 $0x1, v15;
	vm3 =	veq.s32 v46, $0x1;
	v12 =	vadd.s32 v12, v10  }
0x9b: {  	v17 =	vand.u32 $0x1, v17;
	vm4 =	veq.s32 v15, $0x1;
	v9 =	vadd.s32 v9, v12  }
0x9c: {  	v19 =	vand.u32 $0x1, v19;
	vm5 =	veq.s32 v17, $0x1;
	v11 =	vadd.s32 v46, v9  }
0x9d: {  	v48 =	vand.u32 $0x1, v22;
	vm6 =	veq.s32 v19, $0x1;
	v15 =	vadd.s32 v15, v11  }
0x9e: {  	v23 =	vand.u32 $0x1, v23;
	vm7 =	veq.s32 v48, $0x1;
	v17 =	vadd.s32 v17, v15;
	[tilespmem:v10+s9+$0x0] =	vst.idx.msk vm1, v7  }
0x9f: {  	v25 =	vand.u32 $0x1, v25;
	vm8 =	veq.s32 v23, $0x1;
	v19 =	vadd.s32 v19, v17;
	[tilespmem:v12+s9+$0x0] =	vst.idx.msk vm2, v13  }
0xa0: {  	v52 =	vand.u32 $0x1, v26;
	vm1 =	veq.s32 v25, $0x1;
	[tilespmem:v9+s9+$0x0] =	vst.idx.msk vm3, v47;
	v21 =	vadd.s32 v48, v19  }
0xa1: {  	v55 =	vand.u32 $0x1, v53;
	vm2 =	veq.s32 v52, $0x1;
	[tilespmem:v11+s9+$0x0] =	vst.idx.msk vm4, v16;
	v23 =	vadd.s32 v23, v21  }
0xa2: {  	v13 =	vand.u32 $0x1, v57;
	vm3 =	veq.s32 v55, $0x1;
	[tilespmem:v15+s9+$0x0] =	vst.idx.msk vm5, v18;
	v51 =	vadd.s32 v25, v23  }
0xa3: {  	vm13 =	veq.s32 v13, $0x1;
	v15 =	vand.u32 $0x1, v58;
	[tilespmem:v17+s9+$0x0] =	vst.idx.msk vm6, v20;
	v56 =	vadd.s32 v52, v51  }
0xa4: {  	v16 =	vand.u32 $0x1, v59;
	vm14 =	veq.s32 v15, $0x1;
	[tilespmem:v19+s9+$0x0] =	vst.idx.msk vm7, v49;
	v14 =	vadd.s32 v55, v56;
	s18 =	spop (v2sf)  }
0xa5: {  	s17 =	sadd.s32 $0x10, s17;
	vm15 =	veq.s32 v16, $0x1;
	v17 =	vand.u32 $0x1, v60;
	[tilespmem:v21+s9+$0x0] =	vst.idx.msk vm8, v24;
	v13 =	vadd.s32 v13, v14;
	s31 =	sadd.s32 s18, s15  }
0xa6: {  	p1 =	sge.s32 s17, s16;
	v8 =	vand.u32 $0x8000, v8;
	[tilespmem:v23+s9+$0x0] =	vst.idx.msk vm1, v50;
	v61 =	vadd.s32 v15, v13;
	vm1 =	veq.s32 v17, $0x1;
	s15 =	sadd.s32 $0x80000000, s31  }
0xa7: {  	[tilespmem:v51+s9+$0x0] =	vst.idx.msk vm2, v54;
	vm2 =	vne.s32 v8, $0x0;
	v8 =	vor.u32 $0xA, v7;
	v62 =	vadd.s32 v16, v61;
	p2 =	slt.s32 @!p1 s15, $0x40  }
0xa8: {  	[tilespmem:v56+s9+$0x0] =	vst.idx.msk vm3, v8;
	v8 =	vor.u32 $0xB, v7;
	v63 =	vadd.s32 v17, v62;
	p1 =	por p1, !p2  }
.Ltmp8:
0xa9: {  	[tilespmem:v14+s9+$0x0] =	vst.idx.msk vm13, v8;
	v8 =	vor.u32 $0xC, v7;
	(pc) =	sbr.rel @!p1 .LBB2_8-.Ltmp8, $4  }
0xaa: {  	[tilespmem:v13+s9+$0x0] =	vst.idx.msk vm14, v8;
	v8 =	vor.u32 $0xD, v7  }
0xab: {  	[tilespmem:v61+s9+$0x0] =	vst.idx.msk vm15, v8;
	v8 =	vor.u32 $0xE, v7  }
0xac: {  	v7 =	vor.u32 $0xF, v7;
	[tilespmem:v62+s9+$0x0] =	vst.idx.msk vm1, v8  }
0xad: {  	[tilespmem:v63+s9+$0x0] =	vst.idx.msk vm2, v7  }
0xae: {  	v5 =	vld [tilespmem:$0x4480];
	_ =	sdelay $0x4  }
0xaf: {  	v6 =	vnsel vm0, $0x0, v5  }
0xb0: {  	(xrf0) =	vadd.scan.msk.s32 $0xffff, v6;
	_ =	sdelay $0x5  }
0xb1: {  	v6, _, _ =	vpop (xrf0)  }
0xb2: {  	(v2sf) =	vpush v6, $0xF;
	_ =	sdelay $0xb  }
.Ltmp9:
0xb3: {  	_ = 	snop;
	(pc) =	sbr.rel .LBB2_10-.Ltmp9, $3  }
0xb4: {  	_ =	sdelay $0x1  }
0xb5: {  	p1 =	sgt.s32 s15, $0x0;
	s16 =	spop (v2sf)  }
0xb6: {  	s16 =	simm.s32 @!p1 $0x0  }
.LBB2_13:
0xb7: {  	_ =	sfence.sel $0x180000  }
0xb8: {  	[bflag:$0x0] =	sbarrier.arrive $0xFFFF  }
0xb9: {  	p0 =	sne.s32 s2, $0x0;
	_ =	strace $0x9000004D  }
0xba: {  	s0 =	sadd.s32 @!p0 $0x100000, s0;
	[bflag:$0x2] =	sbarrier.arrive $0xFFFF  }
0xbb: {  	[sflag:s0] =	ssyncadd.tile.s32 @!p0 $0x1;
	_ =	shalt  }
.Lfunc_end2:
_tile_overlayer_lowered:
.L_overlay_start_2:
0xbc: {  	(tag) =	ssettag $0x2  }
0xbd: {  	s0 =	rddreg [dreg:$0x0];
	s2 =	stileid.u32  }
0xbe: {  	s1 =	rddreg [dreg:$0x1];
	p0 =	sne.s32 s2, $0x0  }
0xbf: {  	s3 =	rddreg [dreg:$0x2];
	[bflag:$0x3] =	sbarrier.arrive $0xFFFF;
	s2 =	simm.s32 @!p0 $0x1C01  }
0xc0: {  	[timem:s3], [sflag:s2] =	dma.local @!p0 [hbm:s0], s1  }
0xc1: {  	s0 =	simm.s32 @!p0 $0x1  }
0xc2: {  	_ =	swait.ge @!p0 [sflag:s0], s1  }
0xc3: {  	s1 =	ssub.s32 @!p0 $0x0, s1;
	[sflag:s0] =	ssyncset.done @!p0 $0x0  }
0xc4: {  	[sflag:s0] =	ssyncadd.s32 @!p0 s1  }
0xc5: {  	[bflag:$0x3] =	sbarrier.arrive $0xFFFF  }
0xc6: {  	_ =	shalt  }

// kernel: kernel.19.cloned.1.call-start
scs
__scs_entry_jumppad:
0x0: {  	(pc) =	sbr.rel $0x88, $3  }
0x1: {  	(tag) =	ssettag $0x0;
	lr =	simm.s32 $0x1  }
0x2: {  	[smem:$0x3F9F] =	sst lr;
	_ =	strace $0xD0000000  }
0x3: {  	_ = 	snop  }
0x4: {  	_ = 	snop  }
0x5: {  	_ = 	snop  }
0x6: {  	_ = 	snop  }
0x7: {  	_ = 	snop  }
__scs_overlays_trampoline_lowered:
0x8: {  	[smem:$0x3FAE] =	sst s0  }
0x9: {  	[smem:$0x3FAF] =	sst s1  }
0xa: {  	[smem:$0x3FB0] =	sst s2  }
0xb: {  	[smem:$0x3FB1] =	sst s3  }
0xc: {  	[smem:$0x3FB2] =	sst s4  }
0xd: {  	[smem:$0x3FB3] =	sst s5  }
0xe: {  	[smem:$0x3FB4] =	sst s6  }
0xf: {  	[smem:$0x3FB5] =	sst s7  }
0x10: {  	[smem:$0x3FB6] =	sst s8  }
0x11: {  	[smem:$0x3FB7] =	sst s9;
	s0 =	simm.s32 @!p0 $0x0  }
0x12: {  	s1 =	sld [smem:$0x3F9D];
	s0 =	simm.s32 @p0 $0x1  }
0x13: {  	[smem:$0x3FB8] =	sst s0;
	s0 =	simm.s32 @!p1 $0x0  }
0x14: {  	s2 =	sld [smem:$0x3F9C];
	s0 =	simm.s32 @p1 $0x1  }
0x15: {  	[smem:$0x3FB9] =	sst s0;
	s0 =	simm.s32 @!p2 $0x0  }
0x16: {  	s3 =	sld [smem:$0x3FDB];
	s0 =	simm.s32 @p2 $0x1  }
0x17: {  	s4 =	simm.s32 $0x1BF5;
	[smem:$0x3FBB] =	sst s0  }
0x18: {  	s0 =	sld [smem:$0x3F9E];
	_ =	swait.ge [sflag:s4], $0x0  }
0x19: {  	s7 =	sld [smem:$0x3F9F]  }
0x1a: {  	s8 =	sadd.s32 $0xFFFFE003, lr  }
0x1b: {  	s9 =	sadd.s32 $0xFFFFFEF7, lr;
	s5 =	simm.s32 $0xFFFFFFFF;
	p2 =	slt.u32 s8, $0xFFFFF086  }
0x1c: {  	p1 =	slt.u32 s9, $0xF7A;
	s5 =	simm.s32 @!p2 $0x0  }
0x1d: {  	s5 =	simm.s32 @p1 $0x1;
	p0 =	seq.s32 s7, s2  }
0x1e: {  	s7 =	smul.u32 @!p0 $0xF7A, s2;
	p2 =	seq.s32 @!p0 s5, $0x0  }
0x1f: {  	s9 =	smul.u32 $0xF7A, s1;
	s8 =	simm.s32 @!p0 $0x1BF5;
	p2 =	por !p2, p0  }
0x20: {  	[sflag:s8] =	ssyncset.s32 @!p0 $0xFFFFF086;
	s6 =	sadd.s32 @!p0 s3, s7;
	s7 =	simm.s32 @!p0 $0x108  }
0x21: {  	s3 =	sadd.s32 s3, s9;
	s6 =	sadd.s32 @!p0 $0x88, s6;
	s7 =	simm.s32 @p2 $0x1082  }
0x22: {  	[simem:s7], [sflag:s8] =	dma.local @!p0 [hbm:s6], $0xF7A  }
0x23: {  	s9 =	sor.u32 $0xD0000000, s2;
	s6 =	simm.s32 $0x108;
	_ =	swait.ge @!p0 [sflag:s8], $0x0  }
0x24: {  	s3 =	sadd.s32 $0x88, s3;
	s6 =	simm.s32 @!p1 $0x1082;
	[sflag:s4] =	ssyncset.s32 $0xFFFFF086  }
0x25: {  	[simem:s6], [sflag:s4] =	dma.local [hbm:s3], $0xF7A  }
0x26: {  	[smem:$0x3F9F] =	sst s1;
	(tag) =	ssettag s2;
	_ =	strace s9  }
0x27: {  	s1 =	sld [smem:$0x3FAF]  }
0x28: {  	s2 =	sld [smem:$0x3FB0]  }
0x29: {  	s4 =	sld [smem:$0x3FB2]  }
0x2a: {  	p0 =	seq.s32 s5, $0x0;
	s5 =	sld [smem:$0x3FB3]  }
0x2b: {  	s6 =	sld [smem:$0x3FB4]  }
0x2c: {  	s7 =	sld [smem:$0x3FB5]  }
0x2d: {  	s3 =	simm.s32 $0x108;
	s8 =	sld [smem:$0x3FB6]  }
0x2e: {  	s3 =	simm.s32 @!p0 $0x1082;
	s9 =	sld [smem:$0x3FB7]  }
0x2f: {  	lr =	sadd.s32 s0, s3;
	s0 =	sld [smem:$0x3FAE]  }
0x30: {  	s3 =	sld [smem:$0x3FB1]  }
0x31: {  	[smem:$0x3FBA] =	sst s10  }
0x32: {  	s10 =	sld [smem:$0x3FB8];
	_ =	sdelay $0x3  }
0x33: {  	p0 =	seq.s32 s10, $0x1;
	s10 =	sld [smem:$0x3FBA];
	_ =	sdelay $0x3  }
0x34: {  	[smem:$0x3FBA] =	sst s10  }
0x35: {  	s10 =	sld [smem:$0x3FB9];
	_ =	sdelay $0x3  }
0x36: {  	p1 =	seq.s32 s10, $0x1;
	s10 =	sld [smem:$0x3FBA];
	_ =	sdelay $0x3  }
0x37: {  	[smem:$0x3FBA] =	sst s10  }
0x38: {  	s10 =	sld [smem:$0x3FBB]  }
0x39: {  	_ = 	snop;
	(pc) =	sbr.ind lr, $3  }
0x3a: {  	_ = 	snop  }
0x3b: {  	_ = 	snop  }
0x3c: {  	p2 =	seq.s32 s10, $0x1;
	s10 =	sld [smem:$0x3FBA]  }
0x3d: {  	_ =	shalt  }
0x3e: {  	_ =	shalt  }
0x3f: {  	_ =	shalt  }
0x40: {  	_ =	shalt  }
0x41: {  	_ =	shalt  }
0x42: {  	_ =	shalt  }
0x43: {  	_ =	shalt  }
0x44: {  	_ =	shalt  }
0x45: {  	_ =	shalt  }
0x46: {  	_ =	shalt  }
0x47: {  	_ =	shalt  }
0x48: {  	_ =	shalt  }
0x49: {  	_ =	shalt  }
0x4a: {  	_ =	shalt  }
0x4b: {  	_ =	shalt  }
0x4c: {  	_ =	shalt  }
0x4d: {  	_ =	shalt  }
0x4e: {  	_ =	shalt  }
0x4f: {  	_ =	shalt  }
0x50: {  	_ =	shalt  }
0x51: {  	_ =	shalt  }
0x52: {  	_ =	shalt  }
0x53: {  	_ =	shalt  }
0x54: {  	_ =	shalt  }
0x55: {  	_ =	shalt  }
0x56: {  	_ =	shalt  }
0x57: {  	_ =	shalt  }
0x58: {  	_ =	shalt  }
0x59: {  	_ =	shalt  }
0x5a: {  	_ =	shalt  }
0x5b: {  	_ =	shalt  }
0x5c: {  	_ =	shalt  }
0x5d: {  	_ =	shalt  }
0x5e: {  	_ =	shalt  }
0x5f: {  	_ =	shalt  }
0x60: {  	_ =	shalt  }
0x61: {  	_ =	shalt  }
0x62: {  	_ =	shalt  }
0x63: {  	_ =	shalt  }
0x64: {  	_ =	shalt  }
0x65: {  	_ =	shalt  }
0x66: {  	_ =	shalt  }
0x67: {  	_ =	shalt  }
0x68: {  	_ =	shalt  }
0x69: {  	_ =	shalt  }
0x6a: {  	_ =	shalt  }
0x6b: {  	_ =	shalt  }
0x6c: {  	_ =	shalt  }
0x6d: {  	_ =	shalt  }
0x6e: {  	_ =	shalt  }
0x6f: {  	_ =	shalt  }
0x70: {  	_ =	shalt  }
0x71: {  	_ =	shalt  }
0x72: {  	_ =	shalt  }
0x73: {  	_ =	shalt  }
0x74: {  	_ =	shalt  }
0x75: {  	_ =	shalt  }
0x76: {  	_ =	shalt  }
0x77: {  	_ =	shalt  }
0x78: {  	_ =	shalt  }
0x79: {  	_ =	shalt  }
0x7a: {  	_ =	shalt  }
0x7b: {  	_ =	shalt  }
0x7c: {  	_ =	shalt  }
0x7d: {  	_ =	shalt  }
0x7e: {  	_ =	shalt  }
0x7f: {  	_ =	shalt  }
0x80: {  	_ =	shalt  }
0x81: {  	_ =	shalt  }
0x82: {  	_ =	shalt  }
0x83: {  	_ =	shalt  }
0x84: {  	_ =	shalt  }
0x85: {  	_ =	shalt  }
0x86: {  	_ =	shalt  }
0x87: {  	_ =	shalt  }
.Lfunc_end0:
.L_simem_size_0:
called_computation.3_lowered:
.L_overlay_start_0:
0x88: {  	s2 =	sld [smem:$0x3FD9]  }
0x89: {  	s3 =	sld [smem:$0x3FFE];
	_ =	sdelay $0x1  }
0x8a: {  	s1 =	srdreg.scid  }
0x8b: {  	s0 =	sand.u32 $0x1, s1  }
0x8c: {  	s17 =	sshll.u32 s0, $0xA;
	s2 =	sadd.s32 s3, s2  }
0x8d: {  	s2 =	sadd.s32 s2, s17  }
0x8e: {  	[smem:$0x3FC6] =	sst s2  }
0x8f: {  	_ = 	snop  }
0x90: {  	s18 =	sld [smem:$0x3FD0];
	(tm) =	ssettm $0x1  }
0x91: {  	s19 =	sld [smem:$0x3FFB];
	_ =	sdelay $0x3  }
0x92: {  	_ =	strace s19  }
0x93: {  	s2 =	sld [smem:$0x3FFC];
	_ =	sdelay $0x3  }
0x94: {  	_ =	strace s2  }
0x95: {  	s2 =	sld [smem:$0x3FFD];
	_ =	sdelay $0x3  }
0x96: {  	_ =	strace s2  }
0x97: {  	_ =	strace $0x8FFFFFFF  }
0x98: {  	s20 =	sld [smem:$0x3FDB];
	_ =	sdelay $0x1  }
0x99: {  	s4 =	simm.s32 $_scs_section_size  }
0x9a: {  	s5 =	simm.s32 $_size__tile_overlayer_lowered;
	s6 =	simm.s32 $_tile_overlayer_lowered  }
0x9b: {  	s7 =	simm.s32 $0x1BFF;
	s21 =	sshll.u32 s6, $0x1;
	s4 =	sadd.s32 s4, s20  }
0x9c: {  	s22 =	simm.s32 $0x0;
	s5 =	sshll.u32 s5, $0x1;
	s6 =	sadd.s32 s21, s4  }
0x9d: {  	[timem:s22], [sflag:s7] =	dma.local [hbm:s6], s5  }
0x9e: {  	_ =	swait.ge [sflag:s7], s5  }
0x9f: {  	s5 =	ssub.s32 $0x0, s5;
	[sflag:s7] =	ssyncset.done $0x0  }
0xa0: {  	[sflag:s7] =	ssyncadd.s32 s5;
	_ =	sdelay $0x1  }
0xa1: {  	s23 =	simm.s32 $0x1B8B  }
0xa2: {  	_ =	swait.ge [sflag:s23], $0x1  }
0xa3: {  	[sflag:s23] =	ssyncset.done $0x0  }
0xa4: {  	[sflag:s23] =	ssyncadd.s32 $0xFFFFFFFF  }
0xa5: {  	s5 =	sld [smem:$0x0]  }
0xa6: {  	s6 =	sand.u32 $0xFFFFFFFE, s1  }
0xa7: {  	p0 =	sne.s32 s1, s6  }
0xa8: {  	s6 =	sshll.u32 @p0 s6, $0xE  }
0xa9: {  	s6 =	sadd.s32 @p0 $0x11B8D, s6;
	s7 =	sshll.u32 @p0 s5, $0x11  }
0xaa: {  	s6 =	sor.u32 @p0 s7, s6  }
0xab: {  	[sflag:s6] =	ssyncadd.remote.s32 @p0 $0x1;
	_ =	sdelay $0x1  }
0xac: {  	s6 =	simm.s32 @p0 $0x1B8D  }
0xad: {  	_ =	swait.eq @p0 [sflag:s6], $0x1  }
0xae: {  	[sflag:s6] =	ssyncadd.s32 @p0 $0xFFFFFFFF  }
0xaf: {  	s7 =	sshll.u32 @!p0 s1, $0xE  }
0xb0: {  	s7 =	sor.u32 @!p0 $0x4000, s7;
	s6 =	simm.s32 @!p0 $0x1B8D  }
0xb1: {  	s5 =	sshll.u32 @!p0 s5, $0x11;
	s7 =	sadd.s32 @!p0 $0x11B8D, s7;
	_ =	swait.eq @!p0 [sflag:s6], $0x1  }
0xb2: {  	s5 =	sor.u32 @!p0 s5, s7;
	[sflag:s6] =	ssyncadd.s32 @!p0 $0xFFFFFFFF  }
0xb3: {  	s25 =	simm.s32 $0x1B8E;
	s24 =	sld [smem:$0x3FFE];
	[sflag:s5] =	ssyncadd.remote.s32 @!p0 $0x1  }
0xb4: {  	s26 =	simm.s32 $execute0_lowered;
	[smem:$0x3FD2] =	sst s25  }
0xb5: {  	s6 =	sshll.u32 s26, $0x1;
	_ =	strace $0x8000004F;
	[dreg:$0x1] =	wrdreg $0xFFFFFFFF  }
0xb6: {  	s28 =	simm.s32 $_size_execute0_lowered;
	s4 =	sadd.s32 s4, s6;
	[dreg:$0x0] =	wrdreg $0x0  }
0xb7: {  	s6 =	sshll.u32 s28, $0x1;
	[dreg:$0x2] =	wrdreg s4  }
0xb8: {  	[dreg:$0x3] =	wrdreg s6  }
0xb9: {  	[dreg:$0x4] =	wrdreg $0xC0  }
0xba: {  	_ =	task [dreg:s22], $0x5FFFF  }
0xbb: {  	[dreg:$0x1] =	wrdreg $0xFFFFFFFF  }
0xbc: {  	[dreg:$0x0] =	wrdreg $0x60  }
0xbd: {  	[dreg:$0x2] =	wrdreg s24  }
0xbe: {  	[dreg:$0x3] =	wrdreg s18  }
0xbf: {  	[dreg:$0x4] =	wrdreg $0xC  }
0xc0: {  	_ =	task.clear_ibuf [dreg:s22], $0x5FFFF;
	_ =	strace $0x9000004F  }
0xc1: {  	s29 =	simm.s32 $0xC;
	_ =	strace $0x80000051  }
0xc2: {  	_ =	swait.ge [sflag:s29], $0x1  }
0xc3: {  	[sflag:s29] =	ssyncadd.s32 $0xFFFFFFFF  }
0xc4: {  	_ =	strace $0x90000051  }
0xc5: {  	_ =	sfence  }
0xc6: {  	s30 =	sld [smem:$0x0];
	_ =	sdelay $0x2  }
0xc7: {  	s31 =	sshll.u32 s1, $0xD;
	s1 =	sshrl.u32 s1, $0x2  }
0xc8: {  	s4 =	sand.u32 $0x4000, s31;
	s1 =	sadd.s32 s1, s30  }
0xc9: {  	s0 =	sor.u32 s4, s0;
	s1 =	sshll.u32 s1, $0x11  }
0xca: {  	s0 =	sor.u32 s1, s0  }
0xcb: {  	s0 =	sadd.s32 $0x8F2B, s0  }
0xcc: {  	[sflag:s0] =	ssyncadd.remote.s32 $0x1  }
0xcd: {  	_ =	sfence.sel $0xFFFF  }
0xce: {  	[dreg:$0x0] =	wrdreg $0xFFFFFFFF;
	(pc) =	sbr.abs _section_cstart, $3  }
0xcf: {  	[dreg:$0x1] =	wrdreg $0xFFFFFFFF  }
0xd0: {  	_ =	task.clear_ibuf [dreg:s22], $0x2FFFF;
	_ =	strace $0x9FFFFFFF  }
0xd1: {  	(tm) =	ssettm $0x7FFFFFFF  }
tec
execute0_lowered:
.L_overlay_start_1:
0x0: {  	(tag) =	ssettag $0x1  }
0x1: {  	s4 =	rddreg [dreg:$0x0]  }
0x2: {  	s1 =	rddreg [dreg:$0x1]  }
0x3: {  	s0 =	rddreg [dreg:$0x2];
	s2 =	simm.s32 $0x0;
	s3 =	srdreg.scid  }
0x4: {  	s9 =	simm.s32 $0x4480;
	s10 =	simm.s32 $0x4600;
	s11 =	simm.s32 $0x0  }
.Ltmp0:
0x5: {  	[smem:$0x7FF] =	sst s2;
	s5 =	sand.u32 $0x1, s3;
	(pc) =	sbr.rel .LBB2_1-.Ltmp0, $4  }
0x6: {  	s3 =	stileid.u32;
	s4 =	sadd.s32 $0x6DE00, s4;
	s6 =	ssub.s32 $0x2, s5  }
0x7: {  	s8 =	sshll.u32 s3, $0x6;
	s5 =	sshll.u32 s5, $0x5;
	s7 =	sshrl.u32 s6, $0x1  }
0x8: {  	v0 =	vlaneseq.u32;
	vm0 =	vmmov $0x1;
	_ =	strace $0x80000050;
	s5 =	sor.u32 s5, s8;
	s6 =	ssub.s32 s6, s7  }
0x9: {  	v1 =	vor.u32 $0x10, v0;
	v2 =	vor.u32 $0x20, v0;
	v3 =	vor.u32 $0x30, v0;
	s8 =	simm.s32 $0x4000;
	s7 =	simm.s32 $0x1;
	s6 =	smax.u32 s6, $0x1  }
.LBB2_12:
0xa: {  	s11 =	sadd.s32 $0x1, s11  }
0xb: {  	p0 =	sne.s32 s11, s6  }
.Ltmp1:
0xc: {  	_ = 	snop;
	(pc) =	sbr.rel @!p0 .LBB2_13-.Ltmp1, $1  }
0xd: {  	_ =	sdelay $0x3  }
.LBB2_1:
.Ltmp2:
0xe: {  	(pc) =	sbr.rel .LBB2_2-.Ltmp2, $2  }
0xf: {  	_ =	sdelay $0x2  }
0x10: {  	p1 =	por $0x1, $0x1;
	s12 =	simm.s32 $0x0  }
.LBB2_11:
0x11: {  	s12 =	sshll.u32 s12, $0x4  }
.Ltmp3:
0x12: {  	s12 =	sadd.s32 s1, s12;
	(pc) =	sbr.rel @!p0 .LBB2_12-.Ltmp3, $4  }
0x13: {  	[hbm4b:s12+s2] =	stream.linear.scatter [tilespmem:s10], [sflag:$0x1], $0x800, $0x38;
	[tilespmem:$0x4E00] =	vst v63  }
0x14: {  	_ =	swait.ge [sflag:s7], $0x800  }
0x15: {  	[sflag:s7] =	ssyncset.done $0x0  }
0x16: {  	p1 =	por $0x0, $0x0;
	s12 =	simm.s32 $0x10;
	[sflag:s7] =	ssyncadd.s32 $0xFFFFF800  }
.LBB2_2:
0x17: {  	s12 =	sor.u32 s5, s12  }
0x18: {  	s13 =	sshll.u32 s12, $0x7  }
.Ltmp4:
0x19: {  	s14 =	sadd.s32 s4, s13;
	s13 =	simm.s32 $0x0;
	(pc) =	sbr.rel .LBB2_3-.Ltmp4, $4  }
0x1a: {  	[tilespmem:s13], [sflag:$0x1] =	stream.linear.gather [hbm4b:s14+s13], $0x4000, $0x38;
	[tilespmem:$0x4E00] =	vst v63  }
0x1b: {  	_ =	swait.ge [sflag:s7], $0x4000  }
0x1c: {  	[sflag:s7] =	ssyncset.done $0x0  }
0x1d: {  	p0 =	por p1, p1;
	s14 =	simm.s32 $0x0;
	[sflag:s7] =	ssyncadd.s32 $0xFFFFC000  }
.LBB2_6:
0x1e: {  	s15 =	simm.s32 $0x0;
	v5 =	vld [tilespmem:$0x4480];
	s16 =	simm.s32 $0x0  }
.LBB2_10:
0x1f: {  	v6 =	vor.u32 v0, v4;
	_ =	sdelay $0x1  }
0x20: {  	v7 =	vmov s15  }
0x21: {  	vm1 =	vgt.s32 v7, v0  }
0x22: {  	v5 =	vnsel vm1, s16, v5  }
0x23: {  	[tilespmem:v6+s10+$0x0] =	vst.idx.msk $0xffff, v5  }
0x24: {  	v5 =	vld [tilespmem:$0x4490]  }
0x25: {  	v62 =	vor.u32 v1, v4;
	_ =	sdelay $0x2  }
0x26: {  	vm1 =	vgt.s32 v7, v1  }
0x27: {  	v5 =	vnsel vm1, s16, v5  }
0x28: {  	[tilespmem:v62+s10+$0x0] =	vst.idx.msk $0xffff, v5  }
0x29: {  	v5 =	vld [tilespmem:$0x44A0]  }
0x2a: {  	v63 =	vor.u32 v2, v4;
	_ =	sdelay $0x2  }
0x2b: {  	vm1 =	vgt.s32 v7, v2  }
0x2c: {  	v5 =	vnsel vm1, s16, v5  }
0x2d: {  	[tilespmem:v63+s10+$0x0] =	vst.idx.msk $0xffff, v5  }
0x2e: {  	s14 =	sadd.s32 $0x1, s14;
	v5 =	vld [tilespmem:$0x44B0]  }
0x2f: {  	v4 =	vor.u32 v3, v4;
	p1 =	sne.s32 s14, $0x10  }
.Ltmp5:
0x30: {  	_ = 	snop;
	(pc) =	sbr.rel @!p1 .LBB2_11-.Ltmp5, $4  }
0x31: {  	_ = 	snop  }
0x32: {  	vm1 =	vgt.s32 v7, v3  }
0x33: {  	v5 =	vnsel vm1, s16, v5  }
0x34: {  	[tilespmem:v4+s10+$0x0] =	vst.idx.msk $0xffff, v5  }
.LBB2_3:
0x35: {  	v4 =	vmov s14  }
0x36: {  	v6 =	vmov s13;
	v7 =	vor.u32 s13, v0;
	v5 =	vshll.u32 v4, $0xA  }
0x37: {  	v4 =	vshll.u32 v4, $0x7;
	v6 =	vshll.u32 v6, $0x3;
	v9 =	vand.u32 $0x7F, v7  }
0x38: {  	v5 =	vand.u32 $0x2000, v5;
	v8 =	vand.u32 $0x380, v4;
	v6 =	vand.u32 $0x1C00, v6  }
0x39: {  	v5 =	vor.u32 v5, v8;
	v6 =	vor.u32 v9, v6  }
0x3a: {  	v6 =	vor.u32 v5, v6;
	_ =	sdelay $0x4  }
0x3b: {  	s15 =	simm.s32 $0x10;
	v9 =	vld.idx.msk [tilespmem:v6+s2+$0x0], $0xffff  }
0x3c: {  	v8 =	vmov s15  }
0x3d: {  	v8 =	vshll.u32 v8, $0x3;
	v6 =	vor.u32 s15, v0  }
0x3e: {  	v8 =	vand.u32 $0x1C00, v8;
	v10 =	vand.u32 $0x7F, v6  }
0x3f: {  	v8 =	vor.u32 v10, v8  }
0x40: {  	v8 =	vor.u32 v5, v8;
	vm1 =	vne.s32 v9, $0x0  }
0x41: {  	v9 =	vmpcnt.ones.xlane vm1;
	_ =	sdelay $0x1  }
0x42: {  	[tilespmem:s13+$0x4000] =	vst.msk vm1, v7;
	v7 =	vxor.u32 $0x80000000, v9  }
0x43: {  	(xrf0) =	vmax.scan.msk.u32 $0xffff, v7  }
0x44: {  	v8 =	vld.idx.msk [tilespmem:v8+s2+$0x0], $0xffff;
	_ =	sdelay $0x4  }
0x45: {  	vm1 =	vne.s32 v8, $0x0;
	v8, _, _ =	vpop (xrf0)  }
0x46: {  	(v2sf) =	vpush v8, $0xF;
	_ =	sdelay $0x7  }
0x47: {  	v7 =	vmpcnt.ones.xlane vm1  }
0x48: {  	s16 =	simm.s32 $0x20  }
0x49: {  	s17 =	simm.s32 $0x30;
	s15 =	simm.s32 $0x0;
	v8 =	vmov s16;
	v7 =	vxor.u32 $0x80000000, v7  }
.LBB2_4:
0x4a: {  	p1 =	sne.s32 s17, $0x3F0;
	v9 =	vor.u32 s16, v0;
	v8 =	vshll.u32 v8, $0x3;
	(xrf0) =	vmax.scan.msk.u32 $0xffff, v7;
	s16 =	smov.u32 s17  }
0x4b: {  	v7 =	vand.u32 $0x7F, v9;
	v8 =	vand.u32 $0x1C00, v8  }
0x4c: {  	v7 =	vor.u32 v7, v8  }
0x4d: {  	v7 =	vor.u32 v5, v7  }
0x4e: {  	s18 =	spop (v2sf)  }
0x4f: {  	s15 =	sadd.s32 s18, s15  }
0x50: {  	v8, _, _ =	vpop (xrf0);
	s15 =	sadd.s32 $0x80000000, s15  }
0x51: {  	[tilespmem:s15+$0x4000] =	vst.msk vm1, v6;
	(v2sf) =	vpush v8, $0xF;
	v6 =	vmov v9  }
0x52: {  	v7 =	vld.idx.msk [tilespmem:v7+s2+$0x0], $0xffff;
	_ =	sdelay $0x4  }
.Ltmp6:
0x53: {  	(pc) =	sbr.rel @p1 .LBB2_4-.Ltmp6, $3  }
0x54: {  	vm1 =	vne.s32 v7, $0x0  }
0x55: {  	v7 =	vmpcnt.ones.xlane vm1;
	_ =	sdelay $0x1  }
0x56: {  	s17 =	sadd.s32 $0x10, s17;
	v8 =	vmov s16;
	v7 =	vxor.u32 $0x80000000, v7  }
0x57: {  	v9 =	vor.u32 s16, v0;
	v8 =	vshll.u32 v8, $0x3  }
0x58: {  	v10 =	vand.u32 $0x7F, v9;
	v8 =	vand.u32 $0x1C00, v8  }
0x59: {  	v8 =	vor.u32 v10, v8  }
0x5a: {  	v8 =	vor.u32 v5, v8  }
0x5b: {  	s29 =	spop (v2sf)  }
0x5c: {  	s15 =	sadd.s32 s29, s15  }
0x5d: {  	s15 =	sadd.s32 $0x80000000, s15  }
0x5e: {  	[tilespmem:s15+$0x4000] =	vst.msk vm1, v6  }
0x5f: {  	v6 =	vld.idx.msk [tilespmem:v8+s2+$0x0], $0xffff;
	_ =	sdelay $0x4  }
0x60: {  	vm1 =	vne.s32 v6, $0x0  }
0x61: {  	v6 =	vmpcnt.ones.xlane vm1  }
0x62: {  	(xrf0) =	vmax.scan.msk.u32 $0xffff, v7  }
0x63: {  	v6 =	vxor.u32 $0x80000000, v6  }
0x64: {  	(xrf0) =	vmax.scan.msk.u32 $0xffff, v6;
	_ =	sdelay $0x3  }
0x65: {  	v6, _, _ =	vpop (xrf0)  }
0x66: {  	(v2sf) =	vpush v6, $0xF  }
0x67: {  	v6, _, _ =	vpop (xrf0)  }
0x68: {  	(v2sf) =	vpush v6, $0xF;
	_ =	sdelay $0xc  }
0x69: {  	s30 =	spop (v2sf)  }
0x6a: {  	s15 =	sadd.s32 s30, s15  }
0x6b: {  	s15 =	sadd.s32 $0x80000000, s15;
	s31 =	spop (v2sf)  }
0x6c: {  	s16 =	sadd.s32 s31, s15  }
0x6d: {  	s16 =	sadd.s32 $0x80000000, s16  }
0x6e: {  	p1 =	sgt.s32 s16, $0x0  }
.Ltmp7:
0x6f: {  	_ = 	snop;
	(pc) =	sbr.rel @!p1 .LBB2_6-.Ltmp7, $2  }
0x70: {  	_ =	sdelay $0x2  }
0x71: {  	[tilespmem:s15+$0x4000] =	vst.msk vm1, v9  }
0x72: {  	p1 =	slt.s32 s16, $0x60  }
0x73: {  	s16 =	simm.s32 @!p1 $0x60  }
0x74: {  	s15 =	simm.s32 $0x0;
	s17 =	simm.s32 $0x0;
	v6 =	vmov s16  }
.LBB2_8:
0x75: {  	v7 =	vor.u32 s17, v0;
	_ =	sdelay $0x4  }
0x76: {  	v8 =	vld.idx.msk [tilespmem:v7+s8+$0x0], $0xffff;
	_ =	sdelay $0x3  }
0x77: {  	vm1 =	vlt.s32 v7, v6  }
0x78: {  	v7 =	vnsel vm1, $0x0, v8  }
0x79: {  	v8 =	vshll.u32 v7, $0x3  }
0x7a: {  	v8 =	vand.u32 $0xFFFFFC00, v8  }
0x7b: {  	v9 =	vand.u32 $0x7F, v7;
	v8 =	vadd.s32 v5, v8  }
0x7c: {  	v8 =	vor.u32 v9, v8;
	_ =	sdelay $0x4  }
0x7d: {  	v8 =	vld.idx.msk [tilespmem:v8+s2+$0x0], $0xffff;
	_ =	sdelay $0x4  }
0x7e: {  	v8 =	vnsel vm1, $0x0, v8  }
0x7f: {  	v43 =	vshra.s32 v8, $0x1  }
0x80: {  	v10 =	vand.u32 $0x5555, v43  }
0x81: {  	v10 =	vsub.s32 v8, v10  }
0x82: {  	v11 =	vshrl.u32 v10, $0x2  }
0x83: {  	v10 =	vand.u32 $0x3333, v10;
	v11 =	vand.u32 $0x3333, v11  }
0x84: {  	v10 =	vadd.s32 v10, v11  }
0x85: {  	v11 =	vshrl.u32 v10, $0x4  }
0x86: {  	v10 =	vadd.s32 v10, v11  }
0x87: {  	v10 =	vand.u32 $0xF0F, v10  }
0x88: {  	v44 =	vshrl.u32 v10, $0x8  }
0x89: {  	v10 =	vadd.s32 v10, v44  }
0x8a: {  	v10 =	vand.u32 $0x1F, v10  }
0x8b: {  	(xrf0) =	vadd.scan.msk.s32 $0xffff, v10;
	_ =	sdelay $0x5  }
0x8c: {  	v45, _, _ =	vpop (xrf0)  }
0x8d: {  	v11 =	vxor.u32 $0x80000000, v45  }
0x8e: {  	(xrf0) =	vmax.scan.msk.u32 $0xffff, v11  }
0x8f: {  	v7 =	vshll.u32 v7, $0x4  }
0x90: {  	v13 =	vor.u32 $0x1, v7;
	v47 =	vor.u32 $0x2, v7;
	v16 =	vor.u32 $0x3, v7  }
0x91: {  	v18 =	vor.u32 $0x4, v7;
	v20 =	vor.u32 $0x5, v7;
	v49 =	vor.u32 $0x6, v7  }
0x92: {  	v24 =	vor.u32 $0x7, v7;
	v50 =	vor.u32 $0x8, v7;
	v54 =	vor.u32 $0x9, v7  }
0x93: {  	v12 =	vand.u32 $0x1, v8;
	v14 =	vshrl.u32 v8, $0x2;
	v15 =	vshrl.u32 v8, $0x3  }
0x94: {  	v17 =	vshrl.u32 v8, $0x4;
	v19 =	vshrl.u32 v8, $0x5;
	v22 =	vshrl.u32 v8, $0x6;
	v21, _, _ =	vpop (xrf0)  }
0x95: {  	v23 =	vshrl.u32 v8, $0x7;
	v25 =	vshrl.u32 v8, $0x8;
	(v2sf) =	vpush v21, $0xF  }
0x96: {  	v26 =	vshrl.u32 v8, $0x9;
	v53 =	vshrl.u32 v8, $0xA;
	v57 =	vshrl.u32 v8, $0xB  }
0x97: {  	v58 =	vshrl.u32 v8, $0xC;
	v59 =	vshrl.u32 v8, $0xD;
	v60 =	vshrl.u32 v8, $0xE  }
0x98: {  	vm1 =	veq.s32 v12, $0x1;
	v9 =	vand.u32 $0x1, v43;
	v10 =	vsub.s32 s15, v10  }
0x99: {  	v46 =	vand.u32 $0x1, v14;
	vm2 =	veq.s32 v9, $0x1;
	v10 =	vadd.s32 v45, v10  }
0x9a: {  	v15 =	vand.u32 $0x1, v15;
	vm3 =	veq.s32 v46, $0x1;
	v12 =	vadd.s32 v12, v10  }
0x9b: {  	v17 =	vand.u32 $0x1, v17;
	vm4 =	veq.s32 v15, $0x1;
	v9 =	vadd.s32 v9, v12  }
0x9c: {  	v19 =	vand.u32 $0x1, v19;
	vm5 =	veq.s32 v17, $0x1;
	v11 =	vadd.s32 v46, v9  }
0x9d: {  	v48 =	vand.u32 $0x1, v22;
	vm6 =	veq.s32 v19, $0x1;
	v15 =	vadd.s32 v15, v11  }
0x9e: {  	v23 =	vand.u32 $0x1, v23;
	vm7 =	veq.s32 v48, $0x1;
	v17 =	vadd.s32 v17, v15;
	[tilespmem:v10+s9+$0x0] =	vst.idx.msk vm1, v7  }
0x9f: {  	v25 =	vand.u32 $0x1, v25;
	vm8 =	veq.s32 v23, $0x1;
	v19 =	vadd.s32 v19, v17;
	[tilespmem:v12+s9+$0x0] =	vst.idx.msk vm2, v13  }
0xa0: {  	v52 =	vand.u32 $0x1, v26;
	vm1 =	veq.s32 v25, $0x1;
	[tilespmem:v9+s9+$0x0] =	vst.idx.msk vm3, v47;
	v21 =	vadd.s32 v48, v19  }
0xa1: {  	v55 =	vand.u32 $0x1, v53;
	vm2 =	veq.s32 v52, $0x1;
	[tilespmem:v11+s9+$0x0] =	vst.idx.msk vm4, v16;
	v23 =	vadd.s32 v23, v21  }
0xa2: {  	v13 =	vand.u32 $0x1, v57;
	vm3 =	veq.s32 v55, $0x1;
	[tilespmem:v15+s9+$0x0] =	vst.idx.msk vm5, v18;
	v51 =	vadd.s32 v25, v23  }
0xa3: {  	vm13 =	veq.s32 v13, $0x1;
	v15 =	vand.u32 $0x1, v58;
	[tilespmem:v17+s9+$0x0] =	vst.idx.msk vm6, v20;
	v56 =	vadd.s32 v52, v51  }
0xa4: {  	v16 =	vand.u32 $0x1, v59;
	vm14 =	veq.s32 v15, $0x1;
	[tilespmem:v19+s9+$0x0] =	vst.idx.msk vm7, v49;
	v14 =	vadd.s32 v55, v56;
	s18 =	spop (v2sf)  }
0xa5: {  	s17 =	sadd.s32 $0x10, s17;
	vm15 =	veq.s32 v16, $0x1;
	v17 =	vand.u32 $0x1, v60;
	[tilespmem:v21+s9+$0x0] =	vst.idx.msk vm8, v24;
	v13 =	vadd.s32 v13, v14;
	s31 =	sadd.s32 s18, s15  }
0xa6: {  	p1 =	sge.s32 s17, s16;
	v8 =	vand.u32 $0x8000, v8;
	[tilespmem:v23+s9+$0x0] =	vst.idx.msk vm1, v50;
	v61 =	vadd.s32 v15, v13;
	vm1 =	veq.s32 v17, $0x1;
	s15 =	sadd.s32 $0x80000000, s31  }
0xa7: {  	[tilespmem:v51+s9+$0x0] =	vst.idx.msk vm2, v54;
	vm2 =	vne.s32 v8, $0x0;
	v8 =	vor.u32 $0xA, v7;
	v62 =	vadd.s32 v16, v61;
	p2 =	slt.s32 @!p1 s15, $0x40  }
0xa8: {  	[tilespmem:v56+s9+$0x0] =	vst.idx.msk vm3, v8;
	v8 =	vor.u32 $0xB, v7;
	v63 =	vadd.s32 v17, v62;
	p1 =	por p1, !p2  }
.Ltmp8:
0xa9: {  	[tilespmem:v14+s9+$0x0] =	vst.idx.msk vm13, v8;
	v8 =	vor.u32 $0xC, v7;
	(pc) =	sbr.rel @!p1 .LBB2_8-.Ltmp8, $4  }
0xaa: {  	[tilespmem:v13+s9+$0x0] =	vst.idx.msk vm14, v8;
	v8 =	vor.u32 $0xD, v7  }
0xab: {  	[tilespmem:v61+s9+$0x0] =	vst.idx.msk vm15, v8;
	v8 =	vor.u32 $0xE, v7  }
0xac: {  	v7 =	vor.u32 $0xF, v7;
	[tilespmem:v62+s9+$0x0] =	vst.idx.msk vm1, v8  }
0xad: {  	[tilespmem:v63+s9+$0x0] =	vst.idx.msk vm2, v7  }
0xae: {  	v5 =	vld [tilespmem:$0x4480];
	_ =	sdelay $0x4  }
0xaf: {  	v6 =	vnsel vm0, $0x0, v5  }
0xb0: {  	(xrf0) =	vadd.scan.msk.s32 $0xffff, v6;
	_ =	sdelay $0x5  }
0xb1: {  	v6, _, _ =	vpop (xrf0)  }
0xb2: {  	(v2sf) =	vpush v6, $0xF;
	_ =	sdelay $0xb  }
.Ltmp9:
0xb3: {  	_ = 	snop;
	(pc) =	sbr.rel .LBB2_10-.Ltmp9, $3  }
0xb4: {  	_ =	sdelay $0x1  }
0xb5: {  	p1 =	sgt.s32 s15, $0x0;
	s16 =	spop (v2sf)  }
0xb6: {  	s16 =	simm.s32 @!p1 $0x0  }
.LBB2_13:
0xb7: {  	_ =	sfence.sel $0x180000  }
0xb8: {  	[bflag:$0x0] =	sbarrier.arrive $0xFFFF  }
0xb9: {  	p0 =	sne.s32 s3, $0x0;
	_ =	strace $0x90000050  }
0xba: {  	s0 =	sadd.s32 @!p0 $0x100000, s0;
	[bflag:$0x2] =	sbarrier.arrive $0xFFFF  }
0xbb: {  	[sflag:s0] =	ssyncadd.tile.s32 @!p0 $0x1;
	_ =	shalt  }
.Lfunc_end2:
_tile_overlayer_lowered:
.L_overlay_start_2:
0xbc: {  	(tag) =	ssettag $0x2  }
0xbd: {  	s0 =	rddreg [dreg:$0x0];
	s2 =	stileid.u32  }
0xbe: {  	s1 =	rddreg [dreg:$0x1];
	p0 =	sne.s32 s2, $0x0  }
0xbf: {  	s3 =	rddreg [dreg:$0x2];
	[bflag:$0x3] =	sbarrier.arrive $0xFFFF;
	s2 =	simm.s32 @!p0 $0x1C01  }
0xc0: {  	[timem:s3], [sflag:s2] =	dma.local @!p0 [hbm:s0], s1  }
0xc1: {  	s0 =	simm.s32 @!p0 $0x1  }
0xc2: {  	_ =	swait.ge @!p0 [sflag:s0], s1  }
0xc3: {  	s1 =	ssub.s32 @!p0 $0x0, s1;
	[sflag:s0] =	ssyncset.done @!p0 $0x0  }
0xc4: {  	[sflag:s0] =	ssyncadd.s32 @!p0 s1  }
0xc5: {  	[bflag:$0x3] =	sbarrier.arrive $0xFFFF  }
0xc6: {  	_ =	shalt  }

</sc_bundles>
